<compile_context>
chip_gen: v7x
topology: tpu7x:2x2x1
jax: 0.10.2.dev20260603
libtpu: 0.0.44.dev20260713+nightly
codegen_flags: <defaults>
</compile_context>

<pallas_src>
import functools

import jax
import jax.numpy as jnp
from jax import lax
from jax.experimental import pallas as pl
from jax.experimental.pallas import tpu as pltpu
from jax.experimental.pallas import tpu_sc as plsc

N = 16384
C = 64
K = 8
NC = 2
NS = 16
NW = NC * NS
PPW = N // NW
CHP = 16
PCH = CHP * K
NCHUNK = PPW // CHP
NSUPER = NCHUNK // 2


def _sqrt16(x):
    xs = jnp.maximum(x, jnp.float32(1e-12))
    i = plsc.bitcast(xs, jnp.int32)
    i = jnp.int32(0x5F3759DF) - lax.shift_right_logical(i, 1)
    y = plsc.bitcast(i, jnp.float32)
    for _ in range(2):
        y = y * (jnp.float32(1.5) - jnp.float32(0.5) * xs * y * y)
    return x * y


def _sc_body(mask_hbm, nn_hbm, out_hbm, part_hbm,
             idx_v, cen_v, rows_a, rows_b, pq_a, pq_b, pq_c, pq_d, out_v,
             part_v, sem_a, sem_b):
    cid = lax.axis_index("c")
    sid = lax.axis_index("s")
    wid = sid * NC + cid
    pbase = wid * PPW
    lane = lax.iota(jnp.int32, 16)
    mask2 = mask_hbm.at[0]

    pltpu.sync_copy(nn_hbm.at[pl.ds(wid * NCHUNK, NCHUNK)], idx_v)
    pltpu.sync_copy(mask2.at[pl.ds(pbase, PPW)], cen_v)

    def start_gather(chunk, rows_v, sem):
        src = mask2.at[idx_v.at[chunk]]
        pltpu.async_copy(src, rows_v, sem)

    def wait_gather(rows_v, sem):
        src = mask2.at[idx_v.at[0]]
        pltpu.make_async_copy(src, rows_v, sem).wait()

    def compute_chunk(chunk, rows_v, lacc):
        cpt = chunk * CHP
        cpr = chunk * PCH

        def group16(g, pq, lacc):
            p0 = cpt + g * 2
            jloc = g * 16
            accs = [None] * 16
            for q in range(4):
                cen2 = [cen_v[p0 + pp, pl.ds(16 * q, 16)] for pp in range(2)]
                for j16 in range(16):
                    d = cen2[j16 // K] - rows_v[jloc + j16, pl.ds(16 * q, 16)]
                    sq = d * d
                    accs[j16] = sq if accs[j16] is None else accs[j16] + sq
            acc = jnp.zeros((16,), jnp.float32)
            for j16 in range(16):
                acc = jnp.where(lane == j16, jnp.sum(accs[j16]), acc)
            r = _sqrt16(acc)
            out_v[chunk, pl.ds(g * 16, 16)] = r
            return lacc + r

        def h_body(h, lacc):
            lacc = group16(2 * h, pq_a, lacc)
            lacc = group16(2 * h + 1, pq_b, lacc)
            return lacc

        return lax.fori_loop(0, PCH // 32, h_body, lacc)

    start_gather(0, rows_a, sem_a)
    start_gather(1, rows_b, sem_b)

    def super_body(s, lacc):
        wait_gather(rows_a, sem_a)
        lacc = compute_chunk(2 * s, rows_a, lacc)

        @pl.when(s != NSUPER - 1)
        def _():
            start_gather(2 * s + 2, rows_a, sem_a)

        wait_gather(rows_b, sem_b)
        lacc = compute_chunk(2 * s + 1, rows_b, lacc)

        @pl.when(s != NSUPER - 1)
        def _():
            start_gather(2 * s + 3, rows_b, sem_b)

        return lacc

    lacc = lax.fori_loop(0, NSUPER, super_body, jnp.zeros((16,), jnp.float32))
    part_v[0] = lacc
    pltpu.sync_copy(out_v, out_hbm.at[pl.ds(wid * NCHUNK, NCHUNK)])
    pltpu.sync_copy(part_v, part_hbm.at[pl.ds(wid, 1)])


_sc_kernel = functools.partial(
    pl.kernel,
    mesh=plsc.VectorSubcoreMesh(core_axis_name="c", subcore_axis_name="s"),
    compiler_params=pltpu.CompilerParams(
        needs_layout_passes=False, use_tc_tiling_on_sc=False
    ),
    out_type=[
        jax.ShapeDtypeStruct((N * K // PCH, PCH), jnp.float32),
        jax.ShapeDtypeStruct((NW, 16), jnp.float32),
    ],
    scratch_types=[
        pltpu.VMEM((NCHUNK, PCH), jnp.int32),
        pltpu.VMEM((PPW, C), jnp.float32),
        pltpu.VMEM((PCH, C), jnp.float32),
        pltpu.VMEM((PCH, C), jnp.float32),
        pltpu.VMEM((16, 16), jnp.float32),
        pltpu.VMEM((16, 16), jnp.float32),
        pltpu.VMEM((16, 16), jnp.float32),
        pltpu.VMEM((16, 16), jnp.float32),
        pltpu.VMEM((NCHUNK, PCH), jnp.float32),
        pltpu.VMEM((1, 16), jnp.float32),
        pltpu.SemaphoreType.DMA,
        pltpu.SemaphoreType.DMA,
    ],
)(_sc_body)


def kernel(mask, nn_ind):
    per2d, parts = _sc_kernel(mask, nn_ind.reshape(N * K // PCH, PCH))
    loss = jnp.sum(parts) * jnp.float32(1.0 / (N * K))
    return loss, per2d.reshape(1, N, K)

# --- scband reference (transcript-rebuilt; emitter-appended) ---
"""Pipeline reference for scband-instance-smoothness-loss-42820823941427 (READ-ONLY COPY).

The authoritative reference and input builder live on the scoring server;
editing this copy changes nothing except your own understanding.
"""

import jax, jax.numpy as jnp
import numpy as np

N = 16384
C = 64
K = 8
MAX_RADIUS = 1.0
LOSS_NORM = 2  # global `loss_norm` in original code; assume L2


def _knn(pts, k, chunk=2048):
    # returns squared distances and indices of k nearest neighbors (self included)
    n = pts.shape[0]
    sq = jnp.sum(pts * pts, axis=1)
    dists, idxs = [], []
    for s in range(0, n, chunk):
        q = pts[s:s + chunk]
        d = jnp.sum(q * q, axis=1)[:, None] + sq[None, :] - 2.0 * (q @ pts.T)
        nd, ni = jax.lax.top_k(-d, k)
        dists.append(-nd)
        idxs.append(ni)
    return jnp.concatenate(dists, axis=0), jnp.concatenate(idxs, axis=0)


def setup_inputs(seed: int = 0) -> dict:
    key = jax.random.key(seed)
    k1, k2 = jax.random.split(key)
    # constructor arg: pc [1, N, 3]
    pc = jax.random.uniform(k1, (1, N, 3), dtype=jnp.float32) * 2.0
    pts = pc[0]
    # estimate_pointcloud_normals(pc, 8): PCA smallest eigenvector of 8-NN neighborhoods
    _, nbr = _knn(pts, 8)
    nbr_pts = pts[nbr]                                  # [N, 8, 3]
    cen = nbr_pts - nbr_pts.mean(axis=1, keepdims=True)
    cov = jnp.einsum('nkc,nkd->ncd', cen, cen) / 8.0
    _, v = jnp.linalg.eigh(cov)
    normals = v[:, :, 0]                                # smallest-eigval eigvec
    # concat xyz + normals -> 6-dim points, knn_points(pc6, pc6, K=K)
    pts6 = jnp.concatenate([pts, normals], axis=1)
    dist, nn_ind = _knn(pts6, K)                        # squared dists (pytorch3d convention)
    # replace out-of-radius neighbors with self index (nn_ind[:, :, 0])
    self_idx = nn_ind[:, 0:1]
    nn_ind = jnp.where(dist > MAX_RADIUS, jnp.broadcast_to(self_idx, (N, K)), nn_ind)
    mask = jax.random.normal(k2, (1, N, C), dtype=jnp.float32)
    return {"mask": mask, "nn_ind": nn_ind[None].astype(jnp.int32)}


def reference(mask, nn_ind):
    out = mask[0][nn_ind[0]]                # [N, K, C]
    out = jnp.transpose(out, (0, 2, 1))     # [N, C, K]
    out = out[None]                         # [1, N, C, K]
    diff = mask[:, :, :, None] - out        # [1, N, C, K]
    per_point_smooth_loss = jnp.sqrt(jnp.sum(diff * diff, axis=2))  # norm p=2 over C
    smooth_loss = per_point_smooth_loss.mean()
    return (smooth_loss, per_point_smooth_loss)

if __name__ == "__main__":
    import jax
    _d = setup_inputs()
    print(jax.jit(kernel)(*tuple(_d.values())))

</pallas_src>

<mosaic_0001>
#map = affine_map<(d0, d1) -> (0, 0, 0)>
#map1 = affine_map<(d0, d1) -> (0, 0)>
module attributes {stable_mosaic.version = 14 : i64} {
  func.func @_sc_body(%arg0: i32, %arg1: i32, %arg2: memref<1x16384x64xf32, #tpu.memory_space<hbm>>, %arg3: memref<1024x128xi32, #tpu.memory_space<hbm>>, %arg4: memref<1024x128xf32, #tpu.memory_space<hbm>>, %arg5: memref<32x16xf32, #tpu.memory_space<hbm>>, %arg6: memref<32x128xi32, #tpu.memory_space<vmem>>, %arg7: memref<512x64xf32, #tpu.memory_space<vmem>>, %arg8: memref<128x64xf32, #tpu.memory_space<vmem>>, %arg9: memref<128x64xf32, #tpu.memory_space<vmem>>, %arg10: memref<16x16xf32, #tpu.memory_space<vmem>>, %arg11: memref<16x16xf32, #tpu.memory_space<vmem>>, %arg12: memref<16x16xf32, #tpu.memory_space<vmem>>, %arg13: memref<16x16xf32, #tpu.memory_space<vmem>>, %arg14: memref<32x128xf32, #tpu.memory_space<vmem>>, %arg15: memref<1x16xf32, #tpu.memory_space<vmem>>, %arg16: memref<!tpu.dma_semaphore, #tpu.memory_space<semaphore_mem>>, %arg17: memref<!tpu.dma_semaphore, #tpu.memory_space<semaphore_mem>>) attributes {dimension_semantics = [#tpu.dimension_semantics<core_parallel>, #tpu.dimension_semantics<subcore_parallel>], iteration_bounds = array<i64: 2, 16>, scalar_prefetch = 0 : i64, scratch_operands = 12 : i64, tpu.core_type = #tpu.core_type<sc_vector_subcore>, window_params = [{transform_indices = #map}, {transform_indices = #map1}, {transform_indices = #map1}, {transform_indices = #map1}]} {
    %mul3A = arith.constant 2 : i32
    %mul3A_0 = arith.muli %arg1, %mul3A : i32
    %add3A = arith.addi %mul3A_0, %arg0 : i32
    %mul3A_1 = arith.constant 512 : i32
    %mul3A_2 = arith.muli %add3A, %mul3A_1 : i32
    %iota3A = tpu.iota {dimensions = array<i32: 0>} : vector<16xi32>
    %mul3A_3 = arith.constant 32 : i32
    %mul3A_4 = arith.muli %add3A, %mul3A_3 : i32
    "tpu.region"() ({
      %run_scoped3A_40 = tpu.sem_alloc : memref<!tpu.dma_semaphore, #tpu.memory_space<semaphore_mem>>
      %dma_start3A_41 = arith.constant 0 : i32
      %dma_start3A_42 = tpu.memref_slice %arg3[%mul3A_4, %dma_start3A_41] : memref<1024x128xi32, #tpu.memory_space<hbm>> -> memref<32x128xi32, #tpu.memory_space<hbm>>
      %dma_start3A_43 = arith.constant 0 : i32
      %dma_start3A_44 = tpu.memref_slice %arg3[%mul3A_4, %dma_start3A_43] : memref<1024x128xi32, #tpu.memory_space<hbm>> -> memref<32x128xi32, #tpu.memory_space<hbm>>
      tpu.enqueue_dma source(%dma_start3A_44 : memref<32x128xi32, #tpu.memory_space<hbm>>) target(%arg6 : memref<32x128xi32, #tpu.memory_space<vmem>>) target_semaphore(%run_scoped3A_40 : memref<!tpu.dma_semaphore, #tpu.memory_space<semaphore_mem>>)
      %dma_wait3A = arith.constant 0 : i32
      %dma_wait3A_45 = tpu.memref_slice %arg3[%mul3A_4, %dma_wait3A] : memref<1024x128xi32, #tpu.memory_space<hbm>> -> memref<32x128xi32, #tpu.memory_space<hbm>>
      %dma_wait3A_46 = arith.constant 0 : i32
      %dma_wait3A_47 = tpu.memref_slice %arg3[%mul3A_4, %dma_wait3A_46] : memref<1024x128xi32, #tpu.memory_space<hbm>> -> memref<32x128xi32, #tpu.memory_space<hbm>>
      tpu.wait_dma2 semaphore(%run_scoped3A_40 : memref<!tpu.dma_semaphore, #tpu.memory_space<semaphore_mem>>) src(%dma_wait3A_47 : memref<32x128xi32, #tpu.memory_space<hbm>>) dst(%arg6 : memref<32x128xi32, #tpu.memory_space<vmem>>)
      tpu.yield
    }) : () -> ()
    %run_scoped3A = arith.constant 0 : i32
    "tpu.region"() ({
      %run_scoped3A_40 = tpu.sem_alloc : memref<!tpu.dma_semaphore, #tpu.memory_space<semaphore_mem>>
      %dma_start3A_41 = arith.constant 0 : i32
      %dma_start3A_42 = arith.constant 0 : i32
      %dma_start3A_43 = tpu.memref_slice %arg2[%run_scoped3A, %dma_start3A_41, %dma_start3A_42] : memref<1x16384x64xf32, #tpu.memory_space<hbm>> -> memref<1x16384x64xf32, #tpu.memory_space<hbm>>
      %dma_start3A_44 = tpu.memref_squeeze %dma_start3A_43 : memref<1x16384x64xf32, #tpu.memory_space<hbm>> -> memref<16384x64xf32, #tpu.memory_space<hbm>>
      %dma_start3A_45 = arith.constant 0 : i32
      %dma_start3A_46 = tpu.memref_slice %dma_start3A_44[%mul3A_2, %dma_start3A_45] : memref<16384x64xf32, #tpu.memory_space<hbm>> -> memref<512x64xf32, #tpu.memory_space<hbm>>
      %dma_start3A_47 = arith.constant 0 : i32
      %dma_start3A_48 = arith.constant 0 : i32
      %dma_start3A_49 = tpu.memref_slice %arg2[%run_scoped3A, %dma_start3A_47, %dma_start3A_48] : memref<1x16384x64xf32, #tpu.memory_space<hbm>> -> memref<1x16384x64xf32, #tpu.memory_space<hbm>>
      %dma_start3A_50 = tpu.memref_squeeze %dma_start3A_49 : memref<1x16384x64xf32, #tpu.memory_space<hbm>> -> memref<16384x64xf32, #tpu.memory_space<hbm>>
      %dma_start3A_51 = arith.constant 0 : i32
      %dma_start3A_52 = tpu.memref_slice %dma_start3A_50[%mul3A_2, %dma_start3A_51] : memref<16384x64xf32, #tpu.memory_space<hbm>> -> memref<512x64xf32, #tpu.memory_space<hbm>>
      tpu.enqueue_dma source(%dma_start3A_52 : memref<512x64xf32, #tpu.memory_space<hbm>>) target(%arg7 : memref<512x64xf32, #tpu.memory_space<vmem>>) target_semaphore(%run_scoped3A_40 : memref<!tpu.dma_semaphore, #tpu.memory_space<semaphore_mem>>)
      %dma_wait3A = arith.constant 0 : i32
      %dma_wait3A_53 = arith.constant 0 : i32
      %dma_wait3A_54 = tpu.memref_slice %arg2[%run_scoped3A, %dma_wait3A, %dma_wait3A_53] : memref<1x16384x64xf32, #tpu.memory_space<hbm>> -> memref<1x16384x64xf32, #tpu.memory_space<hbm>>
      %dma_wait3A_55 = tpu.memref_squeeze %dma_wait3A_54 : memref<1x16384x64xf32, #tpu.memory_space<hbm>> -> memref<16384x64xf32, #tpu.memory_space<hbm>>
      %dma_wait3A_56 = arith.constant 0 : i32
      %dma_wait3A_57 = tpu.memref_slice %dma_wait3A_55[%mul3A_2, %dma_wait3A_56] : memref<16384x64xf32, #tpu.memory_space<hbm>> -> memref<512x64xf32, #tpu.memory_space<hbm>>
      %dma_wait3A_58 = arith.constant 0 : i32
      %dma_wait3A_59 = arith.constant 0 : i32
      %dma_wait3A_60 = tpu.memref_slice %arg2[%run_scoped3A, %dma_wait3A_58, %dma_wait3A_59] : memref<1x16384x64xf32, #tpu.memory_space<hbm>> -> memref<1x16384x64xf32, #tpu.memory_space<hbm>>
      %dma_wait3A_61 = tpu.memref_squeeze %dma_wait3A_60 : memref<1x16384x64xf32, #tpu.memory_space<hbm>> -> memref<16384x64xf32, #tpu.memory_space<hbm>>
      %dma_wait3A_62 = arith.constant 0 : i32
      %dma_wait3A_63 = tpu.memref_slice %dma_wait3A_61[%mul3A_2, %dma_wait3A_62] : memref<16384x64xf32, #tpu.memory_space<hbm>> -> memref<512x64xf32, #tpu.memory_space<hbm>>
      tpu.wait_dma2 semaphore(%run_scoped3A_40 : memref<!tpu.dma_semaphore, #tpu.memory_space<semaphore_mem>>) src(%dma_wait3A_63 : memref<512x64xf32, #tpu.memory_space<hbm>>) dst(%arg7 : memref<512x64xf32, #tpu.memory_space<vmem>>)
      tpu.yield
    }) : () -> ()
    %dma_start3A = arith.constant 0 : i32
    %dma_start3A_5 = arith.constant 0 : i32
    %dma_start3A_6 = arith.constant 0 : i32
    %dma_start3A_7 = tpu.memref_slice %arg6[%dma_start3A_5, %dma_start3A_6] : memref<32x128xi32, #tpu.memory_space<vmem>> -> memref<1x128xi32, #tpu.memory_space<vmem>>
    %dma_start3A_8 = tpu.memref_squeeze %dma_start3A_7 : memref<1x128xi32, #tpu.memory_space<vmem>> -> memref<128xi32, #tpu.memory_space<vmem>>
    %dma_start3A_9 = arith.constant 0 : i32
    %dma_start3A_10 = arith.constant 0 : i32
    %dma_start3A_11 = tpu.memref_slice %arg2[%dma_start3A, %dma_start3A_9, %dma_start3A_10] : memref<1x16384x64xf32, #tpu.memory_space<hbm>> -> memref<1x16384x64xf32, #tpu.memory_space<hbm>>
    %dma_start3A_12 = tpu.memref_squeeze %dma_start3A_11 : memref<1x16384x64xf32, #tpu.memory_space<hbm>> -> memref<16384x64xf32, #tpu.memory_space<hbm>>
    %dma_start3A_13 = arith.constant 0 : i32
    %dma_start3A_14 = arith.constant 0 : i32
    %dma_start3A_15 = tpu.memref_slice %dma_start3A_12[%dma_start3A_13, %dma_start3A_14] : memref<16384x64xf32, #tpu.memory_space<hbm>> -> memref<16384x64xf32, #tpu.memory_space<hbm>>
    tpu.enqueue_indirect_dma source(%dma_start3A_15 : memref<16384x64xf32, #tpu.memory_space<hbm>>) target(%arg8 : memref<128x64xf32, #tpu.memory_space<vmem>>) offsets(%dma_start3A_8 : memref<128xi32, #tpu.memory_space<vmem>>) semaphore(%arg16 : memref<!tpu.dma_semaphore, #tpu.memory_space<semaphore_mem>>)
    %dma_start3A_16 = arith.constant 0 : i32
    %dma_start3A_17 = arith.constant 1 : i32
    %dma_start3A_18 = arith.constant 0 : i32
    %dma_start3A_19 = tpu.memref_slice %arg6[%dma_start3A_17, %dma_start3A_18] : memref<32x128xi32, #tpu.memory_space<vmem>> -> memref<1x128xi32, #tpu.memory_space<vmem>>
    %dma_start3A_20 = tpu.memref_squeeze %dma_start3A_19 : memref<1x128xi32, #tpu.memory_space<vmem>> -> memref<128xi32, #tpu.memory_space<vmem>>
    %dma_start3A_21 = arith.constant 0 : i32
    %dma_start3A_22 = arith.constant 0 : i32
    %dma_start3A_23 = tpu.memref_slice %arg2[%dma_start3A_16, %dma_start3A_21, %dma_start3A_22] : memref<1x16384x64xf32, #tpu.memory_space<hbm>> -> memref<1x16384x64xf32, #tpu.memory_space<hbm>>
    %dma_start3A_24 = tpu.memref_squeeze %dma_start3A_23 : memref<1x16384x64xf32, #tpu.memory_space<hbm>> -> memref<16384x64xf32, #tpu.memory_space<hbm>>
    %dma_start3A_25 = arith.constant 0 : i32
    %dma_start3A_26 = arith.constant 0 : i32
    %dma_start3A_27 = tpu.memref_slice %dma_start3A_24[%dma_start3A_25, %dma_start3A_26] : memref<16384x64xf32, #tpu.memory_space<hbm>> -> memref<16384x64xf32, #tpu.memory_space<hbm>>
    tpu.enqueue_indirect_dma source(%dma_start3A_27 : memref<16384x64xf32, #tpu.memory_space<hbm>>) target(%arg9 : memref<128x64xf32, #tpu.memory_space<vmem>>) offsets(%dma_start3A_20 : memref<128xi32, #tpu.memory_space<vmem>>) semaphore(%arg17 : memref<!tpu.dma_semaphore, #tpu.memory_space<semaphore_mem>>)
    %broadcast_in_dim3A = arith.constant 0.000000e+00 : f32
    %broadcast_in_dim3A_28 = vector.broadcast %broadcast_in_dim3A : f32 to vector<16xf32>
    %scan3A = arith.constant 0 : i32
    %scan3A_29 = arith.constant 0 : i32
    %scan3A_30 = arith.constant 16 : i32
    %scan3A_31 = arith.addi %scan3A_29, %scan3A_30 : i32
    %scan3A_32 = arith.constant 1 : i32
    %scan3A_33 = scf.for %scan3A_40 = %scan3A_29 to %scan3A_31 step %scan3A_32 iter_args(%scan3A_41 = %broadcast_in_dim3A_28) -> (vector<16xf32>)  : i32 {
      %dma_wait3A = arith.constant 0 : i32
      %dma_wait3A_42 = arith.constant 0 : i32
      %dma_wait3A_43 = tpu.memref_slice %arg6[%dma_wait3A, %dma_wait3A_42] : memref<32x128xi32, #tpu.memory_space<vmem>> -> memref<1x128xi32, #tpu.memory_space<vmem>>
      %dma_wait3A_44 = tpu.memref_squeeze %dma_wait3A_43 : memref<1x128xi32, #tpu.memory_space<vmem>> -> memref<128xi32, #tpu.memory_space<vmem>>
      %dma_wait3A_45 = arith.constant 0 : i32
      %dma_wait3A_46 = arith.constant 0 : i32
      %dma_wait3A_47 = tpu.memref_slice %arg2[%scan3A, %dma_wait3A_45, %dma_wait3A_46] : memref<1x16384x64xf32, #tpu.memory_space<hbm>> -> memref<1x16384x64xf32, #tpu.memory_space<hbm>>
      %dma_wait3A_48 = tpu.memref_squeeze %dma_wait3A_47 : memref<1x16384x64xf32, #tpu.memory_space<hbm>> -> memref<16384x64xf32, #tpu.memory_space<hbm>>
      %dma_wait3A_49 = arith.constant 0 : i32
      %dma_wait3A_50 = arith.constant 0 : i32
      %dma_wait3A_51 = tpu.memref_slice %dma_wait3A_48[%dma_wait3A_49, %dma_wait3A_50] : memref<16384x64xf32, #tpu.memory_space<hbm>> -> memref<16384x64xf32, #tpu.memory_space<hbm>>
      tpu.wait_indirect_dma semaphore(%arg16 : memref<!tpu.dma_semaphore, #tpu.memory_space<semaphore_mem>>) src(%dma_wait3A_51 : memref<16384x64xf32, #tpu.memory_space<hbm>>) dst(%arg8 : memref<128x64xf32, #tpu.memory_space<vmem>>)
      %mul3A_52 = arith.constant 2 : i32
      %mul3A_53 = arith.muli %mul3A_52, %scan3A_40 : i32
      %mul3A_54 = arith.constant 16 : i32
      %mul3A_55 = arith.muli %mul3A_53, %mul3A_54 : i32
      %mul3A_56 = arith.constant 128 : i32
      %mul3A_57 = arith.muli %mul3A_53, %mul3A_56 : i32
      %scan3A_58 = arith.constant 0 : i32
      %scan3A_59 = arith.constant 4 : i32
      %scan3A_60 = arith.addi %scan3A_58, %scan3A_59 : i32
      %scan3A_61 = arith.constant 1 : i32
      %scan3A_62 = scf.for %scan3A_96 = %scan3A_58 to %scan3A_60 step %scan3A_61 iter_args(%scan3A_97 = %scan3A_41) -> (vector<16xf32>)  : i32 {
        %mul3A_98 = arith.constant 2 : i32
        %mul3A_99 = arith.muli %mul3A_98, %scan3A_96 : i32
        %mul3A_100 = arith.constant 2 : i32
        %mul3A_101 = arith.muli %mul3A_99, %mul3A_100 : i32
        %add3A_102 = arith.addi %mul3A_55, %mul3A_101 : i32
        %mul3A_103 = arith.constant 16 : i32
        %mul3A_104 = arith.muli %mul3A_99, %mul3A_103 : i32
        %add3A_105 = arith.constant 0 : i32
        %add3A_106 = arith.addi %add3A_102, %add3A_105 : i32
        %get3A = arith.index_cast %add3A_106 : i32 to index
        %get3A_107 = arith.constant 0 : index
        %get3A_108 = tpu.vector_load %arg7[%get3A, %get3A_107] {strides = array<i32>} : memref<512x64xf32, #tpu.memory_space<vmem>>, vector<16xf32>,
        %add3A_109 = arith.constant 1 : i32
        %add3A_110 = arith.addi %add3A_102, %add3A_109 : i32
        %get3A_111 = arith.index_cast %add3A_110 : i32 to index
        %get3A_112 = arith.constant 0 : index
        %get3A_113 = tpu.vector_load %arg7[%get3A_111, %get3A_112] {strides = array<i32>} : memref<512x64xf32, #tpu.memory_space<vmem>>, vector<16xf32>,
        %add3A_114 = arith.constant 0 : i32
        %add3A_115 = arith.addi %mul3A_104, %add3A_114 : i32
        %get3A_116 = arith.index_cast %add3A_115 : i32 to index
        %get3A_117 = arith.constant 0 : index
        %get3A_118 = tpu.vector_load %arg8[%get3A_116, %get3A_117] {strides = array<i32>} : memref<128x64xf32, #tpu.memory_space<vmem>>, vector<16xf32>,
        %sub3A = arith.subf %get3A_108, %get3A_118 : vector<16xf32>
        %mul3A_119 = arith.mulf %sub3A, %sub3A : vector<16xf32>
        %add3A_120 = arith.constant 1 : i32
        %add3A_121 = arith.addi %mul3A_104, %add3A_120 : i32
        %get3A_122 = arith.index_cast %add3A_121 : i32 to index
        %get3A_123 = arith.constant 0 : index
        %get3A_124 = tpu.vector_load %arg8[%get3A_122, %get3A_123] {strides = array<i32>} : memref<128x64xf32, #tpu.memory_space<vmem>>, vector<16xf32>,
        %sub3A_125 = arith.subf %get3A_108, %get3A_124 : vector<16xf32>
        %mul3A_126 = arith.mulf %sub3A_125, %sub3A_125 : vector<16xf32>
        %add3A_127 = arith.constant 2 : i32
        %add3A_128 = arith.addi %mul3A_104, %add3A_127 : i32
        %get3A_129 = arith.index_cast %add3A_128 : i32 to index
        %get3A_130 = arith.constant 0 : index
        %get3A_131 = tpu.vector_load %arg8[%get3A_129, %get3A_130] {strides = array<i32>} : memref<128x64xf32, #tpu.memory_space<vmem>>, vector<16xf32>,
        %sub3A_132 = arith.subf %get3A_108, %get3A_131 : vector<16xf32>
        %mul3A_133 = arith.mulf %sub3A_132, %sub3A_132 : vector<16xf32>
        %add3A_134 = arith.constant 3 : i32
        %add3A_135 = arith.addi %mul3A_104, %add3A_134 : i32
        %get3A_136 = arith.index_cast %add3A_135 : i32 to index
        %get3A_137 = arith.constant 0 : index
        %get3A_138 = tpu.vector_load %arg8[%get3A_136, %get3A_137] {strides = array<i32>} : memref<128x64xf32, #tpu.memory_space<vmem>>, vector<16xf32>,
        %sub3A_139 = arith.subf %get3A_108, %get3A_138 : vector<16xf32>
        %mul3A_140 = arith.mulf %sub3A_139, %sub3A_139 : vector<16xf32>
        %add3A_141 = arith.constant 4 : i32
        %add3A_142 = arith.addi %mul3A_104, %add3A_141 : i32
        %get3A_143 = arith.index_cast %add3A_142 : i32 to index
        %get3A_144 = arith.constant 0 : index
        %get3A_145 = tpu.vector_load %arg8[%get3A_143, %get3A_144] {strides = array<i32>} : memref<128x64xf32, #tpu.memory_space<vmem>>, vector<16xf32>,
        %sub3A_146 = arith.subf %get3A_108, %get3A_145 : vector<16xf32>
        %mul3A_147 = arith.mulf %sub3A_146, %sub3A_146 : vector<16xf32>
        %add3A_148 = arith.constant 5 : i32
        %add3A_149 = arith.addi %mul3A_104, %add3A_148 : i32
        %get3A_150 = arith.index_cast %add3A_149 : i32 to index
        %get3A_151 = arith.constant 0 : index
        %get3A_152 = tpu.vector_load %arg8[%get3A_150, %get3A_151] {strides = array<i32>} : memref<128x64xf32, #tpu.memory_space<vmem>>, vector<16xf32>,
        %sub3A_153 = arith.subf %get3A_108, %get3A_152 : vector<16xf32>
        %mul3A_154 = arith.mulf %sub3A_153, %sub3A_153 : vector<16xf32>
        %add3A_155 = arith.constant 6 : i32
        %add3A_156 = arith.addi %mul3A_104, %add3A_155 : i32
        %get3A_157 = arith.index_cast %add3A_156 : i32 to index
        %get3A_158 = arith.constant 0 : index
        %get3A_159 = tpu.vector_load %arg8[%get3A_157, %get3A_158] {strides = array<i32>} : memref<128x64xf32, #tpu.memory_space<vmem>>, vector<16xf32>,
        %sub3A_160 = arith.subf %get3A_108, %get3A_159 : vector<16xf32>
        %mul3A_161 = arith.mulf %sub3A_160, %sub3A_160 : vector<16xf32>
        %add3A_162 = arith.constant 7 : i32
        %add3A_163 = arith.addi %mul3A_104, %add3A_162 : i32
        %get3A_164 = arith.index_cast %add3A_163 : i32 to index
        %get3A_165 = arith.constant 0 : index
        %get3A_166 = tpu.vector_load %arg8[%get3A_164, %get3A_165] {strides = array<i32>} : memref<128x64xf32, #tpu.memory_space<vmem>>, vector<16xf32>,
        %sub3A_167 = arith.subf %get3A_108, %get3A_166 : vector<16xf32>
        %mul3A_168 = arith.mulf %sub3A_167, %sub3A_167 : vector<16xf32>
        %add3A_169 = arith.constant 8 : i32
        %add3A_170 = arith.addi %mul3A_104, %add3A_169 : i32
        %get3A_171 = arith.index_cast %add3A_170 : i32 to index
        %get3A_172 = arith.constant 0 : index
        %get3A_173 = tpu.vector_load %arg8[%get3A_171, %get3A_172] {strides = array<i32>} : memref<128x64xf32, #tpu.memory_space<vmem>>, vector<16xf32>,
        %sub3A_174 = arith.subf %get3A_113, %get3A_173 : vector<16xf32>
        %mul3A_175 = arith.mulf %sub3A_174, %sub3A_174 : vector<16xf32>
        %add3A_176 = arith.constant 9 : i32
        %add3A_177 = arith.addi %mul3A_104, %add3A_176 : i32
        %get3A_178 = arith.index_cast %add3A_177 : i32 to index
        %get3A_179 = arith.constant 0 : index
        %get3A_180 = tpu.vector_load %arg8[%get3A_178, %get3A_179] {strides = array<i32>} : memref<128x64xf32, #tpu.memory_space<vmem>>, vector<16xf32>,
        %sub3A_181 = arith.subf %get3A_113, %get3A_180 : vector<16xf32>
        %mul3A_182 = arith.mulf %sub3A_181, %sub3A_181 : vector<16xf32>
        %add3A_183 = arith.constant 10 : i32
        %add3A_184 = arith.addi %mul3A_104, %add3A_183 : i32
        %get3A_185 = arith.index_cast %add3A_184 : i32 to index
        %get3A_186 = arith.constant 0 : index
        %get3A_187 = tpu.vector_load %arg8[%get3A_185, %get3A_186] {strides = array<i32>} : memref<128x64xf32, #tpu.memory_space<vmem>>, vector<16xf32>,
        %sub3A_188 = arith.subf %get3A_113, %get3A_187 : vector<16xf32>
        %mul3A_189 = arith.mulf %sub3A_188, %sub3A_188 : vector<16xf32>
        %add3A_190 = arith.constant 11 : i32
        %add3A_191 = arith.addi %mul3A_104, %add3A_190 : i32
        %get3A_192 = arith.index_cast %add3A_191 : i32 to index
        %get3A_193 = arith.constant 0 : index
        %get3A_194 = tpu.vector_load %arg8[%get3A_192, %get3A_193] {strides = array<i32>} : memref<128x64xf32, #tpu.memory_space<vmem>>, vector<16xf32>,
        %sub3A_195 = arith.subf %get3A_113, %get3A_194 : vector<16xf32>
        %mul3A_196 = arith.mulf %sub3A_195, %sub3A_195 : vector<16xf32>
        %add3A_197 = arith.constant 12 : i32
        %add3A_198 = arith.addi %mul3A_104, %add3A_197 : i32
        %get3A_199 = arith.index_cast %add3A_198 : i32 to index
        %get3A_200 = arith.constant 0 : index
        %get3A_201 = tpu.vector_load %arg8[%get3A_199, %get3A_200] {strides = array<i32>} : memref<128x64xf32, #tpu.memory_space<vmem>>, vector<16xf32>,
        %sub3A_202 = arith.subf %get3A_113, %get3A_201 : vector<16xf32>
        %mul3A_203 = arith.mulf %sub3A_202, %sub3A_202 : vector<16xf32>
        %add3A_204 = arith.constant 13 : i32
        %add3A_205 = arith.addi %mul3A_104, %add3A_204 : i32
        %get3A_206 = arith.index_cast %add3A_205 : i32 to index
        %get3A_207 = arith.constant 0 : index
        %get3A_208 = tpu.vector_load %arg8[%get3A_206, %get3A_207] {strides = array<i32>} : memref<128x64xf32, #tpu.memory_space<vmem>>, vector<16xf32>,
        %sub3A_209 = arith.subf %get3A_113, %get3A_208 : vector<16xf32>
        %mul3A_210 = arith.mulf %sub3A_209, %sub3A_209 : vector<16xf32>
        %add3A_211 = arith.constant 14 : i32
        %add3A_212 = arith.addi %mul3A_104, %add3A_211 : i32
        %get3A_213 = arith.index_cast %add3A_212 : i32 to index
        %get3A_214 = arith.constant 0 : index
        %get3A_215 = tpu.vector_load %arg8[%get3A_213, %get3A_214] {strides = array<i32>} : memref<128x64xf32, #tpu.memory_space<vmem>>, vector<16xf32>,
        %sub3A_216 = arith.subf %get3A_113, %get3A_215 : vector<16xf32>
        %mul3A_217 = arith.mulf %sub3A_216, %sub3A_216 : vector<16xf32>
        %add3A_218 = arith.constant 15 : i32
        %add3A_219 = arith.addi %mul3A_104, %add3A_218 : i32
        %get3A_220 = arith.index_cast %add3A_219 : i32 to index
        %get3A_221 = arith.constant 0 : index
        %get3A_222 = tpu.vector_load %arg8[%get3A_220, %get3A_221] {strides = array<i32>} : memref<128x64xf32, #tpu.memory_space<vmem>>, vector<16xf32>,
        %sub3A_223 = arith.subf %get3A_113, %get3A_222 : vector<16xf32>
        %mul3A_224 = arith.mulf %sub3A_223, %sub3A_223 : vector<16xf32>
        %add3A_225 = arith.constant 0 : i32
        %add3A_226 = arith.addi %add3A_102, %add3A_225 : i32
        %get3A_227 = arith.index_cast %add3A_226 : i32 to index
        %get3A_228 = arith.constant 16 : index
        %get3A_229 = tpu.vector_load %arg7[%get3A_227, %get3A_228] {strides = array<i32>} : memref<512x64xf32, #tpu.memory_space<vmem>>, vector<16xf32>,
        %add3A_230 = arith.constant 1 : i32
        %add3A_231 = arith.addi %add3A_102, %add3A_230 : i32
        %get3A_232 = arith.index_cast %add3A_231 : i32 to index
        %get3A_233 = arith.constant 16 : index
        %get3A_234 = tpu.vector_load %arg7[%get3A_232, %get3A_233] {strides = array<i32>} : memref<512x64xf32, #tpu.memory_space<vmem>>, vector<16xf32>,
        %add3A_235 = arith.constant 0 : i32
        %add3A_236 = arith.addi %mul3A_104, %add3A_235 : i32
        %get3A_237 = arith.index_cast %add3A_236 : i32 to index
        %get3A_238 = arith.constant 16 : index
        %get3A_239 = tpu.vector_load %arg8[%get3A_237, %get3A_238] {strides = array<i32>} : memref<128x64xf32, #tpu.memory_space<vmem>>, vector<16xf32>,
        %sub3A_240 = arith.subf %get3A_229, %get3A_239 : vector<16xf32>
        %mul3A_241 = arith.mulf %sub3A_240, %sub3A_240 : vector<16xf32>
        %add3A_242 = arith.addf %mul3A_119, %mul3A_241 : vector<16xf32>
        %add3A_243 = arith.constant 1 : i32
        %add3A_244 = arith.addi %mul3A_104, %add3A_243 : i32
        %get3A_245 = arith.index_cast %add3A_244 : i32 to index
        %get3A_246 = arith.constant 16 : index
        %get3A_247 = tpu.vector_load %arg8[%get3A_245, %get3A_246] {strides = array<i32>} : memref<128x64xf32, #tpu.memory_space<vmem>>, vector<16xf32>,
        %sub3A_248 = arith.subf %get3A_229, %get3A_247 : vector<16xf32>
        %mul3A_249 = arith.mulf %sub3A_248, %sub3A_248 : vector<16xf32>
        %add3A_250 = arith.addf %mul3A_126, %mul3A_249 : vector<16xf32>
        %add3A_251 = arith.constant 2 : i32
        %add3A_252 = arith.addi %mul3A_104, %add3A_251 : i32
        %get3A_253 = arith.index_cast %add3A_252 : i32 to index
        %get3A_254 = arith.constant 16 : index
        %get3A_255 = tpu.vector_load %arg8[%get3A_253, %get3A_254] {strides = array<i32>} : memref<128x64xf32, #tpu.memory_space<vmem>>, vector<16xf32>,
        %sub3A_256 = arith.subf %get3A_229, %get3A_255 : vector<16xf32>
        %mul3A_257 = arith.mulf %sub3A_256, %sub3A_256 : vector<16xf32>
        %add3A_258 = arith.addf %mul3A_133, %mul3A_257 : vector<16xf32>
        %add3A_259 = arith.constant 3 : i32
        %add3A_260 = arith.addi %mul3A_104, %add3A_259 : i32
        %get3A_261 = arith.index_cast %add3A_260 : i32 to index
        %get3A_262 = arith.constant 16 : index
        %get3A_263 = tpu.vector_load %arg8[%get3A_261, %get3A_262] {strides = array<i32>} : memref<128x64xf32, #tpu.memory_space<vmem>>, vector<16xf32>,
        %sub3A_264 = arith.subf %get3A_229, %get3A_263 : vector<16xf32>
        %mul3A_265 = arith.mulf %sub3A_264, %sub3A_264 : vector<16xf32>
        %add3A_266 = arith.addf %mul3A_140, %mul3A_265 : vector<16xf32>
        %add3A_267 = arith.constant 4 : i32
        %add3A_268 = arith.addi %mul3A_104, %add3A_267 : i32
        %get3A_269 = arith.index_cast %add3A_268 : i32 to index
        %get3A_270 = arith.constant 16 : index
        %get3A_271 = tpu.vector_load %arg8[%get3A_269, %get3A_270] {strides = array<i32>} : memref<128x64xf32, #tpu.memory_space<vmem>>, vector<16xf32>,
        %sub3A_272 = arith.subf %get3A_229, %get3A_271 : vector<16xf32>
        %mul3A_273 = arith.mulf %sub3A_272, %sub3A_272 : vector<16xf32>
        %add3A_274 = arith.addf %mul3A_147, %mul3A_273 : vector<16xf32>
        %add3A_275 = arith.constant 5 : i32
        %add3A_276 = arith.addi %mul3A_104, %add3A_275 : i32
        %get3A_277 = arith.index_cast %add3A_276 : i32 to index
        %get3A_278 = arith.constant 16 : index
        %get3A_279 = tpu.vector_load %arg8[%get3A_277, %get3A_278] {strides = array<i32>} : memref<128x64xf32, #tpu.memory_space<vmem>>, vector<16xf32>,
        %sub3A_280 = arith.subf %get3A_229, %get3A_279 : vector<16xf32>
        %mul3A_281 = arith.mulf %sub3A_280, %sub3A_280 : vector<16xf32>
        %add3A_282 = arith.addf %mul3A_154, %mul3A_281 : vector<16xf32>
        %add3A_283 = arith.constant 6 : i32
        %add3A_284 = arith.addi %mul3A_104, %add3A_283 : i32
        %get3A_285 = arith.index_cast %add3A_284 : i32 to index
        %get3A_286 = arith.constant 16 : index
        %get3A_287 = tpu.vector_load %arg8[%get3A_285, %get3A_286] {strides = array<i32>} : memref<128x64xf32, #tpu.memory_space<vmem>>, vector<16xf32>,
        %sub3A_288 = arith.subf %get3A_229, %get3A_287 : vector<16xf32>
        %mul3A_289 = arith.mulf %sub3A_288, %sub3A_288 : vector<16xf32>
        %add3A_290 = arith.addf %mul3A_161, %mul3A_289 : vector<16xf32>
        %add3A_291 = arith.constant 7 : i32
        %add3A_292 = arith.addi %mul3A_104, %add3A_291 : i32
        %get3A_293 = arith.index_cast %add3A_292 : i32 to index
        %get3A_294 = arith.constant 16 : index
        %get3A_295 = tpu.vector_load %arg8[%get3A_293, %get3A_294] {strides = array<i32>} : memref<128x64xf32, #tpu.memory_space<vmem>>, vector<16xf32>,
        %sub3A_296 = arith.subf %get3A_229, %get3A_295 : vector<16xf32>
        %mul3A_297 = arith.mulf %sub3A_296, %sub3A_296 : vector<16xf32>
        %add3A_298 = arith.addf %mul3A_168, %mul3A_297 : vector<16xf32>
        %add3A_299 = arith.constant 8 : i32
        %add3A_300 = arith.addi %mul3A_104, %add3A_299 : i32
        %get3A_301 = arith.index_cast %add3A_300 : i32 to index
        %get3A_302 = arith.constant 16 : index
        %get3A_303 = tpu.vector_load %arg8[%get3A_301, %get3A_302] {strides = array<i32>} : memref<128x64xf32, #tpu.memory_space<vmem>>, vector<16xf32>,
        %sub3A_304 = arith.subf %get3A_234, %get3A_303 : vector<16xf32>
        %mul3A_305 = arith.mulf %sub3A_304, %sub3A_304 : vector<16xf32>
        %add3A_306 = arith.addf %mul3A_175, %mul3A_305 : vector<16xf32>
        %add3A_307 = arith.constant 9 : i32
        %add3A_308 = arith.addi %mul3A_104, %add3A_307 : i32
        %get3A_309 = arith.index_cast %add3A_308 : i32 to index
        %get3A_310 = arith.constant 16 : index
        %get3A_311 = tpu.vector_load %arg8[%get3A_309, %get3A_310] {strides = array<i32>} : memref<128x64xf32, #tpu.memory_space<vmem>>, vector<16xf32>,
        %sub3A_312 = arith.subf %get3A_234, %get3A_311 : vector<16xf32>
        %mul3A_313 = arith.mulf %sub3A_312, %sub3A_312 : vector<16xf32>
        %add3A_314 = arith.addf %mul3A_182, %mul3A_313 : vector<16xf32>
        %add3A_315 = arith.constant 10 : i32
        %add3A_316 = arith.addi %mul3A_104, %add3A_315 : i32
        %get3A_317 = arith.index_cast %add3A_316 : i32 to index
        %get3A_318 = arith.constant 16 : index
        %get3A_319 = tpu.vector_load %arg8[%get3A_317, %get3A_318] {strides = array<i32>} : memref<128x64xf32, #tpu.memory_space<vmem>>, vector<16xf32>,
        %sub3A_320 = arith.subf %get3A_234, %get3A_319 : vector<16xf32>
        %mul3A_321 = arith.mulf %sub3A_320, %sub3A_320 : vector<16xf32>
        %add3A_322 = arith.addf %mul3A_189, %mul3A_321 : vector<16xf32>
        %add3A_323 = arith.constant 11 : i32
        %add3A_324 = arith.addi %mul3A_104, %add3A_323 : i32
        %get3A_325 = arith.index_cast %add3A_324 : i32 to index
        %get3A_326 = arith.constant 16 : index
        %get3A_327 = tpu.vector_load %arg8[%get3A_325, %get3A_326] {strides = array<i32>} : memref<128x64xf32, #tpu.memory_space<vmem>>, vector<16xf32>,
        %sub3A_328 = arith.subf %get3A_234, %get3A_327 : vector<16xf32>
        %mul3A_329 = arith.mulf %sub3A_328, %sub3A_328 : vector<16xf32>
        %add3A_330 = arith.addf %mul3A_196, %mul3A_329 : vector<16xf32>
        %add3A_331 = arith.constant 12 : i32
        %add3A_332 = arith.addi %mul3A_104, %add3A_331 : i32
        %get3A_333 = arith.index_cast %add3A_332 : i32 to index
        %get3A_334 = arith.constant 16 : index
        %get3A_335 = tpu.vector_load %arg8[%get3A_333, %get3A_334] {strides = array<i32>} : memref<128x64xf32, #tpu.memory_space<vmem>>, vector<16xf32>,
        %sub3A_336 = arith.subf %get3A_234, %get3A_335 : vector<16xf32>
        %mul3A_337 = arith.mulf %sub3A_336, %sub3A_336 : vector<16xf32>
        %add3A_338 = arith.addf %mul3A_203, %mul3A_337 : vector<16xf32>
        %add3A_339 = arith.constant 13 : i32
        %add3A_340 = arith.addi %mul3A_104, %add3A_339 : i32
        %get3A_341 = arith.index_cast %add3A_340 : i32 to index
        %get3A_342 = arith.constant 16 : index
        %get3A_343 = tpu.vector_load %arg8[%get3A_341, %get3A_342] {strides = array<i32>} : memref<128x64xf32, #tpu.memory_space<vmem>>, vector<16xf32>,
        %sub3A_344 = arith.subf %get3A_234, %get3A_343 : vector<16xf32>
        %mul3A_345 = arith.mulf %sub3A_344, %sub3A_344 : vector<16xf32>
        %add3A_346 = arith.addf %mul3A_210, %mul3A_345 : vector<16xf32>
        %add3A_347 = arith.constant 14 : i32
        %add3A_348 = arith.addi %mul3A_104, %add3A_347 : i32
        %get3A_349 = arith.index_cast %add3A_348 : i32 to index
        %get3A_350 = arith.constant 16 : index
        %get3A_351 = tpu.vector_load %arg8[%get3A_349, %get3A_350] {strides = array<i32>} : memref<128x64xf32, #tpu.memory_space<vmem>>, vector<16xf32>,
        %sub3A_352 = arith.subf %get3A_234, %get3A_351 : vector<16xf32>
        %mul3A_353 = arith.mulf %sub3A_352, %sub3A_352 : vector<16xf32>
        %add3A_354 = arith.addf %mul3A_217, %mul3A_353 : vector<16xf32>
        %add3A_355 = arith.constant 15 : i32
        %add3A_356 = arith.addi %mul3A_104, %add3A_355 : i32
        %get3A_357 = arith.index_cast %add3A_356 : i32 to index
        %get3A_358 = arith.constant 16 : index
        %get3A_359 = tpu.vector_load %arg8[%get3A_357, %get3A_358] {strides = array<i32>} : memref<128x64xf32, #tpu.memory_space<vmem>>, vector<16xf32>,
        %sub3A_360 = arith.subf %get3A_234, %get3A_359 : vector<16xf32>
        %mul3A_361 = arith.mulf %sub3A_360, %sub3A_360 : vector<16xf32>
        %add3A_362 = arith.addf %mul3A_224, %mul3A_361 : vector<16xf32>
        %add3A_363 = arith.constant 0 : i32
        %add3A_364 = arith.addi %add3A_102, %add3A_363 : i32
        %get3A_365 = arith.index_cast %add3A_364 : i32 to index
        %get3A_366 = arith.constant 32 : index
        %get3A_367 = tpu.vector_load %arg7[%get3A_365, %get3A_366] {strides = array<i32>} : memref<512x64xf32, #tpu.memory_space<vmem>>, vector<16xf32>,
        %add3A_368 = arith.constant 1 : i32
        %add3A_369 = arith.addi %add3A_102, %add3A_368 : i32
        %get3A_370 = arith.index_cast %add3A_369 : i32 to index
        %get3A_371 = arith.constant 32 : index
        %get3A_372 = tpu.vector_load %arg7[%get3A_370, %get3A_371] {strides = array<i32>} : memref<512x64xf32, #tpu.memory_space<vmem>>, vector<16xf32>,
        %add3A_373 = arith.constant 0 : i32
        %add3A_374 = arith.addi %mul3A_104, %add3A_373 : i32
        %get3A_375 = arith.index_cast %add3A_374 : i32 to index
        %get3A_376 = arith.constant 32 : index
        %get3A_377 = tpu.vector_load %arg8[%get3A_375, %get3A_376] {strides = array<i32>} : memref<128x64xf32, #tpu.memory_space<vmem>>, vector<16xf32>,
        %sub3A_378 = arith.subf %get3A_367, %get3A_377 : vector<16xf32>
        %mul3A_379 = arith.mulf %sub3A_378, %sub3A_378 : vector<16xf32>
        %add3A_380 = arith.addf %add3A_242, %mul3A_379 : vector<16xf32>
        %add3A_381 = arith.constant 1 : i32
        %add3A_382 = arith.addi %mul3A_104, %add3A_381 : i32
        %get3A_383 = arith.index_cast %add3A_382 : i32 to index
        %get3A_384 = arith.constant 32 : index
        %get3A_385 = tpu.vector_load %arg8[%get3A_383, %get3A_384] {strides = array<i32>} : memref<128x64xf32, #tpu.memory_space<vmem>>, vector<16xf32>,
        %sub3A_386 = arith.subf %get3A_367, %get3A_385 : vector<16xf32>
        %mul3A_387 = arith.mulf %sub3A_386, %sub3A_386 : vector<16xf32>
        %add3A_388 = arith.addf %add3A_250, %mul3A_387 : vector<16xf32>
        %add3A_389 = arith.constant 2 : i32
        %add3A_390 = arith.addi %mul3A_104, %add3A_389 : i32
        %get3A_391 = arith.index_cast %add3A_390 : i32 to index
        %get3A_392 = arith.constant 32 : index
        %get3A_393 = tpu.vector_load %arg8[%get3A_391, %get3A_392] {strides = array<i32>} : memref<128x64xf32, #tpu.memory_space<vmem>>, vector<16xf32>,
        %sub3A_394 = arith.subf %get3A_367, %get3A_393 : vector<16xf32>
        %mul3A_395 = arith.mulf %sub3A_394, %sub3A_394 : vector<16xf32>
        %add3A_396 = arith.addf %add3A_258, %mul3A_395 : vector<16xf32>
        %add3A_397 = arith.constant 3 : i32
        %add3A_398 = arith.addi %mul3A_104, %add3A_397 : i32
        %get3A_399 = arith.index_cast %add3A_398 : i32 to index
        %get3A_400 = arith.constant 32 : index
        %get3A_401 = tpu.vector_load %arg8[%get3A_399, %get3A_400] {strides = array<i32>} : memref<128x64xf32, #tpu.memory_space<vmem>>, vector<16xf32>,
        %sub3A_402 = arith.subf %get3A_367, %get3A_401 : vector<16xf32>
        %mul3A_403 = arith.mulf %sub3A_402, %sub3A_402 : vector<16xf32>
        %add3A_404 = arith.addf %add3A_266, %mul3A_403 : vector<16xf32>
        %add3A_405 = arith.constant 4 : i32
        %add3A_406 = arith.addi %mul3A_104, %add3A_405 : i32
        %get3A_407 = arith.index_cast %add3A_406 : i32 to index
        %get3A_408 = arith.constant 32 : index
        %get3A_409 = tpu.vector_load %arg8[%get3A_407, %get3A_408] {strides = array<i32>} : memref<128x64xf32, #tpu.memory_space<vmem>>, vector<16xf32>,
        %sub3A_410 = arith.subf %get3A_367, %get3A_409 : vector<16xf32>
        %mul3A_411 = arith.mulf %sub3A_410, %sub3A_410 : vector<16xf32>
        %add3A_412 = arith.addf %add3A_274, %mul3A_411 : vector<16xf32>
        %add3A_413 = arith.constant 5 : i32
        %add3A_414 = arith.addi %mul3A_104, %add3A_413 : i32
        %get3A_415 = arith.index_cast %add3A_414 : i32 to index
        %get3A_416 = arith.constant 32 : index
        %get3A_417 = tpu.vector_load %arg8[%get3A_415, %get3A_416] {strides = array<i32>} : memref<128x64xf32, #tpu.memory_space<vmem>>, vector<16xf32>,
        %sub3A_418 = arith.subf %get3A_367, %get3A_417 : vector<16xf32>
        %mul3A_419 = arith.mulf %sub3A_418, %sub3A_418 : vector<16xf32>
        %add3A_420 = arith.addf %add3A_282, %mul3A_419 : vector<16xf32>
        %add3A_421 = arith.constant 6 : i32
        %add3A_422 = arith.addi %mul3A_104, %add3A_421 : i32
        %get3A_423 = arith.index_cast %add3A_422 : i32 to index
        %get3A_424 = arith.constant 32 : index
        %get3A_425 = tpu.vector_load %arg8[%get3A_423, %get3A_424] {strides = array<i32>} : memref<128x64xf32, #tpu.memory_space<vmem>>, vector<16xf32>,
        %sub3A_426 = arith.subf %get3A_367, %get3A_425 : vector<16xf32>
        %mul3A_427 = arith.mulf %sub3A_426, %sub3A_426 : vector<16xf32>
        %add3A_428 = arith.addf %add3A_290, %mul3A_427 : vector<16xf32>
        %add3A_429 = arith.constant 7 : i32
        %add3A_430 = arith.addi %mul3A_104, %add3A_429 : i32
        %get3A_431 = arith.index_cast %add3A_430 : i32 to index
        %get3A_432 = arith.constant 32 : index
        %get3A_433 = tpu.vector_load %arg8[%get3A_431, %get3A_432] {strides = array<i32>} : memref<128x64xf32, #tpu.memory_space<vmem>>, vector<16xf32>,
        %sub3A_434 = arith.subf %get3A_367, %get3A_433 : vector<16xf32>
        %mul3A_435 = arith.mulf %sub3A_434, %sub3A_434 : vector<16xf32>
        %add3A_436 = arith.addf %add3A_298, %mul3A_435 : vector<16xf32>
        %add3A_437 = arith.constant 8 : i32
        %add3A_438 = arith.addi %mul3A_104, %add3A_437 : i32
        %get3A_439 = arith.index_cast %add3A_438 : i32 to index
        %get3A_440 = arith.constant 32 : index
        %get3A_441 = tpu.vector_load %arg8[%get3A_439, %get3A_440] {strides = array<i32>} : memref<128x64xf32, #tpu.memory_space<vmem>>, vector<16xf32>,
        %sub3A_442 = arith.subf %get3A_372, %get3A_441 : vector<16xf32>
        %mul3A_443 = arith.mulf %sub3A_442, %sub3A_442 : vector<16xf32>
        %add3A_444 = arith.addf %add3A_306, %mul3A_443 : vector<16xf32>
        %add3A_445 = arith.constant 9 : i32
        %add3A_446 = arith.addi %mul3A_104, %add3A_445 : i32
        %get3A_447 = arith.index_cast %add3A_446 : i32 to index
        %get3A_448 = arith.constant 32 : index
        %get3A_449 = tpu.vector_load %arg8[%get3A_447, %get3A_448] {strides = array<i32>} : memref<128x64xf32, #tpu.memory_space<vmem>>, vector<16xf32>,
        %sub3A_450 = arith.subf %get3A_372, %get3A_449 : vector<16xf32>
        %mul3A_451 = arith.mulf %sub3A_450, %sub3A_450 : vector<16xf32>
        %add3A_452 = arith.addf %add3A_314, %mul3A_451 : vector<16xf32>
        %add3A_453 = arith.constant 10 : i32
        %add3A_454 = arith.addi %mul3A_104, %add3A_453 : i32
        %get3A_455 = arith.index_cast %add3A_454 : i32 to index
        %get3A_456 = arith.constant 32 : index
        %get3A_457 = tpu.vector_load %arg8[%get3A_455, %get3A_456] {strides = array<i32>} : memref<128x64xf32, #tpu.memory_space<vmem>>, vector<16xf32>,
        %sub3A_458 = arith.subf %get3A_372, %get3A_457 : vector<16xf32>
        %mul3A_459 = arith.mulf %sub3A_458, %sub3A_458 : vector<16xf32>
        %add3A_460 = arith.addf %add3A_322, %mul3A_459 : vector<16xf32>
        %add3A_461 = arith.constant 11 : i32
        %add3A_462 = arith.addi %mul3A_104, %add3A_461 : i32
        %get3A_463 = arith.index_cast %add3A_462 : i32 to index
        %get3A_464 = arith.constant 32 : index
        %get3A_465 = tpu.vector_load %arg8[%get3A_463, %get3A_464] {strides = array<i32>} : memref<128x64xf32, #tpu.memory_space<vmem>>, vector<16xf32>,
        %sub3A_466 = arith.subf %get3A_372, %get3A_465 : vector<16xf32>
        %mul3A_467 = arith.mulf %sub3A_466, %sub3A_466 : vector<16xf32>
        %add3A_468 = arith.addf %add3A_330, %mul3A_467 : vector<16xf32>
        %add3A_469 = arith.constant 12 : i32
        %add3A_470 = arith.addi %mul3A_104, %add3A_469 : i32
        %get3A_471 = arith.index_cast %add3A_470 : i32 to index
        %get3A_472 = arith.constant 32 : index
        %get3A_473 = tpu.vector_load %arg8[%get3A_471, %get3A_472] {strides = array<i32>} : memref<128x64xf32, #tpu.memory_space<vmem>>, vector<16xf32>,
        %sub3A_474 = arith.subf %get3A_372, %get3A_473 : vector<16xf32>
        %mul3A_475 = arith.mulf %sub3A_474, %sub3A_474 : vector<16xf32>
        %add3A_476 = arith.addf %add3A_338, %mul3A_475 : vector<16xf32>
        %add3A_477 = arith.constant 13 : i32
        %add3A_478 = arith.addi %mul3A_104, %add3A_477 : i32
        %get3A_479 = arith.index_cast %add3A_478 : i32 to index
        %get3A_480 = arith.constant 32 : index
        %get3A_481 = tpu.vector_load %arg8[%get3A_479, %get3A_480] {strides = array<i32>} : memref<128x64xf32, #tpu.memory_space<vmem>>, vector<16xf32>,
        %sub3A_482 = arith.subf %get3A_372, %get3A_481 : vector<16xf32>
        %mul3A_483 = arith.mulf %sub3A_482, %sub3A_482 : vector<16xf32>
        %add3A_484 = arith.addf %add3A_346, %mul3A_483 : vector<16xf32>
        %add3A_485 = arith.constant 14 : i32
        %add3A_486 = arith.addi %mul3A_104, %add3A_485 : i32
        %get3A_487 = arith.index_cast %add3A_486 : i32 to index
        %get3A_488 = arith.constant 32 : index
        %get3A_489 = tpu.vector_load %arg8[%get3A_487, %get3A_488] {strides = array<i32>} : memref<128x64xf32, #tpu.memory_space<vmem>>, vector<16xf32>,
        %sub3A_490 = arith.subf %get3A_372, %get3A_489 : vector<16xf32>
        %mul3A_491 = arith.mulf %sub3A_490, %sub3A_490 : vector<16xf32>
        %add3A_492 = arith.addf %add3A_354, %mul3A_491 : vector<16xf32>
        %add3A_493 = arith.constant 15 : i32
        %add3A_494 = arith.addi %mul3A_104, %add3A_493 : i32
        %get3A_495 = arith.index_cast %add3A_494 : i32 to index
        %get3A_496 = arith.constant 32 : index
        %get3A_497 = tpu.vector_load %arg8[%get3A_495, %get3A_496] {strides = array<i32>} : memref<128x64xf32, #tpu.memory_space<vmem>>, vector<16xf32>,
        %sub3A_498 = arith.subf %get3A_372, %get3A_497 : vector<16xf32>
        %mul3A_499 = arith.mulf %sub3A_498, %sub3A_498 : vector<16xf32>
        %add3A_500 = arith.addf %add3A_362, %mul3A_499 : vector<16xf32>
        %add3A_501 = arith.constant 0 : i32
        %add3A_502 = arith.addi %add3A_102, %add3A_501 : i32
        %get3A_503 = arith.index_cast %add3A_502 : i32 to index
        %get3A_504 = arith.constant 48 : index
        %get3A_505 = tpu.vector_load %arg7[%get3A_503, %get3A_504] {strides = array<i32>} : memref<512x64xf32, #tpu.memory_space<vmem>>, vector<16xf32>,
        %add3A_506 = arith.constant 1 : i32
        %add3A_507 = arith.addi %add3A_102, %add3A_506 : i32
        %get3A_508 = arith.index_cast %add3A_507 : i32 to index
        %get3A_509 = arith.constant 48 : index
        %get3A_510 = tpu.vector_load %arg7[%get3A_508, %get3A_509] {strides = array<i32>} : memref<512x64xf32, #tpu.memory_space<vmem>>, vector<16xf32>,
        %add3A_511 = arith.constant 0 : i32
        %add3A_512 = arith.addi %mul3A_104, %add3A_511 : i32
        %get3A_513 = arith.index_cast %add3A_512 : i32 to index
        %get3A_514 = arith.constant 48 : index
        %get3A_515 = tpu.vector_load %arg8[%get3A_513, %get3A_514] {strides = array<i32>} : memref<128x64xf32, #tpu.memory_space<vmem>>, vector<16xf32>,
        %sub3A_516 = arith.subf %get3A_505, %get3A_515 : vector<16xf32>
        %mul3A_517 = arith.mulf %sub3A_516, %sub3A_516 : vector<16xf32>
        %add3A_518 = arith.addf %add3A_380, %mul3A_517 : vector<16xf32>
        %add3A_519 = arith.constant 1 : i32
        %add3A_520 = arith.addi %mul3A_104, %add3A_519 : i32
        %get3A_521 = arith.index_cast %add3A_520 : i32 to index
        %get3A_522 = arith.constant 48 : index
        %get3A_523 = tpu.vector_load %arg8[%get3A_521, %get3A_522] {strides = array<i32>} : memref<128x64xf32, #tpu.memory_space<vmem>>, vector<16xf32>,
        %sub3A_524 = arith.subf %get3A_505, %get3A_523 : vector<16xf32>
        %mul3A_525 = arith.mulf %sub3A_524, %sub3A_524 : vector<16xf32>
        %add3A_526 = arith.addf %add3A_388, %mul3A_525 : vector<16xf32>
        %add3A_527 = arith.constant 2 : i32
        %add3A_528 = arith.addi %mul3A_104, %add3A_527 : i32
        %get3A_529 = arith.index_cast %add3A_528 : i32 to index
        %get3A_530 = arith.constant 48 : index
        %get3A_531 = tpu.vector_load %arg8[%get3A_529, %get3A_530] {strides = array<i32>} : memref<128x64xf32, #tpu.memory_space<vmem>>, vector<16xf32>,
        %sub3A_532 = arith.subf %get3A_505, %get3A_531 : vector<16xf32>
        %mul3A_533 = arith.mulf %sub3A_532, %sub3A_532 : vector<16xf32>
        %add3A_534 = arith.addf %add3A_396, %mul3A_533 : vector<16xf32>
        %add3A_535 = arith.constant 3 : i32
        %add3A_536 = arith.addi %mul3A_104, %add3A_535 : i32
        %get3A_537 = arith.index_cast %add3A_536 : i32 to index
        %get3A_538 = arith.constant 48 : index
        %get3A_539 = tpu.vector_load %arg8[%get3A_537, %get3A_538] {strides = array<i32>} : memref<128x64xf32, #tpu.memory_space<vmem>>, vector<16xf32>,
        %sub3A_540 = arith.subf %get3A_505, %get3A_539 : vector<16xf32>
        %mul3A_541 = arith.mulf %sub3A_540, %sub3A_540 : vector<16xf32>
        %add3A_542 = arith.addf %add3A_404, %mul3A_541 : vector<16xf32>
        %add3A_543 = arith.constant 4 : i32
        %add3A_544 = arith.addi %mul3A_104, %add3A_543 : i32
        %get3A_545 = arith.index_cast %add3A_544 : i32 to index
        %get3A_546 = arith.constant 48 : index
        %get3A_547 = tpu.vector_load %arg8[%get3A_545, %get3A_546] {strides = array<i32>} : memref<128x64xf32, #tpu.memory_space<vmem>>, vector<16xf32>,
        %sub3A_548 = arith.subf %get3A_505, %get3A_547 : vector<16xf32>
        %mul3A_549 = arith.mulf %sub3A_548, %sub3A_548 : vector<16xf32>
        %add3A_550 = arith.addf %add3A_412, %mul3A_549 : vector<16xf32>
        %add3A_551 = arith.constant 5 : i32
        %add3A_552 = arith.addi %mul3A_104, %add3A_551 : i32
        %get3A_553 = arith.index_cast %add3A_552 : i32 to index
        %get3A_554 = arith.constant 48 : index
        %get3A_555 = tpu.vector_load %arg8[%get3A_553, %get3A_554] {strides = array<i32>} : memref<128x64xf32, #tpu.memory_space<vmem>>, vector<16xf32>,
        %sub3A_556 = arith.subf %get3A_505, %get3A_555 : vector<16xf32>
        %mul3A_557 = arith.mulf %sub3A_556, %sub3A_556 : vector<16xf32>
        %add3A_558 = arith.addf %add3A_420, %mul3A_557 : vector<16xf32>
        %add3A_559 = arith.constant 6 : i32
        %add3A_560 = arith.addi %mul3A_104, %add3A_559 : i32
        %get3A_561 = arith.index_cast %add3A_560 : i32 to index
        %get3A_562 = arith.constant 48 : index
        %get3A_563 = tpu.vector_load %arg8[%get3A_561, %get3A_562] {strides = array<i32>} : memref<128x64xf32, #tpu.memory_space<vmem>>, vector<16xf32>,
        %sub3A_564 = arith.subf %get3A_505, %get3A_563 : vector<16xf32>
        %mul3A_565 = arith.mulf %sub3A_564, %sub3A_564 : vector<16xf32>
        %add3A_566 = arith.addf %add3A_428, %mul3A_565 : vector<16xf32>
        %add3A_567 = arith.constant 7 : i32
        %add3A_568 = arith.addi %mul3A_104, %add3A_567 : i32
        %get3A_569 = arith.index_cast %add3A_568 : i32 to index
        %get3A_570 = arith.constant 48 : index
        %get3A_571 = tpu.vector_load %arg8[%get3A_569, %get3A_570] {strides = array<i32>} : memref<128x64xf32, #tpu.memory_space<vmem>>, vector<16xf32>,
        %sub3A_572 = arith.subf %get3A_505, %get3A_571 : vector<16xf32>
        %mul3A_573 = arith.mulf %sub3A_572, %sub3A_572 : vector<16xf32>
        %add3A_574 = arith.addf %add3A_436, %mul3A_573 : vector<16xf32>
        %add3A_575 = arith.constant 8 : i32
        %add3A_576 = arith.addi %mul3A_104, %add3A_575 : i32
        %get3A_577 = arith.index_cast %add3A_576 : i32 to index
        %get3A_578 = arith.constant 48 : index
        %get3A_579 = tpu.vector_load %arg8[%get3A_577, %get3A_578] {strides = array<i32>} : memref<128x64xf32, #tpu.memory_space<vmem>>, vector<16xf32>,
        %sub3A_580 = arith.subf %get3A_510, %get3A_579 : vector<16xf32>
        %mul3A_581 = arith.mulf %sub3A_580, %sub3A_580 : vector<16xf32>
        %add3A_582 = arith.addf %add3A_444, %mul3A_581 : vector<16xf32>
        %add3A_583 = arith.constant 9 : i32
        %add3A_584 = arith.addi %mul3A_104, %add3A_583 : i32
        %get3A_585 = arith.index_cast %add3A_584 : i32 to index
        %get3A_586 = arith.constant 48 : index
        %get3A_587 = tpu.vector_load %arg8[%get3A_585, %get3A_586] {strides = array<i32>} : memref<128x64xf32, #tpu.memory_space<vmem>>, vector<16xf32>,
        %sub3A_588 = arith.subf %get3A_510, %get3A_587 : vector<16xf32>
        %mul3A_589 = arith.mulf %sub3A_588, %sub3A_588 : vector<16xf32>
        %add3A_590 = arith.addf %add3A_452, %mul3A_589 : vector<16xf32>
        %add3A_591 = arith.constant 10 : i32
        %add3A_592 = arith.addi %mul3A_104, %add3A_591 : i32
        %get3A_593 = arith.index_cast %add3A_592 : i32 to index
        %get3A_594 = arith.constant 48 : index
        %get3A_595 = tpu.vector_load %arg8[%get3A_593, %get3A_594] {strides = array<i32>} : memref<128x64xf32, #tpu.memory_space<vmem>>, vector<16xf32>,
        %sub3A_596 = arith.subf %get3A_510, %get3A_595 : vector<16xf32>
        %mul3A_597 = arith.mulf %sub3A_596, %sub3A_596 : vector<16xf32>
        %add3A_598 = arith.addf %add3A_460, %mul3A_597 : vector<16xf32>
        %add3A_599 = arith.constant 11 : i32
        %add3A_600 = arith.addi %mul3A_104, %add3A_599 : i32
        %get3A_601 = arith.index_cast %add3A_600 : i32 to index
        %get3A_602 = arith.constant 48 : index
        %get3A_603 = tpu.vector_load %arg8[%get3A_601, %get3A_602] {strides = array<i32>} : memref<128x64xf32, #tpu.memory_space<vmem>>, vector<16xf32>,
        %sub3A_604 = arith.subf %get3A_510, %get3A_603 : vector<16xf32>
        %mul3A_605 = arith.mulf %sub3A_604, %sub3A_604 : vector<16xf32>
        %add3A_606 = arith.addf %add3A_468, %mul3A_605 : vector<16xf32>
        %add3A_607 = arith.constant 12 : i32
        %add3A_608 = arith.addi %mul3A_104, %add3A_607 : i32
        %get3A_609 = arith.index_cast %add3A_608 : i32 to index
        %get3A_610 = arith.constant 48 : index
        %get3A_611 = tpu.vector_load %arg8[%get3A_609, %get3A_610] {strides = array<i32>} : memref<128x64xf32, #tpu.memory_space<vmem>>, vector<16xf32>,
        %sub3A_612 = arith.subf %get3A_510, %get3A_611 : vector<16xf32>
        %mul3A_613 = arith.mulf %sub3A_612, %sub3A_612 : vector<16xf32>
        %add3A_614 = arith.addf %add3A_476, %mul3A_613 : vector<16xf32>
        %add3A_615 = arith.constant 13 : i32
        %add3A_616 = arith.addi %mul3A_104, %add3A_615 : i32
        %get3A_617 = arith.index_cast %add3A_616 : i32 to index
        %get3A_618 = arith.constant 48 : index
        %get3A_619 = tpu.vector_load %arg8[%get3A_617, %get3A_618] {strides = array<i32>} : memref<128x64xf32, #tpu.memory_space<vmem>>, vector<16xf32>,
        %sub3A_620 = arith.subf %get3A_510, %get3A_619 : vector<16xf32>
        %mul3A_621 = arith.mulf %sub3A_620, %sub3A_620 : vector<16xf32>
        %add3A_622 = arith.addf %add3A_484, %mul3A_621 : vector<16xf32>
        %add3A_623 = arith.constant 14 : i32
        %add3A_624 = arith.addi %mul3A_104, %add3A_623 : i32
        %get3A_625 = arith.index_cast %add3A_624 : i32 to index
        %get3A_626 = arith.constant 48 : index
        %get3A_627 = tpu.vector_load %arg8[%get3A_625, %get3A_626] {strides = array<i32>} : memref<128x64xf32, #tpu.memory_space<vmem>>, vector<16xf32>,
        %sub3A_628 = arith.subf %get3A_510, %get3A_627 : vector<16xf32>
        %mul3A_629 = arith.mulf %sub3A_628, %sub3A_628 : vector<16xf32>
        %add3A_630 = arith.addf %add3A_492, %mul3A_629 : vector<16xf32>
        %add3A_631 = arith.constant 15 : i32
        %add3A_632 = arith.addi %mul3A_104, %add3A_631 : i32
        %get3A_633 = arith.index_cast %add3A_632 : i32 to index
        %get3A_634 = arith.constant 48 : index
        %get3A_635 = tpu.vector_load %arg8[%get3A_633, %get3A_634] {strides = array<i32>} : memref<128x64xf32, #tpu.memory_space<vmem>>, vector<16xf32>,
        %sub3A_636 = arith.subf %get3A_510, %get3A_635 : vector<16xf32>
        %mul3A_637 = arith.mulf %sub3A_636, %sub3A_636 : vector<16xf32>
        %add3A_638 = arith.addf %add3A_500, %mul3A_637 : vector<16xf32>
        %broadcast_in_dim3A_639 = arith.constant 0.000000e+00 : f32
        %broadcast_in_dim3A_640 = vector.broadcast %broadcast_in_dim3A_639 : f32 to vector<16xf32>
        %eq3A = arith.constant 0 : i32
        %eq3A_641 = vector.broadcast %eq3A : i32 to vector<16xi32>
        %eq3A_642 = arith.cmpi eq, %iota3A, %eq3A_641 : vector<16xi32>
        %reduce_sum3A = arith.constant true
        %reduce_sum3A_643 = vector.broadcast %reduce_sum3A : i1 to vector<16xi1>
        %reduce_sum3A_644 = tpu.scan <sum>, %add3A_518 masked %reduce_sum3A_643 : vector<16xf32>, vector<16xi1> -> vector<16xf32>
        %reduce_sum3A_645 = vector.extract %reduce_sum3A_644[15] : f32 from vector<16xf32>
        %broadcast_in_dim3A_646 = vector.broadcast %reduce_sum3A_645 : f32 to vector<16xf32>
        %select_n3A = arith.select %eq3A_642, %broadcast_in_dim3A_646, %broadcast_in_dim3A_640 : vector<16xi1>, vector<16xf32>
        %eq3A_647 = arith.constant 1 : i32
        %eq3A_648 = vector.broadcast %eq3A_647 : i32 to vector<16xi32>
        %eq3A_649 = arith.cmpi eq, %iota3A, %eq3A_648 : vector<16xi32>
        %reduce_sum3A_650 = arith.constant true
        %reduce_sum3A_651 = vector.broadcast %reduce_sum3A_650 : i1 to vector<16xi1>
        %reduce_sum3A_652 = tpu.scan <sum>, %add3A_526 masked %reduce_sum3A_651 : vector<16xf32>, vector<16xi1> -> vector<16xf32>
        %reduce_sum3A_653 = vector.extract %reduce_sum3A_652[15] : f32 from vector<16xf32>
        %broadcast_in_dim3A_654 = vector.broadcast %reduce_sum3A_653 : f32 to vector<16xf32>
        %select_n3A_655 = arith.select %eq3A_649, %broadcast_in_dim3A_654, %select_n3A : vector<16xi1>, vector<16xf32>
        %eq3A_656 = arith.constant 2 : i32
        %eq3A_657 = vector.broadcast %eq3A_656 : i32 to vector<16xi32>
        %eq3A_658 = arith.cmpi eq, %iota3A, %eq3A_657 : vector<16xi32>
        %reduce_sum3A_659 = arith.constant true
        %reduce_sum3A_660 = vector.broadcast %reduce_sum3A_659 : i1 to vector<16xi1>
        %reduce_sum3A_661 = tpu.scan <sum>, %add3A_534 masked %reduce_sum3A_660 : vector<16xf32>, vector<16xi1> -> vector<16xf32>
        %reduce_sum3A_662 = vector.extract %reduce_sum3A_661[15] : f32 from vector<16xf32>
        %broadcast_in_dim3A_663 = vector.broadcast %reduce_sum3A_662 : f32 to vector<16xf32>
        %select_n3A_664 = arith.select %eq3A_658, %broadcast_in_dim3A_663, %select_n3A_655 : vector<16xi1>, vector<16xf32>
        %eq3A_665 = arith.constant 3 : i32
        %eq3A_666 = vector.broadcast %eq3A_665 : i32 to vector<16xi32>
        %eq3A_667 = arith.cmpi eq, %iota3A, %eq3A_666 : vector<16xi32>
        %reduce_sum3A_668 = arith.constant true
        %reduce_sum3A_669 = vector.broadcast %reduce_sum3A_668 : i1 to vector<16xi1>
        %reduce_sum3A_670 = tpu.scan <sum>, %add3A_542 masked %reduce_sum3A_669 : vector<16xf32>, vector<16xi1> -> vector<16xf32>
        %reduce_sum3A_671 = vector.extract %reduce_sum3A_670[15] : f32 from vector<16xf32>
        %broadcast_in_dim3A_672 = vector.broadcast %reduce_sum3A_671 : f32 to vector<16xf32>
        %select_n3A_673 = arith.select %eq3A_667, %broadcast_in_dim3A_672, %select_n3A_664 : vector<16xi1>, vector<16xf32>
        %eq3A_674 = arith.constant 4 : i32
        %eq3A_675 = vector.broadcast %eq3A_674 : i32 to vector<16xi32>
        %eq3A_676 = arith.cmpi eq, %iota3A, %eq3A_675 : vector<16xi32>
        %reduce_sum3A_677 = arith.constant true
        %reduce_sum3A_678 = vector.broadcast %reduce_sum3A_677 : i1 to vector<16xi1>
        %reduce_sum3A_679 = tpu.scan <sum>, %add3A_550 masked %reduce_sum3A_678 : vector<16xf32>, vector<16xi1> -> vector<16xf32>
        %reduce_sum3A_680 = vector.extract %reduce_sum3A_679[15] : f32 from vector<16xf32>
        %broadcast_in_dim3A_681 = vector.broadcast %reduce_sum3A_680 : f32 to vector<16xf32>
        %select_n3A_682 = arith.select %eq3A_676, %broadcast_in_dim3A_681, %select_n3A_673 : vector<16xi1>, vector<16xf32>
        %eq3A_683 = arith.constant 5 : i32
        %eq3A_684 = vector.broadcast %eq3A_683 : i32 to vector<16xi32>
        %eq3A_685 = arith.cmpi eq, %iota3A, %eq3A_684 : vector<16xi32>
        %reduce_sum3A_686 = arith.constant true
        %reduce_sum3A_687 = vector.broadcast %reduce_sum3A_686 : i1 to vector<16xi1>
        %reduce_sum3A_688 = tpu.scan <sum>, %add3A_558 masked %reduce_sum3A_687 : vector<16xf32>, vector<16xi1> -> vector<16xf32>
        %reduce_sum3A_689 = vector.extract %reduce_sum3A_688[15] : f32 from vector<16xf32>
        %broadcast_in_dim3A_690 = vector.broadcast %reduce_sum3A_689 : f32 to vector<16xf32>
        %select_n3A_691 = arith.select %eq3A_685, %broadcast_in_dim3A_690, %select_n3A_682 : vector<16xi1>, vector<16xf32>
        %eq3A_692 = arith.constant 6 : i32
        %eq3A_693 = vector.broadcast %eq3A_692 : i32 to vector<16xi32>
        %eq3A_694 = arith.cmpi eq, %iota3A, %eq3A_693 : vector<16xi32>
        %reduce_sum3A_695 = arith.constant true
        %reduce_sum3A_696 = vector.broadcast %reduce_sum3A_695 : i1 to vector<16xi1>
        %reduce_sum3A_697 = tpu.scan <sum>, %add3A_566 masked %reduce_sum3A_696 : vector<16xf32>, vector<16xi1> -> vector<16xf32>
        %reduce_sum3A_698 = vector.extract %reduce_sum3A_697[15] : f32 from vector<16xf32>
        %broadcast_in_dim3A_699 = vector.broadcast %reduce_sum3A_698 : f32 to vector<16xf32>
        %select_n3A_700 = arith.select %eq3A_694, %broadcast_in_dim3A_699, %select_n3A_691 : vector<16xi1>, vector<16xf32>
        %eq3A_701 = arith.constant 7 : i32
        %eq3A_702 = vector.broadcast %eq3A_701 : i32 to vector<16xi32>
        %eq3A_703 = arith.cmpi eq, %iota3A, %eq3A_702 : vector<16xi32>
        %reduce_sum3A_704 = arith.constant true
        %reduce_sum3A_705 = vector.broadcast %reduce_sum3A_704 : i1 to vector<16xi1>
        %reduce_sum3A_706 = tpu.scan <sum>, %add3A_574 masked %reduce_sum3A_705 : vector<16xf32>, vector<16xi1> -> vector<16xf32>
        %reduce_sum3A_707 = vector.extract %reduce_sum3A_706[15] : f32 from vector<16xf32>
        %broadcast_in_dim3A_708 = vector.broadcast %reduce_sum3A_707 : f32 to vector<16xf32>
        %select_n3A_709 = arith.select %eq3A_703, %broadcast_in_dim3A_708, %select_n3A_700 : vector<16xi1>, vector<16xf32>
        %eq3A_710 = arith.constant 8 : i32
        %eq3A_711 = vector.broadcast %eq3A_710 : i32 to vector<16xi32>
        %eq3A_712 = arith.cmpi eq, %iota3A, %eq3A_711 : vector<16xi32>
        %reduce_sum3A_713 = arith.constant true
        %reduce_sum3A_714 = vector.broadcast %reduce_sum3A_713 : i1 to vector<16xi1>
        %reduce_sum3A_715 = tpu.scan <sum>, %add3A_582 masked %reduce_sum3A_714 : vector<16xf32>, vector<16xi1> -> vector<16xf32>
        %reduce_sum3A_716 = vector.extract %reduce_sum3A_715[15] : f32 from vector<16xf32>
        %broadcast_in_dim3A_717 = vector.broadcast %reduce_sum3A_716 : f32 to vector<16xf32>
        %select_n3A_718 = arith.select %eq3A_712, %broadcast_in_dim3A_717, %select_n3A_709 : vector<16xi1>, vector<16xf32>
        %eq3A_719 = arith.constant 9 : i32
        %eq3A_720 = vector.broadcast %eq3A_719 : i32 to vector<16xi32>
        %eq3A_721 = arith.cmpi eq, %iota3A, %eq3A_720 : vector<16xi32>
        %reduce_sum3A_722 = arith.constant true
        %reduce_sum3A_723 = vector.broadcast %reduce_sum3A_722 : i1 to vector<16xi1>
        %reduce_sum3A_724 = tpu.scan <sum>, %add3A_590 masked %reduce_sum3A_723 : vector<16xf32>, vector<16xi1> -> vector<16xf32>
        %reduce_sum3A_725 = vector.extract %reduce_sum3A_724[15] : f32 from vector<16xf32>
        %broadcast_in_dim3A_726 = vector.broadcast %reduce_sum3A_725 : f32 to vector<16xf32>
        %select_n3A_727 = arith.select %eq3A_721, %broadcast_in_dim3A_726, %select_n3A_718 : vector<16xi1>, vector<16xf32>
        %eq3A_728 = arith.constant 10 : i32
        %eq3A_729 = vector.broadcast %eq3A_728 : i32 to vector<16xi32>
        %eq3A_730 = arith.cmpi eq, %iota3A, %eq3A_729 : vector<16xi32>
        %reduce_sum3A_731 = arith.constant true
        %reduce_sum3A_732 = vector.broadcast %reduce_sum3A_731 : i1 to vector<16xi1>
        %reduce_sum3A_733 = tpu.scan <sum>, %add3A_598 masked %reduce_sum3A_732 : vector<16xf32>, vector<16xi1> -> vector<16xf32>
        %reduce_sum3A_734 = vector.extract %reduce_sum3A_733[15] : f32 from vector<16xf32>
        %broadcast_in_dim3A_735 = vector.broadcast %reduce_sum3A_734 : f32 to vector<16xf32>
        %select_n3A_736 = arith.select %eq3A_730, %broadcast_in_dim3A_735, %select_n3A_727 : vector<16xi1>, vector<16xf32>
        %eq3A_737 = arith.constant 11 : i32
        %eq3A_738 = vector.broadcast %eq3A_737 : i32 to vector<16xi32>
        %eq3A_739 = arith.cmpi eq, %iota3A, %eq3A_738 : vector<16xi32>
        %reduce_sum3A_740 = arith.constant true
        %reduce_sum3A_741 = vector.broadcast %reduce_sum3A_740 : i1 to vector<16xi1>
        %reduce_sum3A_742 = tpu.scan <sum>, %add3A_606 masked %reduce_sum3A_741 : vector<16xf32>, vector<16xi1> -> vector<16xf32>
        %reduce_sum3A_743 = vector.extract %reduce_sum3A_742[15] : f32 from vector<16xf32>
        %broadcast_in_dim3A_744 = vector.broadcast %reduce_sum3A_743 : f32 to vector<16xf32>
        %select_n3A_745 = arith.select %eq3A_739, %broadcast_in_dim3A_744, %select_n3A_736 : vector<16xi1>, vector<16xf32>
        %eq3A_746 = arith.constant 12 : i32
        %eq3A_747 = vector.broadcast %eq3A_746 : i32 to vector<16xi32>
        %eq3A_748 = arith.cmpi eq, %iota3A, %eq3A_747 : vector<16xi32>
        %reduce_sum3A_749 = arith.constant true
        %reduce_sum3A_750 = vector.broadcast %reduce_sum3A_749 : i1 to vector<16xi1>
        %reduce_sum3A_751 = tpu.scan <sum>, %add3A_614 masked %reduce_sum3A_750 : vector<16xf32>, vector<16xi1> -> vector<16xf32>
        %reduce_sum3A_752 = vector.extract %reduce_sum3A_751[15] : f32 from vector<16xf32>
        %broadcast_in_dim3A_753 = vector.broadcast %reduce_sum3A_752 : f32 to vector<16xf32>
        %select_n3A_754 = arith.select %eq3A_748, %broadcast_in_dim3A_753, %select_n3A_745 : vector<16xi1>, vector<16xf32>
        %eq3A_755 = arith.constant 13 : i32
        %eq3A_756 = vector.broadcast %eq3A_755 : i32 to vector<16xi32>
        %eq3A_757 = arith.cmpi eq, %iota3A, %eq3A_756 : vector<16xi32>
        %reduce_sum3A_758 = arith.constant true
        %reduce_sum3A_759 = vector.broadcast %reduce_sum3A_758 : i1 to vector<16xi1>
        %reduce_sum3A_760 = tpu.scan <sum>, %add3A_622 masked %reduce_sum3A_759 : vector<16xf32>, vector<16xi1> -> vector<16xf32>
        %reduce_sum3A_761 = vector.extract %reduce_sum3A_760[15] : f32 from vector<16xf32>
        %broadcast_in_dim3A_762 = vector.broadcast %reduce_sum3A_761 : f32 to vector<16xf32>
        %select_n3A_763 = arith.select %eq3A_757, %broadcast_in_dim3A_762, %select_n3A_754 : vector<16xi1>, vector<16xf32>
        %eq3A_764 = arith.constant 14 : i32
        %eq3A_765 = vector.broadcast %eq3A_764 : i32 to vector<16xi32>
        %eq3A_766 = arith.cmpi eq, %iota3A, %eq3A_765 : vector<16xi32>
        %reduce_sum3A_767 = arith.constant true
        %reduce_sum3A_768 = vector.broadcast %reduce_sum3A_767 : i1 to vector<16xi1>
        %reduce_sum3A_769 = tpu.scan <sum>, %add3A_630 masked %reduce_sum3A_768 : vector<16xf32>, vector<16xi1> -> vector<16xf32>
        %reduce_sum3A_770 = vector.extract %reduce_sum3A_769[15] : f32 from vector<16xf32>
        %broadcast_in_dim3A_771 = vector.broadcast %reduce_sum3A_770 : f32 to vector<16xf32>
        %select_n3A_772 = arith.select %eq3A_766, %broadcast_in_dim3A_771, %select_n3A_763 : vector<16xi1>, vector<16xf32>
        %eq3A_773 = arith.constant 15 : i32
        %eq3A_774 = vector.broadcast %eq3A_773 : i32 to vector<16xi32>
        %eq3A_775 = arith.cmpi eq, %iota3A, %eq3A_774 : vector<16xi32>
        %reduce_sum3A_776 = arith.constant true
        %reduce_sum3A_777 = vector.broadcast %reduce_sum3A_776 : i1 to vector<16xi1>
        %reduce_sum3A_778 = tpu.scan <sum>, %add3A_638 masked %reduce_sum3A_777 : vector<16xf32>, vector<16xi1> -> vector<16xf32>
        %reduce_sum3A_779 = vector.extract %reduce_sum3A_778[15] : f32 from vector<16xf32>
        %broadcast_in_dim3A_780 = vector.broadcast %reduce_sum3A_779 : f32 to vector<16xf32>
        %select_n3A_781 = arith.select %eq3A_775, %broadcast_in_dim3A_780, %select_n3A_772 : vector<16xi1>, vector<16xf32>
        %max3A = arith.constant 9.99999996E-13 : f32
        %max3A_782 = vector.broadcast %max3A : f32 to vector<16xf32>
        %max3A_783 = arith.maximumf %select_n3A_781, %max3A_782 : vector<16xf32>
        %bitcast3A = vector.bitcast %max3A_783 : vector<16xf32> to vector<16xi32>
        %shift_right_logical3A = arith.constant 1 : i32
        %shift_right_logical3A_784 = vector.broadcast %shift_right_logical3A : i32 to vector<16xi32>
        %shift_right_logical3A_785 = arith.shrui %bitcast3A, %shift_right_logical3A_784 : vector<16xi32>
        %sub3A_786 = arith.constant 1597463007 : i32
        %sub3A_787 = vector.broadcast %sub3A_786 : i32 to vector<16xi32>
        %sub3A_788 = arith.subi %sub3A_787, %shift_right_logical3A_785 : vector<16xi32>
        %bitcast3A_789 = vector.bitcast %sub3A_788 : vector<16xi32> to vector<16xf32>
        %mul3A_790 = arith.constant 5.000000e-01 : f32
        %mul3A_791 = vector.broadcast %mul3A_790 : f32 to vector<16xf32>
        %mul3A_792 = arith.mulf %mul3A_791, %max3A_783 : vector<16xf32>
        %mul3A_793 = arith.mulf %mul3A_792, %bitcast3A_789 : vector<16xf32>
        %mul3A_794 = arith.mulf %mul3A_793, %bitcast3A_789 : vector<16xf32>
        %sub3A_795 = arith.constant 1.500000e+00 : f32
        %sub3A_796 = vector.broadcast %sub3A_795 : f32 to vector<16xf32>
        %sub3A_797 = arith.subf %sub3A_796, %mul3A_794 : vector<16xf32>
        %mul3A_798 = arith.mulf %bitcast3A_789, %sub3A_797 : vector<16xf32>
        %mul3A_799 = arith.constant 5.000000e-01 : f32
        %mul3A_800 = vector.broadcast %mul3A_799 : f32 to vector<16xf32>
        %mul3A_801 = arith.mulf %mul3A_800, %max3A_783 : vector<16xf32>
        %mul3A_802 = arith.mulf %mul3A_801, %mul3A_798 : vector<16xf32>
        %mul3A_803 = arith.mulf %mul3A_802, %mul3A_798 : vector<16xf32>
        %sub3A_804 = arith.constant 1.500000e+00 : f32
        %sub3A_805 = vector.broadcast %sub3A_804 : f32 to vector<16xf32>
        %sub3A_806 = arith.subf %sub3A_805, %mul3A_803 : vector<16xf32>
        %mul3A_807 = arith.mulf %mul3A_798, %sub3A_806 : vector<16xf32>
        %mul3A_808 = arith.mulf %select_n3A_781, %mul3A_807 : vector<16xf32>
        %mul3A_809 = arith.constant 16 : i32
        %mul3A_810 = arith.muli %mul3A_99, %mul3A_809 : i32
        %swap3A_811 = arith.index_cast %mul3A_53 : i32 to index
        %swap3A_812 = arith.index_cast %mul3A_810 : i32 to index
        %swap3A_813 = tpu.vector_load %arg14[%swap3A_811, %swap3A_812] {strides = array<i32>} : memref<32x128xf32, #tpu.memory_space<vmem>>, vector<16xf32>,
        tpu.vector_store %arg14[%swap3A_811, %swap3A_812], %mul3A_808 {strides = array<i32>} : memref<32x128xf32, #tpu.memory_space<vmem>>, vector<16xf32>,
        %add3A_814 = arith.addf %scan3A_97, %mul3A_808 : vector<16xf32>
        %mul3A_815 = arith.constant 2 : i32
        %mul3A_816 = arith.muli %mul3A_815, %scan3A_96 : i32
        %add3A_817 = arith.constant 1 : i32
        %add3A_818 = arith.addi %mul3A_816, %add3A_817 : i32
        %mul3A_819 = arith.constant 2 : i32
        %mul3A_820 = arith.muli %add3A_818, %mul3A_819 : i32
        %add3A_821 = arith.addi %mul3A_55, %mul3A_820 : i32
        %mul3A_822 = arith.constant 16 : i32
        %mul3A_823 = arith.muli %add3A_818, %mul3A_822 : i32
        %add3A_824 = arith.constant 0 : i32
        %add3A_825 = arith.addi %add3A_821, %add3A_824 : i32
        %get3A_826 = arith.index_cast %add3A_825 : i32 to index
        %get3A_827 = arith.constant 0 : index
        %get3A_828 = tpu.vector_load %arg7[%get3A_826, %get3A_827] {strides = array<i32>} : memref<512x64xf32, #tpu.memory_space<vmem>>, vector<16xf32>,
        %add3A_829 = arith.constant 1 : i32
        %add3A_830 = arith.addi %add3A_821, %add3A_829 : i32
        %get3A_831 = arith.index_cast %add3A_830 : i32 to index
        %get3A_832 = arith.constant 0 : index
        %get3A_833 = tpu.vector_load %arg7[%get3A_831, %get3A_832] {strides = array<i32>} : memref<512x64xf32, #tpu.memory_space<vmem>>, vector<16xf32>,
        %add3A_834 = arith.constant 0 : i32
        %add3A_835 = arith.addi %mul3A_823, %add3A_834 : i32
        %get3A_836 = arith.index_cast %add3A_835 : i32 to index
        %get3A_837 = arith.constant 0 : index
        %get3A_838 = tpu.vector_load %arg8[%get3A_836, %get3A_837] {strides = array<i32>} : memref<128x64xf32, #tpu.memory_space<vmem>>, vector<16xf32>,
        %sub3A_839 = arith.subf %get3A_828, %get3A_838 : vector<16xf32>
        %mul3A_840 = arith.mulf %sub3A_839, %sub3A_839 : vector<16xf32>
        %add3A_841 = arith.constant 1 : i32
        %add3A_842 = arith.addi %mul3A_823, %add3A_841 : i32
        %get3A_843 = arith.index_cast %add3A_842 : i32 to index
        %get3A_844 = arith.constant 0 : index
        %get3A_845 = tpu.vector_load %arg8[%get3A_843, %get3A_844] {strides = array<i32>} : memref<128x64xf32, #tpu.memory_space<vmem>>, vector<16xf32>,
        %sub3A_846 = arith.subf %get3A_828, %get3A_845 : vector<16xf32>
        %mul3A_847 = arith.mulf %sub3A_846, %sub3A_846 : vector<16xf32>
        %add3A_848 = arith.constant 2 : i32
        %add3A_849 = arith.addi %mul3A_823, %add3A_848 : i32
        %get3A_850 = arith.index_cast %add3A_849 : i32 to index
        %get3A_851 = arith.constant 0 : index
        %get3A_852 = tpu.vector_load %arg8[%get3A_850, %get3A_851] {strides = array<i32>} : memref<128x64xf32, #tpu.memory_space<vmem>>, vector<16xf32>,
        %sub3A_853 = arith.subf %get3A_828, %get3A_852 : vector<16xf32>
        %mul3A_854 = arith.mulf %sub3A_853, %sub3A_853 : vector<16xf32>
        %add3A_855 = arith.constant 3 : i32
        %add3A_856 = arith.addi %mul3A_823, %add3A_855 : i32
        %get3A_857 = arith.index_cast %add3A_856 : i32 to index
        %get3A_858 = arith.constant 0 : index
        %get3A_859 = tpu.vector_load %arg8[%get3A_857, %get3A_858] {strides = array<i32>} : memref<128x64xf32, #tpu.memory_space<vmem>>, vector<16xf32>,
        %sub3A_860 = arith.subf %get3A_828, %get3A_859 : vector<16xf32>
        %mul3A_861 = arith.mulf %sub3A_860, %sub3A_860 : vector<16xf32>
        %add3A_862 = arith.constant 4 : i32
        %add3A_863 = arith.addi %mul3A_823, %add3A_862 : i32
        %get3A_864 = arith.index_cast %add3A_863 : i32 to index
        %get3A_865 = arith.constant 0 : index
        %get3A_866 = tpu.vector_load %arg8[%get3A_864, %get3A_865] {strides = array<i32>} : memref<128x64xf32, #tpu.memory_space<vmem>>, vector<16xf32>,
        %sub3A_867 = arith.subf %get3A_828, %get3A_866 : vector<16xf32>
        %mul3A_868 = arith.mulf %sub3A_867, %sub3A_867 : vector<16xf32>
        %add3A_869 = arith.constant 5 : i32
        %add3A_870 = arith.addi %mul3A_823, %add3A_869 : i32
        %get3A_871 = arith.index_cast %add3A_870 : i32 to index
        %get3A_872 = arith.constant 0 : index
        %get3A_873 = tpu.vector_load %arg8[%get3A_871, %get3A_872] {strides = array<i32>} : memref<128x64xf32, #tpu.memory_space<vmem>>, vector<16xf32>,
        %sub3A_874 = arith.subf %get3A_828, %get3A_873 : vector<16xf32>
        %mul3A_875 = arith.mulf %sub3A_874, %sub3A_874 : vector<16xf32>
        %add3A_876 = arith.constant 6 : i32
        %add3A_877 = arith.addi %mul3A_823, %add3A_876 : i32
        %get3A_878 = arith.index_cast %add3A_877 : i32 to index
        %get3A_879 = arith.constant 0 : index
        %get3A_880 = tpu.vector_load %arg8[%get3A_878, %get3A_879] {strides = array<i32>} : memref<128x64xf32, #tpu.memory_space<vmem>>, vector<16xf32>,
        %sub3A_881 = arith.subf %get3A_828, %get3A_880 : vector<16xf32>
        %mul3A_882 = arith.mulf %sub3A_881, %sub3A_881 : vector<16xf32>
        %add3A_883 = arith.constant 7 : i32
        %add3A_884 = arith.addi %mul3A_823, %add3A_883 : i32
        %get3A_885 = arith.index_cast %add3A_884 : i32 to index
        %get3A_886 = arith.constant 0 : index
        %get3A_887 = tpu.vector_load %arg8[%get3A_885, %get3A_886] {strides = array<i32>} : memref<128x64xf32, #tpu.memory_space<vmem>>, vector<16xf32>,
        %sub3A_888 = arith.subf %get3A_828, %get3A_887 : vector<16xf32>
        %mul3A_889 = arith.mulf %sub3A_888, %sub3A_888 : vector<16xf32>
        %add3A_890 = arith.constant 8 : i32
        %add3A_891 = arith.addi %mul3A_823, %add3A_890 : i32
        %get3A_892 = arith.index_cast %add3A_891 : i32 to index
        %get3A_893 = arith.constant 0 : index
        %get3A_894 = tpu.vector_load %arg8[%get3A_892, %get3A_893] {strides = array<i32>} : memref<128x64xf32, #tpu.memory_space<vmem>>, vector<16xf32>,
        %sub3A_895 = arith.subf %get3A_833, %get3A_894 : vector<16xf32>
        %mul3A_896 = arith.mulf %sub3A_895, %sub3A_895 : vector<16xf32>
        %add3A_897 = arith.constant 9 : i32
        %add3A_898 = arith.addi %mul3A_823, %add3A_897 : i32
        %get3A_899 = arith.index_cast %add3A_898 : i32 to index
        %get3A_900 = arith.constant 0 : index
        %get3A_901 = tpu.vector_load %arg8[%get3A_899, %get3A_900] {strides = array<i32>} : memref<128x64xf32, #tpu.memory_space<vmem>>, vector<16xf32>,
        %sub3A_902 = arith.subf %get3A_833, %get3A_901 : vector<16xf32>
        %mul3A_903 = arith.mulf %sub3A_902, %sub3A_902 : vector<16xf32>
        %add3A_904 = arith.constant 10 : i32
        %add3A_905 = arith.addi %mul3A_823, %add3A_904 : i32
        %get3A_906 = arith.index_cast %add3A_905 : i32 to index
        %get3A_907 = arith.constant 0 : index
        %get3A_908 = tpu.vector_load %arg8[%get3A_906, %get3A_907] {strides = array<i32>} : memref<128x64xf32, #tpu.memory_space<vmem>>, vector<16xf32>,
        %sub3A_909 = arith.subf %get3A_833, %get3A_908 : vector<16xf32>
        %mul3A_910 = arith.mulf %sub3A_909, %sub3A_909 : vector<16xf32>
        %add3A_911 = arith.constant 11 : i32
        %add3A_912 = arith.addi %mul3A_823, %add3A_911 : i32
        %get3A_913 = arith.index_cast %add3A_912 : i32 to index
        %get3A_914 = arith.constant 0 : index
        %get3A_915 = tpu.vector_load %arg8[%get3A_913, %get3A_914] {strides = array<i32>} : memref<128x64xf32, #tpu.memory_space<vmem>>, vector<16xf32>,
        %sub3A_916 = arith.subf %get3A_833, %get3A_915 : vector<16xf32>
        %mul3A_917 = arith.mulf %sub3A_916, %sub3A_916 : vector<16xf32>
        %add3A_918 = arith.constant 12 : i32
        %add3A_919 = arith.addi %mul3A_823, %add3A_918 : i32
        %get3A_920 = arith.index_cast %add3A_919 : i32 to index
        %get3A_921 = arith.constant 0 : index
        %get3A_922 = tpu.vector_load %arg8[%get3A_920, %get3A_921] {strides = array<i32>} : memref<128x64xf32, #tpu.memory_space<vmem>>, vector<16xf32>,
        %sub3A_923 = arith.subf %get3A_833, %get3A_922 : vector<16xf32>
        %mul3A_924 = arith.mulf %sub3A_923, %sub3A_923 : vector<16xf32>
        %add3A_925 = arith.constant 13 : i32
        %add3A_926 = arith.addi %mul3A_823, %add3A_925 : i32
        %get3A_927 = arith.index_cast %add3A_926 : i32 to index
        %get3A_928 = arith.constant 0 : index
        %get3A_929 = tpu.vector_load %arg8[%get3A_927, %get3A_928] {strides = array<i32>} : memref<128x64xf32, #tpu.memory_space<vmem>>, vector<16xf32>,
        %sub3A_930 = arith.subf %get3A_833, %get3A_929 : vector<16xf32>
        %mul3A_931 = arith.mulf %sub3A_930, %sub3A_930 : vector<16xf32>
        %add3A_932 = arith.constant 14 : i32
        %add3A_933 = arith.addi %mul3A_823, %add3A_932 : i32
        %get3A_934 = arith.index_cast %add3A_933 : i32 to index
        %get3A_935 = arith.constant 0 : index
        %get3A_936 = tpu.vector_load %arg8[%get3A_934, %get3A_935] {strides = array<i32>} : memref<128x64xf32, #tpu.memory_space<vmem>>, vector<16xf32>,
        %sub3A_937 = arith.subf %get3A_833, %get3A_936 : vector<16xf32>
        %mul3A_938 = arith.mulf %sub3A_937, %sub3A_937 : vector<16xf32>
        %add3A_939 = arith.constant 15 : i32
        %add3A_940 = arith.addi %mul3A_823, %add3A_939 : i32
        %get3A_941 = arith.index_cast %add3A_940 : i32 to index
        %get3A_942 = arith.constant 0 : index
        %get3A_943 = tpu.vector_load %arg8[%get3A_941, %get3A_942] {strides = array<i32>} : memref<128x64xf32, #tpu.memory_space<vmem>>, vector<16xf32>,
        %sub3A_944 = arith.subf %get3A_833, %get3A_943 : vector<16xf32>
        %mul3A_945 = arith.mulf %sub3A_944, %sub3A_944 : vector<16xf32>
        %add3A_946 = arith.constant 0 : i32
        %add3A_947 = arith.addi %add3A_821, %add3A_946 : i32
        %get3A_948 = arith.index_cast %add3A_947 : i32 to index
        %get3A_949 = arith.constant 16 : index
        %get3A_950 = tpu.vector_load %arg7[%get3A_948, %get3A_949] {strides = array<i32>} : memref<512x64xf32, #tpu.memory_space<vmem>>, vector<16xf32>,
        %add3A_951 = arith.constant 1 : i32
        %add3A_952 = arith.addi %add3A_821, %add3A_951 : i32
        %get3A_953 = arith.index_cast %add3A_952 : i32 to index
        %get3A_954 = arith.constant 16 : index
        %get3A_955 = tpu.vector_load %arg7[%get3A_953, %get3A_954] {strides = array<i32>} : memref<512x64xf32, #tpu.memory_space<vmem>>, vector<16xf32>,
        %add3A_956 = arith.constant 0 : i32
        %add3A_957 = arith.addi %mul3A_823, %add3A_956 : i32
        %get3A_958 = arith.index_cast %add3A_957 : i32 to index
        %get3A_959 = arith.constant 16 : index
        %get3A_960 = tpu.vector_load %arg8[%get3A_958, %get3A_959] {strides = array<i32>} : memref<128x64xf32, #tpu.memory_space<vmem>>, vector<16xf32>,
        %sub3A_961 = arith.subf %get3A_950, %get3A_960 : vector<16xf32>
        %mul3A_962 = arith.mulf %sub3A_961, %sub3A_961 : vector<16xf32>
        %add3A_963 = arith.addf %mul3A_840, %mul3A_962 : vector<16xf32>
        %add3A_964 = arith.constant 1 : i32
        %add3A_965 = arith.addi %mul3A_823, %add3A_964 : i32
        %get3A_966 = arith.index_cast %add3A_965 : i32 to index
        %get3A_967 = arith.constant 16 : index
        %get3A_968 = tpu.vector_load %arg8[%get3A_966, %get3A_967] {strides = array<i32>} : memref<128x64xf32, #tpu.memory_space<vmem>>, vector<16xf32>,
        %sub3A_969 = arith.subf %get3A_950, %get3A_968 : vector<16xf32>
        %mul3A_970 = arith.mulf %sub3A_969, %sub3A_969 : vector<16xf32>
        %add3A_971 = arith.addf %mul3A_847, %mul3A_970 : vector<16xf32>
        %add3A_972 = arith.constant 2 : i32
        %add3A_973 = arith.addi %mul3A_823, %add3A_972 : i32
        %get3A_974 = arith.index_cast %add3A_973 : i32 to index
        %get3A_975 = arith.constant 16 : index
        %get3A_976 = tpu.vector_load %arg8[%get3A_974, %get3A_975] {strides = array<i32>} : memref<128x64xf32, #tpu.memory_space<vmem>>, vector<16xf32>,
        %sub3A_977 = arith.subf %get3A_950, %get3A_976 : vector<16xf32>
        %mul3A_978 = arith.mulf %sub3A_977, %sub3A_977 : vector<16xf32>
        %add3A_979 = arith.addf %mul3A_854, %mul3A_978 : vector<16xf32>
        %add3A_980 = arith.constant 3 : i32
        %add3A_981 = arith.addi %mul3A_823, %add3A_980 : i32
        %get3A_982 = arith.index_cast %add3A_981 : i32 to index
        %get3A_983 = arith.constant 16 : index
        %get3A_984 = tpu.vector_load %arg8[%get3A_982, %get3A_983] {strides = array<i32>} : memref<128x64xf32, #tpu.memory_space<vmem>>, vector<16xf32>,
        %sub3A_985 = arith.subf %get3A_950, %get3A_984 : vector<16xf32>
        %mul3A_986 = arith.mulf %sub3A_985, %sub3A_985 : vector<16xf32>
        %add3A_987 = arith.addf %mul3A_861, %mul3A_986 : vector<16xf32>
        %add3A_988 = arith.constant 4 : i32
        %add3A_989 = arith.addi %mul3A_823, %add3A_988 : i32
        %get3A_990 = arith.index_cast %add3A_989 : i32 to index
        %get3A_991 = arith.constant 16 : index
        %get3A_992 = tpu.vector_load %arg8[%get3A_990, %get3A_991] {strides = array<i32>} : memref<128x64xf32, #tpu.memory_space<vmem>>, vector<16xf32>,
        %sub3A_993 = arith.subf %get3A_950, %get3A_992 : vector<16xf32>
        %mul3A_994 = arith.mulf %sub3A_993, %sub3A_993 : vector<16xf32>
        %add3A_995 = arith.addf %mul3A_868, %mul3A_994 : vector<16xf32>
        %add3A_996 = arith.constant 5 : i32
        %add3A_997 = arith.addi %mul3A_823, %add3A_996 : i32
        %get3A_998 = arith.index_cast %add3A_997 : i32 to index
        %get3A_999 = arith.constant 16 : index
        %get3A_1000 = tpu.vector_load %arg8[%get3A_998, %get3A_999] {strides = array<i32>} : memref<128x64xf32, #tpu.memory_space<vmem>>, vector<16xf32>,
        %sub3A_1001 = arith.subf %get3A_950, %get3A_1000 : vector<16xf32>
        %mul3A_1002 = arith.mulf %sub3A_1001, %sub3A_1001 : vector<16xf32>
        %add3A_1003 = arith.addf %mul3A_875, %mul3A_1002 : vector<16xf32>
        %add3A_1004 = arith.constant 6 : i32
        %add3A_1005 = arith.addi %mul3A_823, %add3A_1004 : i32
        %get3A_1006 = arith.index_cast %add3A_1005 : i32 to index
        %get3A_1007 = arith.constant 16 : index
        %get3A_1008 = tpu.vector_load %arg8[%get3A_1006, %get3A_1007] {strides = array<i32>} : memref<128x64xf32, #tpu.memory_space<vmem>>, vector<16xf32>,
        %sub3A_1009 = arith.subf %get3A_950, %get3A_1008 : vector<16xf32>
        %mul3A_1010 = arith.mulf %sub3A_1009, %sub3A_1009 : vector<16xf32>
        %add3A_1011 = arith.addf %mul3A_882, %mul3A_1010 : vector<16xf32>
        %add3A_1012 = arith.constant 7 : i32
        %add3A_1013 = arith.addi %mul3A_823, %add3A_1012 : i32
        %get3A_1014 = arith.index_cast %add3A_1013 : i32 to index
        %get3A_1015 = arith.constant 16 : index
        %get3A_1016 = tpu.vector_load %arg8[%get3A_1014, %get3A_1015] {strides = array<i32>} : memref<128x64xf32, #tpu.memory_space<vmem>>, vector<16xf32>,
        %sub3A_1017 = arith.subf %get3A_950, %get3A_1016 : vector<16xf32>
        %mul3A_1018 = arith.mulf %sub3A_1017, %sub3A_1017 : vector<16xf32>
        %add3A_1019 = arith.addf %mul3A_889, %mul3A_1018 : vector<16xf32>
        %add3A_1020 = arith.constant 8 : i32
        %add3A_1021 = arith.addi %mul3A_823, %add3A_1020 : i32
        %get3A_1022 = arith.index_cast %add3A_1021 : i32 to index
        %get3A_1023 = arith.constant 16 : index
        %get3A_1024 = tpu.vector_load %arg8[%get3A_1022, %get3A_1023] {strides = array<i32>} : memref<128x64xf32, #tpu.memory_space<vmem>>, vector<16xf32>,
        %sub3A_1025 = arith.subf %get3A_955, %get3A_1024 : vector<16xf32>
        %mul3A_1026 = arith.mulf %sub3A_1025, %sub3A_1025 : vector<16xf32>
        %add3A_1027 = arith.addf %mul3A_896, %mul3A_1026 : vector<16xf32>
        %add3A_1028 = arith.constant 9 : i32
        %add3A_1029 = arith.addi %mul3A_823, %add3A_1028 : i32
        %get3A_1030 = arith.index_cast %add3A_1029 : i32 to index
        %get3A_1031 = arith.constant 16 : index
        %get3A_1032 = tpu.vector_load %arg8[%get3A_1030, %get3A_1031] {strides = array<i32>} : memref<128x64xf32, #tpu.memory_space<vmem>>, vector<16xf32>,
        %sub3A_1033 = arith.subf %get3A_955, %get3A_1032 : vector<16xf32>
        %mul3A_1034 = arith.mulf %sub3A_1033, %sub3A_1033 : vector<16xf32>
        %add3A_1035 = arith.addf %mul3A_903, %mul3A_1034 : vector<16xf32>
        %add3A_1036 = arith.constant 10 : i32
        %add3A_1037 = arith.addi %mul3A_823, %add3A_1036 : i32
        %get3A_1038 = arith.index_cast %add3A_1037 : i32 to index
        %get3A_1039 = arith.constant 16 : index
        %get3A_1040 = tpu.vector_load %arg8[%get3A_1038, %get3A_1039] {strides = array<i32>} : memref<128x64xf32, #tpu.memory_space<vmem>>, vector<16xf32>,
        %sub3A_1041 = arith.subf %get3A_955, %get3A_1040 : vector<16xf32>
        %mul3A_1042 = arith.mulf %sub3A_1041, %sub3A_1041 : vector<16xf32>
        %add3A_1043 = arith.addf %mul3A_910, %mul3A_1042 : vector<16xf32>
        %add3A_1044 = arith.constant 11 : i32
        %add3A_1045 = arith.addi %mul3A_823, %add3A_1044 : i32
        %get3A_1046 = arith.index_cast %add3A_1045 : i32 to index
        %get3A_1047 = arith.constant 16 : index
        %get3A_1048 = tpu.vector_load %arg8[%get3A_1046, %get3A_1047] {strides = array<i32>} : memref<128x64xf32, #tpu.memory_space<vmem>>, vector<16xf32>,
        %sub3A_1049 = arith.subf %get3A_955, %get3A_1048 : vector<16xf32>
        %mul3A_1050 = arith.mulf %sub3A_1049, %sub3A_1049 : vector<16xf32>
        %add3A_1051 = arith.addf %mul3A_917, %mul3A_1050 : vector<16xf32>
        %add3A_1052 = arith.constant 12 : i32
        %add3A_1053 = arith.addi %mul3A_823, %add3A_1052 : i32
        %get3A_1054 = arith.index_cast %add3A_1053 : i32 to index
        %get3A_1055 = arith.constant 16 : index
        %get3A_1056 = tpu.vector_load %arg8[%get3A_1054, %get3A_1055] {strides = array<i32>} : memref<128x64xf32, #tpu.memory_space<vmem>>, vector<16xf32>,
        %sub3A_1057 = arith.subf %get3A_955, %get3A_1056 : vector<16xf32>
        %mul3A_1058 = arith.mulf %sub3A_1057, %sub3A_1057 : vector<16xf32>
        %add3A_1059 = arith.addf %mul3A_924, %mul3A_1058 : vector<16xf32>
        %add3A_1060 = arith.constant 13 : i32
        %add3A_1061 = arith.addi %mul3A_823, %add3A_1060 : i32
        %get3A_1062 = arith.index_cast %add3A_1061 : i32 to index
        %get3A_1063 = arith.constant 16 : index
        %get3A_1064 = tpu.vector_load %arg8[%get3A_1062, %get3A_1063] {strides = array<i32>} : memref<128x64xf32, #tpu.memory_space<vmem>>, vector<16xf32>,
        %sub3A_1065 = arith.subf %get3A_955, %get3A_1064 : vector<16xf32>
        %mul3A_1066 = arith.mulf %sub3A_1065, %sub3A_1065 : vector<16xf32>
        %add3A_1067 = arith.addf %mul3A_931, %mul3A_1066 : vector<16xf32>
        %add3A_1068 = arith.constant 14 : i32
        %add3A_1069 = arith.addi %mul3A_823, %add3A_1068 : i32
        %get3A_1070 = arith.index_cast %add3A_1069 : i32 to index
        %get3A_1071 = arith.constant 16 : index
        %get3A_1072 = tpu.vector_load %arg8[%get3A_1070, %get3A_1071] {strides = array<i32>} : memref<128x64xf32, #tpu.memory_space<vmem>>, vector<16xf32>,
        %sub3A_1073 = arith.subf %get3A_955, %get3A_1072 : vector<16xf32>
        %mul3A_1074 = arith.mulf %sub3A_1073, %sub3A_1073 : vector<16xf32>
        %add3A_1075 = arith.addf %mul3A_938, %mul3A_1074 : vector<16xf32>
        %add3A_1076 = arith.constant 15 : i32
        %add3A_1077 = arith.addi %mul3A_823, %add3A_1076 : i32
        %get3A_1078 = arith.index_cast %add3A_1077 : i32 to index
        %get3A_1079 = arith.constant 16 : index
        %get3A_1080 = tpu.vector_load %arg8[%get3A_1078, %get3A_1079] {strides = array<i32>} : memref<128x64xf32, #tpu.memory_space<vmem>>, vector<16xf32>,
        %sub3A_1081 = arith.subf %get3A_955, %get3A_1080 : vector<16xf32>
        %mul3A_1082 = arith.mulf %sub3A_1081, %sub3A_1081 : vector<16xf32>
        %add3A_1083 = arith.addf %mul3A_945, %mul3A_1082 : vector<16xf32>
        %add3A_1084 = arith.constant 0 : i32
        %add3A_1085 = arith.addi %add3A_821, %add3A_1084 : i32
        %get3A_1086 = arith.index_cast %add3A_1085 : i32 to index
        %get3A_1087 = arith.constant 32 : index
        %get3A_1088 = tpu.vector_load %arg7[%get3A_1086, %get3A_1087] {strides = array<i32>} : memref<512x64xf32, #tpu.memory_space<vmem>>, vector<16xf32>,
        %add3A_1089 = arith.constant 1 : i32
        %add3A_1090 = arith.addi %add3A_821, %add3A_1089 : i32
        %get3A_1091 = arith.index_cast %add3A_1090 : i32 to index
        %get3A_1092 = arith.constant 32 : index
        %get3A_1093 = tpu.vector_load %arg7[%get3A_1091, %get3A_1092] {strides = array<i32>} : memref<512x64xf32, #tpu.memory_space<vmem>>, vector<16xf32>,
        %add3A_1094 = arith.constant 0 : i32
        %add3A_1095 = arith.addi %mul3A_823, %add3A_1094 : i32
        %get3A_1096 = arith.index_cast %add3A_1095 : i32 to index
        %get3A_1097 = arith.constant 32 : index
        %get3A_1098 = tpu.vector_load %arg8[%get3A_1096, %get3A_1097] {strides = array<i32>} : memref<128x64xf32, #tpu.memory_space<vmem>>, vector<16xf32>,
        %sub3A_1099 = arith.subf %get3A_1088, %get3A_1098 : vector<16xf32>
        %mul3A_1100 = arith.mulf %sub3A_1099, %sub3A_1099 : vector<16xf32>
        %add3A_1101 = arith.addf %add3A_963, %mul3A_1100 : vector<16xf32>
        %add3A_1102 = arith.constant 1 : i32
        %add3A_1103 = arith.addi %mul3A_823, %add3A_1102 : i32
        %get3A_1104 = arith.index_cast %add3A_1103 : i32 to index
        %get3A_1105 = arith.constant 32 : index
        %get3A_1106 = tpu.vector_load %arg8[%get3A_1104, %get3A_1105] {strides = array<i32>} : memref<128x64xf32, #tpu.memory_space<vmem>>, vector<16xf32>,
        %sub3A_1107 = arith.subf %get3A_1088, %get3A_1106 : vector<16xf32>
        %mul3A_1108 = arith.mulf %sub3A_1107, %sub3A_1107 : vector<16xf32>
        %add3A_1109 = arith.addf %add3A_971, %mul3A_1108 : vector<16xf32>
        %add3A_1110 = arith.constant 2 : i32
        %add3A_1111 = arith.addi %mul3A_823, %add3A_1110 : i32
        %get3A_1112 = arith.index_cast %add3A_1111 : i32 to index
        %get3A_1113 = arith.constant 32 : index
        %get3A_1114 = tpu.vector_load %arg8[%get3A_1112, %get3A_1113] {strides = array<i32>} : memref<128x64xf32, #tpu.memory_space<vmem>>, vector<16xf32>,
        %sub3A_1115 = arith.subf %get3A_1088, %get3A_1114 : vector<16xf32>
        %mul3A_1116 = arith.mulf %sub3A_1115, %sub3A_1115 : vector<16xf32>
        %add3A_1117 = arith.addf %add3A_979, %mul3A_1116 : vector<16xf32>
        %add3A_1118 = arith.constant 3 : i32
        %add3A_1119 = arith.addi %mul3A_823, %add3A_1118 : i32
        %get3A_1120 = arith.index_cast %add3A_1119 : i32 to index
        %get3A_1121 = arith.constant 32 : index
        %get3A_1122 = tpu.vector_load %arg8[%get3A_1120, %get3A_1121] {strides = array<i32>} : memref<128x64xf32, #tpu.memory_space<vmem>>, vector<16xf32>,
        %sub3A_1123 = arith.subf %get3A_1088, %get3A_1122 : vector<16xf32>
        %mul3A_1124 = arith.mulf %sub3A_1123, %sub3A_1123 : vector<16xf32>
        %add3A_1125 = arith.addf %add3A_987, %mul3A_1124 : vector<16xf32>
        %add3A_1126 = arith.constant 4 : i32
        %add3A_1127 = arith.addi %mul3A_823, %add3A_1126 : i32
        %get3A_1128 = arith.index_cast %add3A_1127 : i32 to index
        %get3A_1129 = arith.constant 32 : index
        %get3A_1130 = tpu.vector_load %arg8[%get3A_1128, %get3A_1129] {strides = array<i32>} : memref<128x64xf32, #tpu.memory_space<vmem>>, vector<16xf32>,
        %sub3A_1131 = arith.subf %get3A_1088, %get3A_1130 : vector<16xf32>
        %mul3A_1132 = arith.mulf %sub3A_1131, %sub3A_1131 : vector<16xf32>
        %add3A_1133 = arith.addf %add3A_995, %mul3A_1132 : vector<16xf32>
        %add3A_1134 = arith.constant 5 : i32
        %add3A_1135 = arith.addi %mul3A_823, %add3A_1134 : i32
        %get3A_1136 = arith.index_cast %add3A_1135 : i32 to index
        %get3A_1137 = arith.constant 32 : index
        %get3A_1138 = tpu.vector_load %arg8[%get3A_1136, %get3A_1137] {strides = array<i32>} : memref<128x64xf32, #tpu.memory_space<vmem>>, vector<16xf32>,
        %sub3A_1139 = arith.subf %get3A_1088, %get3A_1138 : vector<16xf32>
        %mul3A_1140 = arith.mulf %sub3A_1139, %sub3A_1139 : vector<16xf32>
        %add3A_1141 = arith.addf %add3A_1003, %mul3A_1140 : vector<16xf32>
        %add3A_1142 = arith.constant 6 : i32
        %add3A_1143 = arith.addi %mul3A_823, %add3A_1142 : i32
        %get3A_1144 = arith.index_cast %add3A_1143 : i32 to index
        %get3A_1145 = arith.constant 32 : index
        %get3A_1146 = tpu.vector_load %arg8[%get3A_1144, %get3A_1145] {strides = array<i32>} : memref<128x64xf32, #tpu.memory_space<vmem>>, vector<16xf32>,
        %sub3A_1147 = arith.subf %get3A_1088, %get3A_1146 : vector<16xf32>
        %mul3A_1148 = arith.mulf %sub3A_1147, %sub3A_1147 : vector<16xf32>
        %add3A_1149 = arith.addf %add3A_1011, %mul3A_1148 : vector<16xf32>
        %add3A_1150 = arith.constant 7 : i32
        %add3A_1151 = arith.addi %mul3A_823, %add3A_1150 : i32
        %get3A_1152 = arith.index_cast %add3A_1151 : i32 to index
        %get3A_1153 = arith.constant 32 : index
        %get3A_1154 = tpu.vector_load %arg8[%get3A_1152, %get3A_1153] {strides = array<i32>} : memref<128x64xf32, #tpu.memory_space<vmem>>, vector<16xf32>,
        %sub3A_1155 = arith.subf %get3A_1088, %get3A_1154 : vector<16xf32>
        %mul3A_1156 = arith.mulf %sub3A_1155, %sub3A_1155 : vector<16xf32>
        %add3A_1157 = arith.addf %add3A_1019, %mul3A_1156 : vector<16xf32>
        %add3A_1158 = arith.constant 8 : i32
        %add3A_1159 = arith.addi %mul3A_823, %add3A_1158 : i32
        %get3A_1160 = arith.index_cast %add3A_1159 : i32 to index
        %get3A_1161 = arith.constant 32 : index
        %get3A_1162 = tpu.vector_load %arg8[%get3A_1160, %get3A_1161] {strides = array<i32>} : memref<128x64xf32, #tpu.memory_space<vmem>>, vector<16xf32>,
        %sub3A_1163 = arith.subf %get3A_1093, %get3A_1162 : vector<16xf32>
        %mul3A_1164 = arith.mulf %sub3A_1163, %sub3A_1163 : vector<16xf32>
        %add3A_1165 = arith.addf %add3A_1027, %mul3A_1164 : vector<16xf32>
        %add3A_1166 = arith.constant 9 : i32
        %add3A_1167 = arith.addi %mul3A_823, %add3A_1166 : i32
        %get3A_1168 = arith.index_cast %add3A_1167 : i32 to index
        %get3A_1169 = arith.constant 32 : index
        %get3A_1170 = tpu.vector_load %arg8[%get3A_1168, %get3A_1169] {strides = array<i32>} : memref<128x64xf32, #tpu.memory_space<vmem>>, vector<16xf32>,
        %sub3A_1171 = arith.subf %get3A_1093, %get3A_1170 : vector<16xf32>
        %mul3A_1172 = arith.mulf %sub3A_1171, %sub3A_1171 : vector<16xf32>
        %add3A_1173 = arith.addf %add3A_1035, %mul3A_1172 : vector<16xf32>
        %add3A_1174 = arith.constant 10 : i32
        %add3A_1175 = arith.addi %mul3A_823, %add3A_1174 : i32
        %get3A_1176 = arith.index_cast %add3A_1175 : i32 to index
        %get3A_1177 = arith.constant 32 : index
        %get3A_1178 = tpu.vector_load %arg8[%get3A_1176, %get3A_1177] {strides = array<i32>} : memref<128x64xf32, #tpu.memory_space<vmem>>, vector<16xf32>,
        %sub3A_1179 = arith.subf %get3A_1093, %get3A_1178 : vector<16xf32>
        %mul3A_1180 = arith.mulf %sub3A_1179, %sub3A_1179 : vector<16xf32>
        %add3A_1181 = arith.addf %add3A_1043, %mul3A_1180 : vector<16xf32>
        %add3A_1182 = arith.constant 11 : i32
        %add3A_1183 = arith.addi %mul3A_823, %add3A_1182 : i32
        %get3A_1184 = arith.index_cast %add3A_1183 : i32 to index
        %get3A_1185 = arith.constant 32 : index
        %get3A_1186 = tpu.vector_load %arg8[%get3A_1184, %get3A_1185] {strides = array<i32>} : memref<128x64xf32, #tpu.memory_space<vmem>>, vector<16xf32>,
        %sub3A_1187 = arith.subf %get3A_1093, %get3A_1186 : vector<16xf32>
        %mul3A_1188 = arith.mulf %sub3A_1187, %sub3A_1187 : vector<16xf32>
        %add3A_1189 = arith.addf %add3A_1051, %mul3A_1188 : vector<16xf32>
        %add3A_1190 = arith.constant 12 : i32
        %add3A_1191 = arith.addi %mul3A_823, %add3A_1190 : i32
        %get3A_1192 = arith.index_cast %add3A_1191 : i32 to index
        %get3A_1193 = arith.constant 32 : index
        %get3A_1194 = tpu.vector_load %arg8[%get3A_1192, %get3A_1193] {strides = array<i32>} : memref<128x64xf32, #tpu.memory_space<vmem>>, vector<16xf32>,
        %sub3A_1195 = arith.subf %get3A_1093, %get3A_1194 : vector<16xf32>
        %mul3A_1196 = arith.mulf %sub3A_1195, %sub3A_1195 : vector<16xf32>
        %add3A_1197 = arith.addf %add3A_1059, %mul3A_1196 : vector<16xf32>
        %add3A_1198 = arith.constant 13 : i32
        %add3A_1199 = arith.addi %mul3A_823, %add3A_1198 : i32
        %get3A_1200 = arith.index_cast %add3A_1199 : i32 to index
        %get3A_1201 = arith.constant 32 : index
        %get3A_1202 = tpu.vector_load %arg8[%get3A_1200, %get3A_1201] {strides = array<i32>} : memref<128x64xf32, #tpu.memory_space<vmem>>, vector<16xf32>,
        %sub3A_1203 = arith.subf %get3A_1093, %get3A_1202 : vector<16xf32>
        %mul3A_1204 = arith.mulf %sub3A_1203, %sub3A_1203 : vector<16xf32>
        %add3A_1205 = arith.addf %add3A_1067, %mul3A_1204 : vector<16xf32>
        %add3A_1206 = arith.constant 14 : i32
        %add3A_1207 = arith.addi %mul3A_823, %add3A_1206 : i32
        %get3A_1208 = arith.index_cast %add3A_1207 : i32 to index
        %get3A_1209 = arith.constant 32 : index
        %get3A_1210 = tpu.vector_load %arg8[%get3A_1208, %get3A_1209] {strides = array<i32>} : memref<128x64xf32, #tpu.memory_space<vmem>>, vector<16xf32>,
        %sub3A_1211 = arith.subf %get3A_1093, %get3A_1210 : vector<16xf32>
        %mul3A_1212 = arith.mulf %sub3A_1211, %sub3A_1211 : vector<16xf32>
        %add3A_1213 = arith.addf %add3A_1075, %mul3A_1212 : vector<16xf32>
        %add3A_1214 = arith.constant 15 : i32
        %add3A_1215 = arith.addi %mul3A_823, %add3A_1214 : i32
        %get3A_1216 = arith.index_cast %add3A_1215 : i32 to index
        %get3A_1217 = arith.constant 32 : index
        %get3A_1218 = tpu.vector_load %arg8[%get3A_1216, %get3A_1217] {strides = array<i32>} : memref<128x64xf32, #tpu.memory_space<vmem>>, vector<16xf32>,
        %sub3A_1219 = arith.subf %get3A_1093, %get3A_1218 : vector<16xf32>
        %mul3A_1220 = arith.mulf %sub3A_1219, %sub3A_1219 : vector<16xf32>
        %add3A_1221 = arith.addf %add3A_1083, %mul3A_1220 : vector<16xf32>
        %add3A_1222 = arith.constant 0 : i32
        %add3A_1223 = arith.addi %add3A_821, %add3A_1222 : i32
        %get3A_1224 = arith.index_cast %add3A_1223 : i32 to index
        %get3A_1225 = arith.constant 48 : index
        %get3A_1226 = tpu.vector_load %arg7[%get3A_1224, %get3A_1225] {strides = array<i32>} : memref<512x64xf32, #tpu.memory_space<vmem>>, vector<16xf32>,
        %add3A_1227 = arith.constant 1 : i32
        %add3A_1228 = arith.addi %add3A_821, %add3A_1227 : i32
        %get3A_1229 = arith.index_cast %add3A_1228 : i32 to index
        %get3A_1230 = arith.constant 48 : index
        %get3A_1231 = tpu.vector_load %arg7[%get3A_1229, %get3A_1230] {strides = array<i32>} : memref<512x64xf32, #tpu.memory_space<vmem>>, vector<16xf32>,
        %add3A_1232 = arith.constant 0 : i32
        %add3A_1233 = arith.addi %mul3A_823, %add3A_1232 : i32
        %get3A_1234 = arith.index_cast %add3A_1233 : i32 to index
        %get3A_1235 = arith.constant 48 : index
        %get3A_1236 = tpu.vector_load %arg8[%get3A_1234, %get3A_1235] {strides = array<i32>} : memref<128x64xf32, #tpu.memory_space<vmem>>, vector<16xf32>,
        %sub3A_1237 = arith.subf %get3A_1226, %get3A_1236 : vector<16xf32>
        %mul3A_1238 = arith.mulf %sub3A_1237, %sub3A_1237 : vector<16xf32>
        %add3A_1239 = arith.addf %add3A_1101, %mul3A_1238 : vector<16xf32>
        %add3A_1240 = arith.constant 1 : i32
        %add3A_1241 = arith.addi %mul3A_823, %add3A_1240 : i32
        %get3A_1242 = arith.index_cast %add3A_1241 : i32 to index
        %get3A_1243 = arith.constant 48 : index
        %get3A_1244 = tpu.vector_load %arg8[%get3A_1242, %get3A_1243] {strides = array<i32>} : memref<128x64xf32, #tpu.memory_space<vmem>>, vector<16xf32>,
        %sub3A_1245 = arith.subf %get3A_1226, %get3A_1244 : vector<16xf32>
        %mul3A_1246 = arith.mulf %sub3A_1245, %sub3A_1245 : vector<16xf32>
        %add3A_1247 = arith.addf %add3A_1109, %mul3A_1246 : vector<16xf32>
        %add3A_1248 = arith.constant 2 : i32
        %add3A_1249 = arith.addi %mul3A_823, %add3A_1248 : i32
        %get3A_1250 = arith.index_cast %add3A_1249 : i32 to index
        %get3A_1251 = arith.constant 48 : index
        %get3A_1252 = tpu.vector_load %arg8[%get3A_1250, %get3A_1251] {strides = array<i32>} : memref<128x64xf32, #tpu.memory_space<vmem>>, vector<16xf32>,
        %sub3A_1253 = arith.subf %get3A_1226, %get3A_1252 : vector<16xf32>
        %mul3A_1254 = arith.mulf %sub3A_1253, %sub3A_1253 : vector<16xf32>
        %add3A_1255 = arith.addf %add3A_1117, %mul3A_1254 : vector<16xf32>
        %add3A_1256 = arith.constant 3 : i32
        %add3A_1257 = arith.addi %mul3A_823, %add3A_1256 : i32
        %get3A_1258 = arith.index_cast %add3A_1257 : i32 to index
        %get3A_1259 = arith.constant 48 : index
        %get3A_1260 = tpu.vector_load %arg8[%get3A_1258, %get3A_1259] {strides = array<i32>} : memref<128x64xf32, #tpu.memory_space<vmem>>, vector<16xf32>,
        %sub3A_1261 = arith.subf %get3A_1226, %get3A_1260 : vector<16xf32>
        %mul3A_1262 = arith.mulf %sub3A_1261, %sub3A_1261 : vector<16xf32>
        %add3A_1263 = arith.addf %add3A_1125, %mul3A_1262 : vector<16xf32>
        %add3A_1264 = arith.constant 4 : i32
        %add3A_1265 = arith.addi %mul3A_823, %add3A_1264 : i32
        %get3A_1266 = arith.index_cast %add3A_1265 : i32 to index
        %get3A_1267 = arith.constant 48 : index
        %get3A_1268 = tpu.vector_load %arg8[%get3A_1266, %get3A_1267] {strides = array<i32>} : memref<128x64xf32, #tpu.memory_space<vmem>>, vector<16xf32>,
        %sub3A_1269 = arith.subf %get3A_1226, %get3A_1268 : vector<16xf32>
        %mul3A_1270 = arith.mulf %sub3A_1269, %sub3A_1269 : vector<16xf32>
        %add3A_1271 = arith.addf %add3A_1133, %mul3A_1270 : vector<16xf32>
        %add3A_1272 = arith.constant 5 : i32
        %add3A_1273 = arith.addi %mul3A_823, %add3A_1272 : i32
        %get3A_1274 = arith.index_cast %add3A_1273 : i32 to index
        %get3A_1275 = arith.constant 48 : index
        %get3A_1276 = tpu.vector_load %arg8[%get3A_1274, %get3A_1275] {strides = array<i32>} : memref<128x64xf32, #tpu.memory_space<vmem>>, vector<16xf32>,
        %sub3A_1277 = arith.subf %get3A_1226, %get3A_1276 : vector<16xf32>
        %mul3A_1278 = arith.mulf %sub3A_1277, %sub3A_1277 : vector<16xf32>
        %add3A_1279 = arith.addf %add3A_1141, %mul3A_1278 : vector<16xf32>
        %add3A_1280 = arith.constant 6 : i32
        %add3A_1281 = arith.addi %mul3A_823, %add3A_1280 : i32
        %get3A_1282 = arith.index_cast %add3A_1281 : i32 to index
        %get3A_1283 = arith.constant 48 : index
        %get3A_1284 = tpu.vector_load %arg8[%get3A_1282, %get3A_1283] {strides = array<i32>} : memref<128x64xf32, #tpu.memory_space<vmem>>, vector<16xf32>,
        %sub3A_1285 = arith.subf %get3A_1226, %get3A_1284 : vector<16xf32>
        %mul3A_1286 = arith.mulf %sub3A_1285, %sub3A_1285 : vector<16xf32>
        %add3A_1287 = arith.addf %add3A_1149, %mul3A_1286 : vector<16xf32>
        %add3A_1288 = arith.constant 7 : i32
        %add3A_1289 = arith.addi %mul3A_823, %add3A_1288 : i32
        %get3A_1290 = arith.index_cast %add3A_1289 : i32 to index
        %get3A_1291 = arith.constant 48 : index
        %get3A_1292 = tpu.vector_load %arg8[%get3A_1290, %get3A_1291] {strides = array<i32>} : memref<128x64xf32, #tpu.memory_space<vmem>>, vector<16xf32>,
        %sub3A_1293 = arith.subf %get3A_1226, %get3A_1292 : vector<16xf32>
        %mul3A_1294 = arith.mulf %sub3A_1293, %sub3A_1293 : vector<16xf32>
        %add3A_1295 = arith.addf %add3A_1157, %mul3A_1294 : vector<16xf32>
        %add3A_1296 = arith.constant 8 : i32
        %add3A_1297 = arith.addi %mul3A_823, %add3A_1296 : i32
        %get3A_1298 = arith.index_cast %add3A_1297 : i32 to index
        %get3A_1299 = arith.constant 48 : index
        %get3A_1300 = tpu.vector_load %arg8[%get3A_1298, %get3A_1299] {strides = array<i32>} : memref<128x64xf32, #tpu.memory_space<vmem>>, vector<16xf32>,
        %sub3A_1301 = arith.subf %get3A_1231, %get3A_1300 : vector<16xf32>
        %mul3A_1302 = arith.mulf %sub3A_1301, %sub3A_1301 : vector<16xf32>
        %add3A_1303 = arith.addf %add3A_1165, %mul3A_1302 : vector<16xf32>
        %add3A_1304 = arith.constant 9 : i32
        %add3A_1305 = arith.addi %mul3A_823, %add3A_1304 : i32
        %get3A_1306 = arith.index_cast %add3A_1305 : i32 to index
        %get3A_1307 = arith.constant 48 : index
        %get3A_1308 = tpu.vector_load %arg8[%get3A_1306, %get3A_1307] {strides = array<i32>} : memref<128x64xf32, #tpu.memory_space<vmem>>, vector<16xf32>,
        %sub3A_1309 = arith.subf %get3A_1231, %get3A_1308 : vector<16xf32>
        %mul3A_1310 = arith.mulf %sub3A_1309, %sub3A_1309 : vector<16xf32>
        %add3A_1311 = arith.addf %add3A_1173, %mul3A_1310 : vector<16xf32>
        %add3A_1312 = arith.constant 10 : i32
        %add3A_1313 = arith.addi %mul3A_823, %add3A_1312 : i32
        %get3A_1314 = arith.index_cast %add3A_1313 : i32 to index
        %get3A_1315 = arith.constant 48 : index
        %get3A_1316 = tpu.vector_load %arg8[%get3A_1314, %get3A_1315] {strides = array<i32>} : memref<128x64xf32, #tpu.memory_space<vmem>>, vector<16xf32>,
        %sub3A_1317 = arith.subf %get3A_1231, %get3A_1316 : vector<16xf32>
        %mul3A_1318 = arith.mulf %sub3A_1317, %sub3A_1317 : vector<16xf32>
        %add3A_1319 = arith.addf %add3A_1181, %mul3A_1318 : vector<16xf32>
        %add3A_1320 = arith.constant 11 : i32
        %add3A_1321 = arith.addi %mul3A_823, %add3A_1320 : i32
        %get3A_1322 = arith.index_cast %add3A_1321 : i32 to index
        %get3A_1323 = arith.constant 48 : index
        %get3A_1324 = tpu.vector_load %arg8[%get3A_1322, %get3A_1323] {strides = array<i32>} : memref<128x64xf32, #tpu.memory_space<vmem>>, vector<16xf32>,
        %sub3A_1325 = arith.subf %get3A_1231, %get3A_1324 : vector<16xf32>
        %mul3A_1326 = arith.mulf %sub3A_1325, %sub3A_1325 : vector<16xf32>
        %add3A_1327 = arith.addf %add3A_1189, %mul3A_1326 : vector<16xf32>
        %add3A_1328 = arith.constant 12 : i32
        %add3A_1329 = arith.addi %mul3A_823, %add3A_1328 : i32
        %get3A_1330 = arith.index_cast %add3A_1329 : i32 to index
        %get3A_1331 = arith.constant 48 : index
        %get3A_1332 = tpu.vector_load %arg8[%get3A_1330, %get3A_1331] {strides = array<i32>} : memref<128x64xf32, #tpu.memory_space<vmem>>, vector<16xf32>,
        %sub3A_1333 = arith.subf %get3A_1231, %get3A_1332 : vector<16xf32>
        %mul3A_1334 = arith.mulf %sub3A_1333, %sub3A_1333 : vector<16xf32>
        %add3A_1335 = arith.addf %add3A_1197, %mul3A_1334 : vector<16xf32>
        %add3A_1336 = arith.constant 13 : i32
        %add3A_1337 = arith.addi %mul3A_823, %add3A_1336 : i32
        %get3A_1338 = arith.index_cast %add3A_1337 : i32 to index
        %get3A_1339 = arith.constant 48 : index
        %get3A_1340 = tpu.vector_load %arg8[%get3A_1338, %get3A_1339] {strides = array<i32>} : memref<128x64xf32, #tpu.memory_space<vmem>>, vector<16xf32>,
        %sub3A_1341 = arith.subf %get3A_1231, %get3A_1340 : vector<16xf32>
        %mul3A_1342 = arith.mulf %sub3A_1341, %sub3A_1341 : vector<16xf32>
        %add3A_1343 = arith.addf %add3A_1205, %mul3A_1342 : vector<16xf32>
        %add3A_1344 = arith.constant 14 : i32
        %add3A_1345 = arith.addi %mul3A_823, %add3A_1344 : i32
        %get3A_1346 = arith.index_cast %add3A_1345 : i32 to index
        %get3A_1347 = arith.constant 48 : index
        %get3A_1348 = tpu.vector_load %arg8[%get3A_1346, %get3A_1347] {strides = array<i32>} : memref<128x64xf32, #tpu.memory_space<vmem>>, vector<16xf32>,
        %sub3A_1349 = arith.subf %get3A_1231, %get3A_1348 : vector<16xf32>
        %mul3A_1350 = arith.mulf %sub3A_1349, %sub3A_1349 : vector<16xf32>
        %add3A_1351 = arith.addf %add3A_1213, %mul3A_1350 : vector<16xf32>
        %add3A_1352 = arith.constant 15 : i32
        %add3A_1353 = arith.addi %mul3A_823, %add3A_1352 : i32
        %get3A_1354 = arith.index_cast %add3A_1353 : i32 to index
        %get3A_1355 = arith.constant 48 : index
        %get3A_1356 = tpu.vector_load %arg8[%get3A_1354, %get3A_1355] {strides = array<i32>} : memref<128x64xf32, #tpu.memory_space<vmem>>, vector<16xf32>,
        %sub3A_1357 = arith.subf %get3A_1231, %get3A_1356 : vector<16xf32>
        %mul3A_1358 = arith.mulf %sub3A_1357, %sub3A_1357 : vector<16xf32>
        %add3A_1359 = arith.addf %add3A_1221, %mul3A_1358 : vector<16xf32>
        %broadcast_in_dim3A_1360 = arith.constant 0.000000e+00 : f32
        %broadcast_in_dim3A_1361 = vector.broadcast %broadcast_in_dim3A_1360 : f32 to vector<16xf32>
        %eq3A_1362 = arith.constant 0 : i32
        %eq3A_1363 = vector.broadcast %eq3A_1362 : i32 to vector<16xi32>
        %eq3A_1364 = arith.cmpi eq, %iota3A, %eq3A_1363 : vector<16xi32>
        %reduce_sum3A_1365 = arith.constant true
        %reduce_sum3A_1366 = vector.broadcast %reduce_sum3A_1365 : i1 to vector<16xi1>
        %reduce_sum3A_1367 = tpu.scan <sum>, %add3A_1239 masked %reduce_sum3A_1366 : vector<16xf32>, vector<16xi1> -> vector<16xf32>
        %reduce_sum3A_1368 = vector.extract %reduce_sum3A_1367[15] : f32 from vector<16xf32>
        %broadcast_in_dim3A_1369 = vector.broadcast %reduce_sum3A_1368 : f32 to vector<16xf32>
        %select_n3A_1370 = arith.select %eq3A_1364, %broadcast_in_dim3A_1369, %broadcast_in_dim3A_1361 : vector<16xi1>, vector<16xf32>
        %eq3A_1371 = arith.constant 1 : i32
        %eq3A_1372 = vector.broadcast %eq3A_1371 : i32 to vector<16xi32>
        %eq3A_1373 = arith.cmpi eq, %iota3A, %eq3A_1372 : vector<16xi32>
        %reduce_sum3A_1374 = arith.constant true
        %reduce_sum3A_1375 = vector.broadcast %reduce_sum3A_1374 : i1 to vector<16xi1>
        %reduce_sum3A_1376 = tpu.scan <sum>, %add3A_1247 masked %reduce_sum3A_1375 : vector<16xf32>, vector<16xi1> -> vector<16xf32>
        %reduce_sum3A_1377 = vector.extract %reduce_sum3A_1376[15] : f32 from vector<16xf32>
        %broadcast_in_dim3A_1378 = vector.broadcast %reduce_sum3A_1377 : f32 to vector<16xf32>
        %select_n3A_1379 = arith.select %eq3A_1373, %broadcast_in_dim3A_1378, %select_n3A_1370 : vector<16xi1>, vector<16xf32>
        %eq3A_1380 = arith.constant 2 : i32
        %eq3A_1381 = vector.broadcast %eq3A_1380 : i32 to vector<16xi32>
        %eq3A_1382 = arith.cmpi eq, %iota3A, %eq3A_1381 : vector<16xi32>
        %reduce_sum3A_1383 = arith.constant true
        %reduce_sum3A_1384 = vector.broadcast %reduce_sum3A_1383 : i1 to vector<16xi1>
        %reduce_sum3A_1385 = tpu.scan <sum>, %add3A_1255 masked %reduce_sum3A_1384 : vector<16xf32>, vector<16xi1> -> vector<16xf32>
        %reduce_sum3A_1386 = vector.extract %reduce_sum3A_1385[15] : f32 from vector<16xf32>
        %broadcast_in_dim3A_1387 = vector.broadcast %reduce_sum3A_1386 : f32 to vector<16xf32>
        %select_n3A_1388 = arith.select %eq3A_1382, %broadcast_in_dim3A_1387, %select_n3A_1379 : vector<16xi1>, vector<16xf32>
        %eq3A_1389 = arith.constant 3 : i32
        %eq3A_1390 = vector.broadcast %eq3A_1389 : i32 to vector<16xi32>
        %eq3A_1391 = arith.cmpi eq, %iota3A, %eq3A_1390 : vector<16xi32>
        %reduce_sum3A_1392 = arith.constant true
        %reduce_sum3A_1393 = vector.broadcast %reduce_sum3A_1392 : i1 to vector<16xi1>
        %reduce_sum3A_1394 = tpu.scan <sum>, %add3A_1263 masked %reduce_sum3A_1393 : vector<16xf32>, vector<16xi1> -> vector<16xf32>
        %reduce_sum3A_1395 = vector.extract %reduce_sum3A_1394[15] : f32 from vector<16xf32>
        %broadcast_in_dim3A_1396 = vector.broadcast %reduce_sum3A_1395 : f32 to vector<16xf32>
        %select_n3A_1397 = arith.select %eq3A_1391, %broadcast_in_dim3A_1396, %select_n3A_1388 : vector<16xi1>, vector<16xf32>
        %eq3A_1398 = arith.constant 4 : i32
        %eq3A_1399 = vector.broadcast %eq3A_1398 : i32 to vector<16xi32>
        %eq3A_1400 = arith.cmpi eq, %iota3A, %eq3A_1399 : vector<16xi32>
        %reduce_sum3A_1401 = arith.constant true
        %reduce_sum3A_1402 = vector.broadcast %reduce_sum3A_1401 : i1 to vector<16xi1>
        %reduce_sum3A_1403 = tpu.scan <sum>, %add3A_1271 masked %reduce_sum3A_1402 : vector<16xf32>, vector<16xi1> -> vector<16xf32>
        %reduce_sum3A_1404 = vector.extract %reduce_sum3A_1403[15] : f32 from vector<16xf32>
        %broadcast_in_dim3A_1405 = vector.broadcast %reduce_sum3A_1404 : f32 to vector<16xf32>
        %select_n3A_1406 = arith.select %eq3A_1400, %broadcast_in_dim3A_1405, %select_n3A_1397 : vector<16xi1>, vector<16xf32>
        %eq3A_1407 = arith.constant 5 : i32
        %eq3A_1408 = vector.broadcast %eq3A_1407 : i32 to vector<16xi32>
        %eq3A_1409 = arith.cmpi eq, %iota3A, %eq3A_1408 : vector<16xi32>
        %reduce_sum3A_1410 = arith.constant true
        %reduce_sum3A_1411 = vector.broadcast %reduce_sum3A_1410 : i1 to vector<16xi1>
        %reduce_sum3A_1412 = tpu.scan <sum>, %add3A_1279 masked %reduce_sum3A_1411 : vector<16xf32>, vector<16xi1> -> vector<16xf32>
        %reduce_sum3A_1413 = vector.extract %reduce_sum3A_1412[15] : f32 from vector<16xf32>
        %broadcast_in_dim3A_1414 = vector.broadcast %reduce_sum3A_1413 : f32 to vector<16xf32>
        %select_n3A_1415 = arith.select %eq3A_1409, %broadcast_in_dim3A_1414, %select_n3A_1406 : vector<16xi1>, vector<16xf32>
        %eq3A_1416 = arith.constant 6 : i32
        %eq3A_1417 = vector.broadcast %eq3A_1416 : i32 to vector<16xi32>
        %eq3A_1418 = arith.cmpi eq, %iota3A, %eq3A_1417 : vector<16xi32>
        %reduce_sum3A_1419 = arith.constant true
        %reduce_sum3A_1420 = vector.broadcast %reduce_sum3A_1419 : i1 to vector<16xi1>
        %reduce_sum3A_1421 = tpu.scan <sum>, %add3A_1287 masked %reduce_sum3A_1420 : vector<16xf32>, vector<16xi1> -> vector<16xf32>
        %reduce_sum3A_1422 = vector.extract %reduce_sum3A_1421[15] : f32 from vector<16xf32>
        %broadcast_in_dim3A_1423 = vector.broadcast %reduce_sum3A_1422 : f32 to vector<16xf32>
        %select_n3A_1424 = arith.select %eq3A_1418, %broadcast_in_dim3A_1423, %select_n3A_1415 : vector<16xi1>, vector<16xf32>
        %eq3A_1425 = arith.constant 7 : i32
        %eq3A_1426 = vector.broadcast %eq3A_1425 : i32 to vector<16xi32>
        %eq3A_1427 = arith.cmpi eq, %iota3A, %eq3A_1426 : vector<16xi32>
        %reduce_sum3A_1428 = arith.constant true
        %reduce_sum3A_1429 = vector.broadcast %reduce_sum3A_1428 : i1 to vector<16xi1>
        %reduce_sum3A_1430 = tpu.scan <sum>, %add3A_1295 masked %reduce_sum3A_1429 : vector<16xf32>, vector<16xi1> -> vector<16xf32>
        %reduce_sum3A_1431 = vector.extract %reduce_sum3A_1430[15] : f32 from vector<16xf32>
        %broadcast_in_dim3A_1432 = vector.broadcast %reduce_sum3A_1431 : f32 to vector<16xf32>
        %select_n3A_1433 = arith.select %eq3A_1427, %broadcast_in_dim3A_1432, %select_n3A_1424 : vector<16xi1>, vector<16xf32>
        %eq3A_1434 = arith.constant 8 : i32
        %eq3A_1435 = vector.broadcast %eq3A_1434 : i32 to vector<16xi32>
        %eq3A_1436 = arith.cmpi eq, %iota3A, %eq3A_1435 : vector<16xi32>
        %reduce_sum3A_1437 = arith.constant true
        %reduce_sum3A_1438 = vector.broadcast %reduce_sum3A_1437 : i1 to vector<16xi1>
        %reduce_sum3A_1439 = tpu.scan <sum>, %add3A_1303 masked %reduce_sum3A_1438 : vector<16xf32>, vector<16xi1> -> vector<16xf32>
        %reduce_sum3A_1440 = vector.extract %reduce_sum3A_1439[15] : f32 from vector<16xf32>
        %broadcast_in_dim3A_1441 = vector.broadcast %reduce_sum3A_1440 : f32 to vector<16xf32>
        %select_n3A_1442 = arith.select %eq3A_1436, %broadcast_in_dim3A_1441, %select_n3A_1433 : vector<16xi1>, vector<16xf32>
        %eq3A_1443 = arith.constant 9 : i32
        %eq3A_1444 = vector.broadcast %eq3A_1443 : i32 to vector<16xi32>
        %eq3A_1445 = arith.cmpi eq, %iota3A, %eq3A_1444 : vector<16xi32>
        %reduce_sum3A_1446 = arith.constant true
        %reduce_sum3A_1447 = vector.broadcast %reduce_sum3A_1446 : i1 to vector<16xi1>
        %reduce_sum3A_1448 = tpu.scan <sum>, %add3A_1311 masked %reduce_sum3A_1447 : vector<16xf32>, vector<16xi1> -> vector<16xf32>
        %reduce_sum3A_1449 = vector.extract %reduce_sum3A_1448[15] : f32 from vector<16xf32>
        %broadcast_in_dim3A_1450 = vector.broadcast %reduce_sum3A_1449 : f32 to vector<16xf32>
        %select_n3A_1451 = arith.select %eq3A_1445, %broadcast_in_dim3A_1450, %select_n3A_1442 : vector<16xi1>, vector<16xf32>
        %eq3A_1452 = arith.constant 10 : i32
        %eq3A_1453 = vector.broadcast %eq3A_1452 : i32 to vector<16xi32>
        %eq3A_1454 = arith.cmpi eq, %iota3A, %eq3A_1453 : vector<16xi32>
        %reduce_sum3A_1455 = arith.constant true
        %reduce_sum3A_1456 = vector.broadcast %reduce_sum3A_1455 : i1 to vector<16xi1>
        %reduce_sum3A_1457 = tpu.scan <sum>, %add3A_1319 masked %reduce_sum3A_1456 : vector<16xf32>, vector<16xi1> -> vector<16xf32>
        %reduce_sum3A_1458 = vector.extract %reduce_sum3A_1457[15] : f32 from vector<16xf32>
        %broadcast_in_dim3A_1459 = vector.broadcast %reduce_sum3A_1458 : f32 to vector<16xf32>
        %select_n3A_1460 = arith.select %eq3A_1454, %broadcast_in_dim3A_1459, %select_n3A_1451 : vector<16xi1>, vector<16xf32>
        %eq3A_1461 = arith.constant 11 : i32
        %eq3A_1462 = vector.broadcast %eq3A_1461 : i32 to vector<16xi32>
        %eq3A_1463 = arith.cmpi eq, %iota3A, %eq3A_1462 : vector<16xi32>
        %reduce_sum3A_1464 = arith.constant true
        %reduce_sum3A_1465 = vector.broadcast %reduce_sum3A_1464 : i1 to vector<16xi1>
        %reduce_sum3A_1466 = tpu.scan <sum>, %add3A_1327 masked %reduce_sum3A_1465 : vector<16xf32>, vector<16xi1> -> vector<16xf32>
        %reduce_sum3A_1467 = vector.extract %reduce_sum3A_1466[15] : f32 from vector<16xf32>
        %broadcast_in_dim3A_1468 = vector.broadcast %reduce_sum3A_1467 : f32 to vector<16xf32>
        %select_n3A_1469 = arith.select %eq3A_1463, %broadcast_in_dim3A_1468, %select_n3A_1460 : vector<16xi1>, vector<16xf32>
        %eq3A_1470 = arith.constant 12 : i32
        %eq3A_1471 = vector.broadcast %eq3A_1470 : i32 to vector<16xi32>
        %eq3A_1472 = arith.cmpi eq, %iota3A, %eq3A_1471 : vector<16xi32>
        %reduce_sum3A_1473 = arith.constant true
        %reduce_sum3A_1474 = vector.broadcast %reduce_sum3A_1473 : i1 to vector<16xi1>
        %reduce_sum3A_1475 = tpu.scan <sum>, %add3A_1335 masked %reduce_sum3A_1474 : vector<16xf32>, vector<16xi1> -> vector<16xf32>
        %reduce_sum3A_1476 = vector.extract %reduce_sum3A_1475[15] : f32 from vector<16xf32>
        %broadcast_in_dim3A_1477 = vector.broadcast %reduce_sum3A_1476 : f32 to vector<16xf32>
        %select_n3A_1478 = arith.select %eq3A_1472, %broadcast_in_dim3A_1477, %select_n3A_1469 : vector<16xi1>, vector<16xf32>
        %eq3A_1479 = arith.constant 13 : i32
        %eq3A_1480 = vector.broadcast %eq3A_1479 : i32 to vector<16xi32>
        %eq3A_1481 = arith.cmpi eq, %iota3A, %eq3A_1480 : vector<16xi32>
        %reduce_sum3A_1482 = arith.constant true
        %reduce_sum3A_1483 = vector.broadcast %reduce_sum3A_1482 : i1 to vector<16xi1>
        %reduce_sum3A_1484 = tpu.scan <sum>, %add3A_1343 masked %reduce_sum3A_1483 : vector<16xf32>, vector<16xi1> -> vector<16xf32>
        %reduce_sum3A_1485 = vector.extract %reduce_sum3A_1484[15] : f32 from vector<16xf32>
        %broadcast_in_dim3A_1486 = vector.broadcast %reduce_sum3A_1485 : f32 to vector<16xf32>
        %select_n3A_1487 = arith.select %eq3A_1481, %broadcast_in_dim3A_1486, %select_n3A_1478 : vector<16xi1>, vector<16xf32>
        %eq3A_1488 = arith.constant 14 : i32
        %eq3A_1489 = vector.broadcast %eq3A_1488 : i32 to vector<16xi32>
        %eq3A_1490 = arith.cmpi eq, %iota3A, %eq3A_1489 : vector<16xi32>
        %reduce_sum3A_1491 = arith.constant true
        %reduce_sum3A_1492 = vector.broadcast %reduce_sum3A_1491 : i1 to vector<16xi1>
        %reduce_sum3A_1493 = tpu.scan <sum>, %add3A_1351 masked %reduce_sum3A_1492 : vector<16xf32>, vector<16xi1> -> vector<16xf32>
        %reduce_sum3A_1494 = vector.extract %reduce_sum3A_1493[15] : f32 from vector<16xf32>
        %broadcast_in_dim3A_1495 = vector.broadcast %reduce_sum3A_1494 : f32 to vector<16xf32>
        %select_n3A_1496 = arith.select %eq3A_1490, %broadcast_in_dim3A_1495, %select_n3A_1487 : vector<16xi1>, vector<16xf32>
        %eq3A_1497 = arith.constant 15 : i32
        %eq3A_1498 = vector.broadcast %eq3A_1497 : i32 to vector<16xi32>
        %eq3A_1499 = arith.cmpi eq, %iota3A, %eq3A_1498 : vector<16xi32>
        %reduce_sum3A_1500 = arith.constant true
        %reduce_sum3A_1501 = vector.broadcast %reduce_sum3A_1500 : i1 to vector<16xi1>
        %reduce_sum3A_1502 = tpu.scan <sum>, %add3A_1359 masked %reduce_sum3A_1501 : vector<16xf32>, vector<16xi1> -> vector<16xf32>
        %reduce_sum3A_1503 = vector.extract %reduce_sum3A_1502[15] : f32 from vector<16xf32>
        %broadcast_in_dim3A_1504 = vector.broadcast %reduce_sum3A_1503 : f32 to vector<16xf32>
        %select_n3A_1505 = arith.select %eq3A_1499, %broadcast_in_dim3A_1504, %select_n3A_1496 : vector<16xi1>, vector<16xf32>
        %max3A_1506 = arith.constant 9.99999996E-13 : f32
        %max3A_1507 = vector.broadcast %max3A_1506 : f32 to vector<16xf32>
        %max3A_1508 = arith.maximumf %select_n3A_1505, %max3A_1507 : vector<16xf32>
        %bitcast3A_1509 = vector.bitcast %max3A_1508 : vector<16xf32> to vector<16xi32>
        %shift_right_logical3A_1510 = arith.constant 1 : i32
        %shift_right_logical3A_1511 = vector.broadcast %shift_right_logical3A_1510 : i32 to vector<16xi32>
        %shift_right_logical3A_1512 = arith.shrui %bitcast3A_1509, %shift_right_logical3A_1511 : vector<16xi32>
        %sub3A_1513 = arith.constant 1597463007 : i32
        %sub3A_1514 = vector.broadcast %sub3A_1513 : i32 to vector<16xi32>
        %sub3A_1515 = arith.subi %sub3A_1514, %shift_right_logical3A_1512 : vector<16xi32>
        %bitcast3A_1516 = vector.bitcast %sub3A_1515 : vector<16xi32> to vector<16xf32>
        %mul3A_1517 = arith.constant 5.000000e-01 : f32
        %mul3A_1518 = vector.broadcast %mul3A_1517 : f32 to vector<16xf32>
        %mul3A_1519 = arith.mulf %mul3A_1518, %max3A_1508 : vector<16xf32>
        %mul3A_1520 = arith.mulf %mul3A_1519, %bitcast3A_1516 : vector<16xf32>
        %mul3A_1521 = arith.mulf %mul3A_1520, %bitcast3A_1516 : vector<16xf32>
        %sub3A_1522 = arith.constant 1.500000e+00 : f32
        %sub3A_1523 = vector.broadcast %sub3A_1522 : f32 to vector<16xf32>
        %sub3A_1524 = arith.subf %sub3A_1523, %mul3A_1521 : vector<16xf32>
        %mul3A_1525 = arith.mulf %bitcast3A_1516, %sub3A_1524 : vector<16xf32>
        %mul3A_1526 = arith.constant 5.000000e-01 : f32
        %mul3A_1527 = vector.broadcast %mul3A_1526 : f32 to vector<16xf32>
        %mul3A_1528 = arith.mulf %mul3A_1527, %max3A_1508 : vector<16xf32>
        %mul3A_1529 = arith.mulf %mul3A_1528, %mul3A_1525 : vector<16xf32>
        %mul3A_1530 = arith.mulf %mul3A_1529, %mul3A_1525 : vector<16xf32>
        %sub3A_1531 = arith.constant 1.500000e+00 : f32
        %sub3A_1532 = vector.broadcast %sub3A_1531 : f32 to vector<16xf32>
        %sub3A_1533 = arith.subf %sub3A_1532, %mul3A_1530 : vector<16xf32>
        %mul3A_1534 = arith.mulf %mul3A_1525, %sub3A_1533 : vector<16xf32>
        %mul3A_1535 = arith.mulf %select_n3A_1505, %mul3A_1534 : vector<16xf32>
        %mul3A_1536 = arith.constant 16 : i32
        %mul3A_1537 = arith.muli %add3A_818, %mul3A_1536 : i32
        %swap3A_1538 = arith.index_cast %mul3A_53 : i32 to index
        %swap3A_1539 = arith.index_cast %mul3A_1537 : i32 to index
        %swap3A_1540 = tpu.vector_load %arg14[%swap3A_1538, %swap3A_1539] {strides = array<i32>} : memref<32x128xf32, #tpu.memory_space<vmem>>, vector<16xf32>,
        tpu.vector_store %arg14[%swap3A_1538, %swap3A_1539], %mul3A_1535 {strides = array<i32>} : memref<32x128xf32, #tpu.memory_space<vmem>>, vector<16xf32>,
        %add3A_1541 = arith.addf %add3A_814, %mul3A_1535 : vector<16xf32>
        scf.yield %add3A_1541 : vector<16xf32>
      }
      %scan3A_63 = arith.constant 4 : i32
      %ne3A = arith.constant 15 : i32
      %ne3A_64 = arith.cmpi ne, %scan3A_40, %ne3A : i32
      %convert_element_type3A = arith.extui %ne3A_64 : i1 to i32
      %cond3A = arith.constant 0 : i32
      %cond3A_65 = arith.cmpi ne, %convert_element_type3A, %cond3A : i32
      scf.if %cond3A_65 {
        %mul3A_96 = arith.constant 2 : i32
        %mul3A_97 = arith.muli %mul3A_96, %scan3A_40 : i32
        %add3A_98 = arith.constant 2 : i32
        %add3A_99 = arith.addi %mul3A_97, %add3A_98 : i32
        %dma_start3A_100 = arith.constant 0 : i32
        %dma_start3A_101 = tpu.memref_slice %arg6[%add3A_99, %dma_start3A_100] : memref<32x128xi32, #tpu.memory_space<vmem>> -> memref<1x128xi32, #tpu.memory_space<vmem>>
        %dma_start3A_102 = tpu.memref_squeeze %dma_start3A_101 : memref<1x128xi32, #tpu.memory_space<vmem>> -> memref<128xi32, #tpu.memory_space<vmem>>
        %dma_start3A_103 = arith.constant 0 : i32
        %dma_start3A_104 = arith.constant 0 : i32
        %dma_start3A_105 = tpu.memref_slice %arg2[%scan3A, %dma_start3A_103, %dma_start3A_104] : memref<1x16384x64xf32, #tpu.memory_space<hbm>> -> memref<1x16384x64xf32, #tpu.memory_space<hbm>>
        %dma_start3A_106 = tpu.memref_squeeze %dma_start3A_105 : memref<1x16384x64xf32, #tpu.memory_space<hbm>> -> memref<16384x64xf32, #tpu.memory_space<hbm>>
        %dma_start3A_107 = arith.constant 0 : i32
        %dma_start3A_108 = arith.constant 0 : i32
        %dma_start3A_109 = tpu.memref_slice %dma_start3A_106[%dma_start3A_107, %dma_start3A_108] : memref<16384x64xf32, #tpu.memory_space<hbm>> -> memref<16384x64xf32, #tpu.memory_space<hbm>>
        tpu.enqueue_indirect_dma source(%dma_start3A_109 : memref<16384x64xf32, #tpu.memory_space<hbm>>) target(%arg8 : memref<128x64xf32, #tpu.memory_space<vmem>>) offsets(%dma_start3A_102 : memref<128xi32, #tpu.memory_space<vmem>>) semaphore(%arg16 : memref<!tpu.dma_semaphore, #tpu.memory_space<semaphore_mem>>)
      } else {
      }
      %dma_wait3A_66 = arith.constant 0 : i32
      %dma_wait3A_67 = arith.constant 0 : i32
      %dma_wait3A_68 = tpu.memref_slice %arg6[%dma_wait3A_66, %dma_wait3A_67] : memref<32x128xi32, #tpu.memory_space<vmem>> -> memref<1x128xi32, #tpu.memory_space<vmem>>
      %dma_wait3A_69 = tpu.memref_squeeze %dma_wait3A_68 : memref<1x128xi32, #tpu.memory_space<vmem>> -> memref<128xi32, #tpu.memory_space<vmem>>
      %dma_wait3A_70 = arith.constant 0 : i32
      %dma_wait3A_71 = arith.constant 0 : i32
      %dma_wait3A_72 = tpu.memref_slice %arg2[%scan3A, %dma_wait3A_70, %dma_wait3A_71] : memref<1x16384x64xf32, #tpu.memory_space<hbm>> -> memref<1x16384x64xf32, #tpu.memory_space<hbm>>
      %dma_wait3A_73 = tpu.memref_squeeze %dma_wait3A_72 : memref<1x16384x64xf32, #tpu.memory_space<hbm>> -> memref<16384x64xf32, #tpu.memory_space<hbm>>
      %dma_wait3A_74 = arith.constant 0 : i32
      %dma_wait3A_75 = arith.constant 0 : i32
      %dma_wait3A_76 = tpu.memref_slice %dma_wait3A_73[%dma_wait3A_74, %dma_wait3A_75] : memref<16384x64xf32, #tpu.memory_space<hbm>> -> memref<16384x64xf32, #tpu.memory_space<hbm>>
      tpu.wait_indirect_dma semaphore(%arg17 : memref<!tpu.dma_semaphore, #tpu.memory_space<semaphore_mem>>) src(%dma_wait3A_76 : memref<16384x64xf32, #tpu.memory_space<hbm>>) dst(%arg9 : memref<128x64xf32, #tpu.memory_space<vmem>>)
      %mul3A_77 = arith.constant 2 : i32
      %mul3A_78 = arith.muli %mul3A_77, %scan3A_40 : i32
      %add3A_79 = arith.constant 1 : i32
      %add3A_80 = arith.addi %mul3A_78, %add3A_79 : i32
      %mul3A_81 = arith.constant 16 : i32
      %mul3A_82 = arith.muli %add3A_80, %mul3A_81 : i32
      %mul3A_83 = arith.constant 128 : i32
      %mul3A_84 = arith.muli %add3A_80, %mul3A_83 : i32
      %scan3A_85 = arith.constant 0 : i32
      %scan3A_86 = arith.constant 4 : i32
      %scan3A_87 = arith.addi %scan3A_85, %scan3A_86 : i32
      %scan3A_88 = arith.constant 1 : i32
      %scan3A_89 = scf.for %scan3A_96 = %scan3A_85 to %scan3A_87 step %scan3A_88 iter_args(%scan3A_97 = %scan3A_62) -> (vector<16xf32>)  : i32 {
        %mul3A_98 = arith.constant 2 : i32
        %mul3A_99 = arith.muli %mul3A_98, %scan3A_96 : i32
        %mul3A_100 = arith.constant 2 : i32
        %mul3A_101 = arith.muli %mul3A_99, %mul3A_100 : i32
        %add3A_102 = arith.addi %mul3A_82, %mul3A_101 : i32
        %mul3A_103 = arith.constant 16 : i32
        %mul3A_104 = arith.muli %mul3A_99, %mul3A_103 : i32
        %add3A_105 = arith.constant 0 : i32
        %add3A_106 = arith.addi %add3A_102, %add3A_105 : i32
        %get3A = arith.index_cast %add3A_106 : i32 to index
        %get3A_107 = arith.constant 0 : index
        %get3A_108 = tpu.vector_load %arg7[%get3A, %get3A_107] {strides = array<i32>} : memref<512x64xf32, #tpu.memory_space<vmem>>, vector<16xf32>,
        %add3A_109 = arith.constant 1 : i32
        %add3A_110 = arith.addi %add3A_102, %add3A_109 : i32
        %get3A_111 = arith.index_cast %add3A_110 : i32 to index
        %get3A_112 = arith.constant 0 : index
        %get3A_113 = tpu.vector_load %arg7[%get3A_111, %get3A_112] {strides = array<i32>} : memref<512x64xf32, #tpu.memory_space<vmem>>, vector<16xf32>,
        %add3A_114 = arith.constant 0 : i32
        %add3A_115 = arith.addi %mul3A_104, %add3A_114 : i32
        %get3A_116 = arith.index_cast %add3A_115 : i32 to index
        %get3A_117 = arith.constant 0 : index
        %get3A_118 = tpu.vector_load %arg9[%get3A_116, %get3A_117] {strides = array<i32>} : memref<128x64xf32, #tpu.memory_space<vmem>>, vector<16xf32>,
        %sub3A = arith.subf %get3A_108, %get3A_118 : vector<16xf32>
        %mul3A_119 = arith.mulf %sub3A, %sub3A : vector<16xf32>
        %add3A_120 = arith.constant 1 : i32
        %add3A_121 = arith.addi %mul3A_104, %add3A_120 : i32
        %get3A_122 = arith.index_cast %add3A_121 : i32 to index
        %get3A_123 = arith.constant 0 : index
        %get3A_124 = tpu.vector_load %arg9[%get3A_122, %get3A_123] {strides = array<i32>} : memref<128x64xf32, #tpu.memory_space<vmem>>, vector<16xf32>,
        %sub3A_125 = arith.subf %get3A_108, %get3A_124 : vector<16xf32>
        %mul3A_126 = arith.mulf %sub3A_125, %sub3A_125 : vector<16xf32>
        %add3A_127 = arith.constant 2 : i32
        %add3A_128 = arith.addi %mul3A_104, %add3A_127 : i32
        %get3A_129 = arith.index_cast %add3A_128 : i32 to index
        %get3A_130 = arith.constant 0 : index
        %get3A_131 = tpu.vector_load %arg9[%get3A_129, %get3A_130] {strides = array<i32>} : memref<128x64xf32, #tpu.memory_space<vmem>>, vector<16xf32>,
        %sub3A_132 = arith.subf %get3A_108, %get3A_131 : vector<16xf32>
        %mul3A_133 = arith.mulf %sub3A_132, %sub3A_132 : vector<16xf32>
        %add3A_134 = arith.constant 3 : i32
        %add3A_135 = arith.addi %mul3A_104, %add3A_134 : i32
        %get3A_136 = arith.index_cast %add3A_135 : i32 to index
        %get3A_137 = arith.constant 0 : index
        %get3A_138 = tpu.vector_load %arg9[%get3A_136, %get3A_137] {strides = array<i32>} : memref<128x64xf32, #tpu.memory_space<vmem>>, vector<16xf32>,
        %sub3A_139 = arith.subf %get3A_108, %get3A_138 : vector<16xf32>
        %mul3A_140 = arith.mulf %sub3A_139, %sub3A_139 : vector<16xf32>
        %add3A_141 = arith.constant 4 : i32
        %add3A_142 = arith.addi %mul3A_104, %add3A_141 : i32
        %get3A_143 = arith.index_cast %add3A_142 : i32 to index
        %get3A_144 = arith.constant 0 : index
        %get3A_145 = tpu.vector_load %arg9[%get3A_143, %get3A_144] {strides = array<i32>} : memref<128x64xf32, #tpu.memory_space<vmem>>, vector<16xf32>,
        %sub3A_146 = arith.subf %get3A_108, %get3A_145 : vector<16xf32>
        %mul3A_147 = arith.mulf %sub3A_146, %sub3A_146 : vector<16xf32>
        %add3A_148 = arith.constant 5 : i32
        %add3A_149 = arith.addi %mul3A_104, %add3A_148 : i32
        %get3A_150 = arith.index_cast %add3A_149 : i32 to index
        %get3A_151 = arith.constant 0 : index
        %get3A_152 = tpu.vector_load %arg9[%get3A_150, %get3A_151] {strides = array<i32>} : memref<128x64xf32, #tpu.memory_space<vmem>>, vector<16xf32>,
        %sub3A_153 = arith.subf %get3A_108, %get3A_152 : vector<16xf32>
        %mul3A_154 = arith.mulf %sub3A_153, %sub3A_153 : vector<16xf32>
        %add3A_155 = arith.constant 6 : i32
        %add3A_156 = arith.addi %mul3A_104, %add3A_155 : i32
        %get3A_157 = arith.index_cast %add3A_156 : i32 to index
        %get3A_158 = arith.constant 0 : index
        %get3A_159 = tpu.vector_load %arg9[%get3A_157, %get3A_158] {strides = array<i32>} : memref<128x64xf32, #tpu.memory_space<vmem>>, vector<16xf32>,
        %sub3A_160 = arith.subf %get3A_108, %get3A_159 : vector<16xf32>
        %mul3A_161 = arith.mulf %sub3A_160, %sub3A_160 : vector<16xf32>
        %add3A_162 = arith.constant 7 : i32
        %add3A_163 = arith.addi %mul3A_104, %add3A_162 : i32
        %get3A_164 = arith.index_cast %add3A_163 : i32 to index
        %get3A_165 = arith.constant 0 : index
        %get3A_166 = tpu.vector_load %arg9[%get3A_164, %get3A_165] {strides = array<i32>} : memref<128x64xf32, #tpu.memory_space<vmem>>, vector<16xf32>,
        %sub3A_167 = arith.subf %get3A_108, %get3A_166 : vector<16xf32>
        %mul3A_168 = arith.mulf %sub3A_167, %sub3A_167 : vector<16xf32>
        %add3A_169 = arith.constant 8 : i32
        %add3A_170 = arith.addi %mul3A_104, %add3A_169 : i32
        %get3A_171 = arith.index_cast %add3A_170 : i32 to index
        %get3A_172 = arith.constant 0 : index
        %get3A_173 = tpu.vector_load %arg9[%get3A_171, %get3A_172] {strides = array<i32>} : memref<128x64xf32, #tpu.memory_space<vmem>>, vector<16xf32>,
        %sub3A_174 = arith.subf %get3A_113, %get3A_173 : vector<16xf32>
        %mul3A_175 = arith.mulf %sub3A_174, %sub3A_174 : vector<16xf32>
        %add3A_176 = arith.constant 9 : i32
        %add3A_177 = arith.addi %mul3A_104, %add3A_176 : i32
        %get3A_178 = arith.index_cast %add3A_177 : i32 to index
        %get3A_179 = arith.constant 0 : index
        %get3A_180 = tpu.vector_load %arg9[%get3A_178, %get3A_179] {strides = array<i32>} : memref<128x64xf32, #tpu.memory_space<vmem>>, vector<16xf32>,
        %sub3A_181 = arith.subf %get3A_113, %get3A_180 : vector<16xf32>
        %mul3A_182 = arith.mulf %sub3A_181, %sub3A_181 : vector<16xf32>
        %add3A_183 = arith.constant 10 : i32
        %add3A_184 = arith.addi %mul3A_104, %add3A_183 : i32
        %get3A_185 = arith.index_cast %add3A_184 : i32 to index
        %get3A_186 = arith.constant 0 : index
        %get3A_187 = tpu.vector_load %arg9[%get3A_185, %get3A_186] {strides = array<i32>} : memref<128x64xf32, #tpu.memory_space<vmem>>, vector<16xf32>,
        %sub3A_188 = arith.subf %get3A_113, %get3A_187 : vector<16xf32>
        %mul3A_189 = arith.mulf %sub3A_188, %sub3A_188 : vector<16xf32>
        %add3A_190 = arith.constant 11 : i32
        %add3A_191 = arith.addi %mul3A_104, %add3A_190 : i32
        %get3A_192 = arith.index_cast %add3A_191 : i32 to index
        %get3A_193 = arith.constant 0 : index
        %get3A_194 = tpu.vector_load %arg9[%get3A_192, %get3A_193] {strides = array<i32>} : memref<128x64xf32, #tpu.memory_space<vmem>>, vector<16xf32>,
        %sub3A_195 = arith.subf %get3A_113, %get3A_194 : vector<16xf32>
        %mul3A_196 = arith.mulf %sub3A_195, %sub3A_195 : vector<16xf32>
        %add3A_197 = arith.constant 12 : i32
        %add3A_198 = arith.addi %mul3A_104, %add3A_197 : i32
        %get3A_199 = arith.index_cast %add3A_198 : i32 to index
        %get3A_200 = arith.constant 0 : index
        %get3A_201 = tpu.vector_load %arg9[%get3A_199, %get3A_200] {strides = array<i32>} : memref<128x64xf32, #tpu.memory_space<vmem>>, vector<16xf32>,
        %sub3A_202 = arith.subf %get3A_113, %get3A_201 : vector<16xf32>
        %mul3A_203 = arith.mulf %sub3A_202, %sub3A_202 : vector<16xf32>
        %add3A_204 = arith.constant 13 : i32
        %add3A_205 = arith.addi %mul3A_104, %add3A_204 : i32
        %get3A_206 = arith.index_cast %add3A_205 : i32 to index
        %get3A_207 = arith.constant 0 : index
        %get3A_208 = tpu.vector_load %arg9[%get3A_206, %get3A_207] {strides = array<i32>} : memref<128x64xf32, #tpu.memory_space<vmem>>, vector<16xf32>,
        %sub3A_209 = arith.subf %get3A_113, %get3A_208 : vector<16xf32>
        %mul3A_210 = arith.mulf %sub3A_209, %sub3A_209 : vector<16xf32>
        %add3A_211 = arith.constant 14 : i32
        %add3A_212 = arith.addi %mul3A_104, %add3A_211 : i32
        %get3A_213 = arith.index_cast %add3A_212 : i32 to index
        %get3A_214 = arith.constant 0 : index
        %get3A_215 = tpu.vector_load %arg9[%get3A_213, %get3A_214] {strides = array<i32>} : memref<128x64xf32, #tpu.memory_space<vmem>>, vector<16xf32>,
        %sub3A_216 = arith.subf %get3A_113, %get3A_215 : vector<16xf32>
        %mul3A_217 = arith.mulf %sub3A_216, %sub3A_216 : vector<16xf32>
        %add3A_218 = arith.constant 15 : i32
        %add3A_219 = arith.addi %mul3A_104, %add3A_218 : i32
        %get3A_220 = arith.index_cast %add3A_219 : i32 to index
        %get3A_221 = arith.constant 0 : index
        %get3A_222 = tpu.vector_load %arg9[%get3A_220, %get3A_221] {strides = array<i32>} : memref<128x64xf32, #tpu.memory_space<vmem>>, vector<16xf32>,
        %sub3A_223 = arith.subf %get3A_113, %get3A_222 : vector<16xf32>
        %mul3A_224 = arith.mulf %sub3A_223, %sub3A_223 : vector<16xf32>
        %add3A_225 = arith.constant 0 : i32
        %add3A_226 = arith.addi %add3A_102, %add3A_225 : i32
        %get3A_227 = arith.index_cast %add3A_226 : i32 to index
        %get3A_228 = arith.constant 16 : index
        %get3A_229 = tpu.vector_load %arg7[%get3A_227, %get3A_228] {strides = array<i32>} : memref<512x64xf32, #tpu.memory_space<vmem>>, vector<16xf32>,
        %add3A_230 = arith.constant 1 : i32
        %add3A_231 = arith.addi %add3A_102, %add3A_230 : i32
        %get3A_232 = arith.index_cast %add3A_231 : i32 to index
        %get3A_233 = arith.constant 16 : index
        %get3A_234 = tpu.vector_load %arg7[%get3A_232, %get3A_233] {strides = array<i32>} : memref<512x64xf32, #tpu.memory_space<vmem>>, vector<16xf32>,
        %add3A_235 = arith.constant 0 : i32
        %add3A_236 = arith.addi %mul3A_104, %add3A_235 : i32
        %get3A_237 = arith.index_cast %add3A_236 : i32 to index
        %get3A_238 = arith.constant 16 : index
        %get3A_239 = tpu.vector_load %arg9[%get3A_237, %get3A_238] {strides = array<i32>} : memref<128x64xf32, #tpu.memory_space<vmem>>, vector<16xf32>,
        %sub3A_240 = arith.subf %get3A_229, %get3A_239 : vector<16xf32>
        %mul3A_241 = arith.mulf %sub3A_240, %sub3A_240 : vector<16xf32>
        %add3A_242 = arith.addf %mul3A_119, %mul3A_241 : vector<16xf32>
        %add3A_243 = arith.constant 1 : i32
        %add3A_244 = arith.addi %mul3A_104, %add3A_243 : i32
        %get3A_245 = arith.index_cast %add3A_244 : i32 to index
        %get3A_246 = arith.constant 16 : index
        %get3A_247 = tpu.vector_load %arg9[%get3A_245, %get3A_246] {strides = array<i32>} : memref<128x64xf32, #tpu.memory_space<vmem>>, vector<16xf32>,
        %sub3A_248 = arith.subf %get3A_229, %get3A_247 : vector<16xf32>
        %mul3A_249 = arith.mulf %sub3A_248, %sub3A_248 : vector<16xf32>
        %add3A_250 = arith.addf %mul3A_126, %mul3A_249 : vector<16xf32>
        %add3A_251 = arith.constant 2 : i32
        %add3A_252 = arith.addi %mul3A_104, %add3A_251 : i32
        %get3A_253 = arith.index_cast %add3A_252 : i32 to index
        %get3A_254 = arith.constant 16 : index
        %get3A_255 = tpu.vector_load %arg9[%get3A_253, %get3A_254] {strides = array<i32>} : memref<128x64xf32, #tpu.memory_space<vmem>>, vector<16xf32>,
        %sub3A_256 = arith.subf %get3A_229, %get3A_255 : vector<16xf32>
        %mul3A_257 = arith.mulf %sub3A_256, %sub3A_256 : vector<16xf32>
        %add3A_258 = arith.addf %mul3A_133, %mul3A_257 : vector<16xf32>
        %add3A_259 = arith.constant 3 : i32
        %add3A_260 = arith.addi %mul3A_104, %add3A_259 : i32
        %get3A_261 = arith.index_cast %add3A_260 : i32 to index
        %get3A_262 = arith.constant 16 : index
        %get3A_263 = tpu.vector_load %arg9[%get3A_261, %get3A_262] {strides = array<i32>} : memref<128x64xf32, #tpu.memory_space<vmem>>, vector<16xf32>,
        %sub3A_264 = arith.subf %get3A_229, %get3A_263 : vector<16xf32>
        %mul3A_265 = arith.mulf %sub3A_264, %sub3A_264 : vector<16xf32>
        %add3A_266 = arith.addf %mul3A_140, %mul3A_265 : vector<16xf32>
        %add3A_267 = arith.constant 4 : i32
        %add3A_268 = arith.addi %mul3A_104, %add3A_267 : i32
        %get3A_269 = arith.index_cast %add3A_268 : i32 to index
        %get3A_270 = arith.constant 16 : index
        %get3A_271 = tpu.vector_load %arg9[%get3A_269, %get3A_270] {strides = array<i32>} : memref<128x64xf32, #tpu.memory_space<vmem>>, vector<16xf32>,
        %sub3A_272 = arith.subf %get3A_229, %get3A_271 : vector<16xf32>
        %mul3A_273 = arith.mulf %sub3A_272, %sub3A_272 : vector<16xf32>
        %add3A_274 = arith.addf %mul3A_147, %mul3A_273 : vector<16xf32>
        %add3A_275 = arith.constant 5 : i32
        %add3A_276 = arith.addi %mul3A_104, %add3A_275 : i32
        %get3A_277 = arith.index_cast %add3A_276 : i32 to index
        %get3A_278 = arith.constant 16 : index
        %get3A_279 = tpu.vector_load %arg9[%get3A_277, %get3A_278] {strides = array<i32>} : memref<128x64xf32, #tpu.memory_space<vmem>>, vector<16xf32>,
        %sub3A_280 = arith.subf %get3A_229, %get3A_279 : vector<16xf32>
        %mul3A_281 = arith.mulf %sub3A_280, %sub3A_280 : vector<16xf32>
        %add3A_282 = arith.addf %mul3A_154, %mul3A_281 : vector<16xf32>
        %add3A_283 = arith.constant 6 : i32
        %add3A_284 = arith.addi %mul3A_104, %add3A_283 : i32
        %get3A_285 = arith.index_cast %add3A_284 : i32 to index
        %get3A_286 = arith.constant 16 : index
        %get3A_287 = tpu.vector_load %arg9[%get3A_285, %get3A_286] {strides = array<i32>} : memref<128x64xf32, #tpu.memory_space<vmem>>, vector<16xf32>,
        %sub3A_288 = arith.subf %get3A_229, %get3A_287 : vector<16xf32>
        %mul3A_289 = arith.mulf %sub3A_288, %sub3A_288 : vector<16xf32>
        %add3A_290 = arith.addf %mul3A_161, %mul3A_289 : vector<16xf32>
        %add3A_291 = arith.constant 7 : i32
        %add3A_292 = arith.addi %mul3A_104, %add3A_291 : i32
        %get3A_293 = arith.index_cast %add3A_292 : i32 to index
        %get3A_294 = arith.constant 16 : index
        %get3A_295 = tpu.vector_load %arg9[%get3A_293, %get3A_294] {strides = array<i32>} : memref<128x64xf32, #tpu.memory_space<vmem>>, vector<16xf32>,
        %sub3A_296 = arith.subf %get3A_229, %get3A_295 : vector<16xf32>
        %mul3A_297 = arith.mulf %sub3A_296, %sub3A_296 : vector<16xf32>
        %add3A_298 = arith.addf %mul3A_168, %mul3A_297 : vector<16xf32>
        %add3A_299 = arith.constant 8 : i32
        %add3A_300 = arith.addi %mul3A_104, %add3A_299 : i32
        %get3A_301 = arith.index_cast %add3A_300 : i32 to index
        %get3A_302 = arith.constant 16 : index
        %get3A_303 = tpu.vector_load %arg9[%get3A_301, %get3A_302] {strides = array<i32>} : memref<128x64xf32, #tpu.memory_space<vmem>>, vector<16xf32>,
        %sub3A_304 = arith.subf %get3A_234, %get3A_303 : vector<16xf32>
        %mul3A_305 = arith.mulf %sub3A_304, %sub3A_304 : vector<16xf32>
        %add3A_306 = arith.addf %mul3A_175, %mul3A_305 : vector<16xf32>
        %add3A_307 = arith.constant 9 : i32
        %add3A_308 = arith.addi %mul3A_104, %add3A_307 : i32
        %get3A_309 = arith.index_cast %add3A_308 : i32 to index
        %get3A_310 = arith.constant 16 : index
        %get3A_311 = tpu.vector_load %arg9[%get3A_309, %get3A_310] {strides = array<i32>} : memref<128x64xf32, #tpu.memory_space<vmem>>, vector<16xf32>,
        %sub3A_312 = arith.subf %get3A_234, %get3A_311 : vector<16xf32>
        %mul3A_313 = arith.mulf %sub3A_312, %sub3A_312 : vector<16xf32>
        %add3A_314 = arith.addf %mul3A_182, %mul3A_313 : vector<16xf32>
        %add3A_315 = arith.constant 10 : i32
        %add3A_316 = arith.addi %mul3A_104, %add3A_315 : i32
        %get3A_317 = arith.index_cast %add3A_316 : i32 to index
        %get3A_318 = arith.constant 16 : index
        %get3A_319 = tpu.vector_load %arg9[%get3A_317, %get3A_318] {strides = array<i32>} : memref<128x64xf32, #tpu.memory_space<vmem>>, vector<16xf32>,
        %sub3A_320 = arith.subf %get3A_234, %get3A_319 : vector<16xf32>
        %mul3A_321 = arith.mulf %sub3A_320, %sub3A_320 : vector<16xf32>
        %add3A_322 = arith.addf %mul3A_189, %mul3A_321 : vector<16xf32>
        %add3A_323 = arith.constant 11 : i32
        %add3A_324 = arith.addi %mul3A_104, %add3A_323 : i32
        %get3A_325 = arith.index_cast %add3A_324 : i32 to index
        %get3A_326 = arith.constant 16 : index
        %get3A_327 = tpu.vector_load %arg9[%get3A_325, %get3A_326] {strides = array<i32>} : memref<128x64xf32, #tpu.memory_space<vmem>>, vector<16xf32>,
        %sub3A_328 = arith.subf %get3A_234, %get3A_327 : vector<16xf32>
        %mul3A_329 = arith.mulf %sub3A_328, %sub3A_328 : vector<16xf32>
        %add3A_330 = arith.addf %mul3A_196, %mul3A_329 : vector<16xf32>
        %add3A_331 = arith.constant 12 : i32
        %add3A_332 = arith.addi %mul3A_104, %add3A_331 : i32
        %get3A_333 = arith.index_cast %add3A_332 : i32 to index
        %get3A_334 = arith.constant 16 : index
        %get3A_335 = tpu.vector_load %arg9[%get3A_333, %get3A_334] {strides = array<i32>} : memref<128x64xf32, #tpu.memory_space<vmem>>, vector<16xf32>,
        %sub3A_336 = arith.subf %get3A_234, %get3A_335 : vector<16xf32>
        %mul3A_337 = arith.mulf %sub3A_336, %sub3A_336 : vector<16xf32>
        %add3A_338 = arith.addf %mul3A_203, %mul3A_337 : vector<16xf32>
        %add3A_339 = arith.constant 13 : i32
        %add3A_340 = arith.addi %mul3A_104, %add3A_339 : i32
        %get3A_341 = arith.index_cast %add3A_340 : i32 to index
        %get3A_342 = arith.constant 16 : index
        %get3A_343 = tpu.vector_load %arg9[%get3A_341, %get3A_342] {strides = array<i32>} : memref<128x64xf32, #tpu.memory_space<vmem>>, vector<16xf32>,
        %sub3A_344 = arith.subf %get3A_234, %get3A_343 : vector<16xf32>
        %mul3A_345 = arith.mulf %sub3A_344, %sub3A_344 : vector<16xf32>
        %add3A_346 = arith.addf %mul3A_210, %mul3A_345 : vector<16xf32>
        %add3A_347 = arith.constant 14 : i32
        %add3A_348 = arith.addi %mul3A_104, %add3A_347 : i32
        %get3A_349 = arith.index_cast %add3A_348 : i32 to index
        %get3A_350 = arith.constant 16 : index
        %get3A_351 = tpu.vector_load %arg9[%get3A_349, %get3A_350] {strides = array<i32>} : memref<128x64xf32, #tpu.memory_space<vmem>>, vector<16xf32>,
        %sub3A_352 = arith.subf %get3A_234, %get3A_351 : vector<16xf32>
        %mul3A_353 = arith.mulf %sub3A_352, %sub3A_352 : vector<16xf32>
        %add3A_354 = arith.addf %mul3A_217, %mul3A_353 : vector<16xf32>
        %add3A_355 = arith.constant 15 : i32
        %add3A_356 = arith.addi %mul3A_104, %add3A_355 : i32
        %get3A_357 = arith.index_cast %add3A_356 : i32 to index
        %get3A_358 = arith.constant 16 : index
        %get3A_359 = tpu.vector_load %arg9[%get3A_357, %get3A_358] {strides = array<i32>} : memref<128x64xf32, #tpu.memory_space<vmem>>, vector<16xf32>,
        %sub3A_360 = arith.subf %get3A_234, %get3A_359 : vector<16xf32>
        %mul3A_361 = arith.mulf %sub3A_360, %sub3A_360 : vector<16xf32>
        %add3A_362 = arith.addf %mul3A_224, %mul3A_361 : vector<16xf32>
        %add3A_363 = arith.constant 0 : i32
        %add3A_364 = arith.addi %add3A_102, %add3A_363 : i32
        %get3A_365 = arith.index_cast %add3A_364 : i32 to index
        %get3A_366 = arith.constant 32 : index
        %get3A_367 = tpu.vector_load %arg7[%get3A_365, %get3A_366] {strides = array<i32>} : memref<512x64xf32, #tpu.memory_space<vmem>>, vector<16xf32>,
        %add3A_368 = arith.constant 1 : i32
        %add3A_369 = arith.addi %add3A_102, %add3A_368 : i32
        %get3A_370 = arith.index_cast %add3A_369 : i32 to index
        %get3A_371 = arith.constant 32 : index
        %get3A_372 = tpu.vector_load %arg7[%get3A_370, %get3A_371] {strides = array<i32>} : memref<512x64xf32, #tpu.memory_space<vmem>>, vector<16xf32>,
        %add3A_373 = arith.constant 0 : i32
        %add3A_374 = arith.addi %mul3A_104, %add3A_373 : i32
        %get3A_375 = arith.index_cast %add3A_374 : i32 to index
        %get3A_376 = arith.constant 32 : index
        %get3A_377 = tpu.vector_load %arg9[%get3A_375, %get3A_376] {strides = array<i32>} : memref<128x64xf32, #tpu.memory_space<vmem>>, vector<16xf32>,
        %sub3A_378 = arith.subf %get3A_367, %get3A_377 : vector<16xf32>
        %mul3A_379 = arith.mulf %sub3A_378, %sub3A_378 : vector<16xf32>
        %add3A_380 = arith.addf %add3A_242, %mul3A_379 : vector<16xf32>
        %add3A_381 = arith.constant 1 : i32
        %add3A_382 = arith.addi %mul3A_104, %add3A_381 : i32
        %get3A_383 = arith.index_cast %add3A_382 : i32 to index
        %get3A_384 = arith.constant 32 : index
        %get3A_385 = tpu.vector_load %arg9[%get3A_383, %get3A_384] {strides = array<i32>} : memref<128x64xf32, #tpu.memory_space<vmem>>, vector<16xf32>,
        %sub3A_386 = arith.subf %get3A_367, %get3A_385 : vector<16xf32>
        %mul3A_387 = arith.mulf %sub3A_386, %sub3A_386 : vector<16xf32>
        %add3A_388 = arith.addf %add3A_250, %mul3A_387 : vector<16xf32>
        %add3A_389 = arith.constant 2 : i32
        %add3A_390 = arith.addi %mul3A_104, %add3A_389 : i32
        %get3A_391 = arith.index_cast %add3A_390 : i32 to index
        %get3A_392 = arith.constant 32 : index
        %get3A_393 = tpu.vector_load %arg9[%get3A_391, %get3A_392] {strides = array<i32>} : memref<128x64xf32, #tpu.memory_space<vmem>>, vector<16xf32>,
        %sub3A_394 = arith.subf %get3A_367, %get3A_393 : vector<16xf32>
        %mul3A_395 = arith.mulf %sub3A_394, %sub3A_394 : vector<16xf32>
        %add3A_396 = arith.addf %add3A_258, %mul3A_395 : vector<16xf32>
        %add3A_397 = arith.constant 3 : i32
        %add3A_398 = arith.addi %mul3A_104, %add3A_397 : i32
        %get3A_399 = arith.index_cast %add3A_398 : i32 to index
        %get3A_400 = arith.constant 32 : index
        %get3A_401 = tpu.vector_load %arg9[%get3A_399, %get3A_400] {strides = array<i32>} : memref<128x64xf32, #tpu.memory_space<vmem>>, vector<16xf32>,
        %sub3A_402 = arith.subf %get3A_367, %get3A_401 : vector<16xf32>
        %mul3A_403 = arith.mulf %sub3A_402, %sub3A_402 : vector<16xf32>
        %add3A_404 = arith.addf %add3A_266, %mul3A_403 : vector<16xf32>
        %add3A_405 = arith.constant 4 : i32
        %add3A_406 = arith.addi %mul3A_104, %add3A_405 : i32
        %get3A_407 = arith.index_cast %add3A_406 : i32 to index
        %get3A_408 = arith.constant 32 : index
        %get3A_409 = tpu.vector_load %arg9[%get3A_407, %get3A_408] {strides = array<i32>} : memref<128x64xf32, #tpu.memory_space<vmem>>, vector<16xf32>,
        %sub3A_410 = arith.subf %get3A_367, %get3A_409 : vector<16xf32>
        %mul3A_411 = arith.mulf %sub3A_410, %sub3A_410 : vector<16xf32>
        %add3A_412 = arith.addf %add3A_274, %mul3A_411 : vector<16xf32>
        %add3A_413 = arith.constant 5 : i32
        %add3A_414 = arith.addi %mul3A_104, %add3A_413 : i32
        %get3A_415 = arith.index_cast %add3A_414 : i32 to index
        %get3A_416 = arith.constant 32 : index
        %get3A_417 = tpu.vector_load %arg9[%get3A_415, %get3A_416] {strides = array<i32>} : memref<128x64xf32, #tpu.memory_space<vmem>>, vector<16xf32>,
        %sub3A_418 = arith.subf %get3A_367, %get3A_417 : vector<16xf32>
        %mul3A_419 = arith.mulf %sub3A_418, %sub3A_418 : vector<16xf32>
        %add3A_420 = arith.addf %add3A_282, %mul3A_419 : vector<16xf32>
        %add3A_421 = arith.constant 6 : i32
        %add3A_422 = arith.addi %mul3A_104, %add3A_421 : i32
        %get3A_423 = arith.index_cast %add3A_422 : i32 to index
        %get3A_424 = arith.constant 32 : index
        %get3A_425 = tpu.vector_load %arg9[%get3A_423, %get3A_424] {strides = array<i32>} : memref<128x64xf32, #tpu.memory_space<vmem>>, vector<16xf32>,
        %sub3A_426 = arith.subf %get3A_367, %get3A_425 : vector<16xf32>
        %mul3A_427 = arith.mulf %sub3A_426, %sub3A_426 : vector<16xf32>
        %add3A_428 = arith.addf %add3A_290, %mul3A_427 : vector<16xf32>
        %add3A_429 = arith.constant 7 : i32
        %add3A_430 = arith.addi %mul3A_104, %add3A_429 : i32
        %get3A_431 = arith.index_cast %add3A_430 : i32 to index
        %get3A_432 = arith.constant 32 : index
        %get3A_433 = tpu.vector_load %arg9[%get3A_431, %get3A_432] {strides = array<i32>} : memref<128x64xf32, #tpu.memory_space<vmem>>, vector<16xf32>,
        %sub3A_434 = arith.subf %get3A_367, %get3A_433 : vector<16xf32>
        %mul3A_435 = arith.mulf %sub3A_434, %sub3A_434 : vector<16xf32>
        %add3A_436 = arith.addf %add3A_298, %mul3A_435 : vector<16xf32>
        %add3A_437 = arith.constant 8 : i32
        %add3A_438 = arith.addi %mul3A_104, %add3A_437 : i32
        %get3A_439 = arith.index_cast %add3A_438 : i32 to index
        %get3A_440 = arith.constant 32 : index
        %get3A_441 = tpu.vector_load %arg9[%get3A_439, %get3A_440] {strides = array<i32>} : memref<128x64xf32, #tpu.memory_space<vmem>>, vector<16xf32>,
        %sub3A_442 = arith.subf %get3A_372, %get3A_441 : vector<16xf32>
        %mul3A_443 = arith.mulf %sub3A_442, %sub3A_442 : vector<16xf32>
        %add3A_444 = arith.addf %add3A_306, %mul3A_443 : vector<16xf32>
        %add3A_445 = arith.constant 9 : i32
        %add3A_446 = arith.addi %mul3A_104, %add3A_445 : i32
        %get3A_447 = arith.index_cast %add3A_446 : i32 to index
        %get3A_448 = arith.constant 32 : index
        %get3A_449 = tpu.vector_load %arg9[%get3A_447, %get3A_448] {strides = array<i32>} : memref<128x64xf32, #tpu.memory_space<vmem>>, vector<16xf32>,
        %sub3A_450 = arith.subf %get3A_372, %get3A_449 : vector<16xf32>
        %mul3A_451 = arith.mulf %sub3A_450, %sub3A_450 : vector<16xf32>
        %add3A_452 = arith.addf %add3A_314, %mul3A_451 : vector<16xf32>
        %add3A_453 = arith.constant 10 : i32
        %add3A_454 = arith.addi %mul3A_104, %add3A_453 : i32
        %get3A_455 = arith.index_cast %add3A_454 : i32 to index
        %get3A_456 = arith.constant 32 : index
        %get3A_457 = tpu.vector_load %arg9[%get3A_455, %get3A_456] {strides = array<i32>} : memref<128x64xf32, #tpu.memory_space<vmem>>, vector<16xf32>,
        %sub3A_458 = arith.subf %get3A_372, %get3A_457 : vector<16xf32>
        %mul3A_459 = arith.mulf %sub3A_458, %sub3A_458 : vector<16xf32>
        %add3A_460 = arith.addf %add3A_322, %mul3A_459 : vector<16xf32>
        %add3A_461 = arith.constant 11 : i32
        %add3A_462 = arith.addi %mul3A_104, %add3A_461 : i32
        %get3A_463 = arith.index_cast %add3A_462 : i32 to index
        %get3A_464 = arith.constant 32 : index
        %get3A_465 = tpu.vector_load %arg9[%get3A_463, %get3A_464] {strides = array<i32>} : memref<128x64xf32, #tpu.memory_space<vmem>>, vector<16xf32>,
        %sub3A_466 = arith.subf %get3A_372, %get3A_465 : vector<16xf32>
        %mul3A_467 = arith.mulf %sub3A_466, %sub3A_466 : vector<16xf32>
        %add3A_468 = arith.addf %add3A_330, %mul3A_467 : vector<16xf32>
        %add3A_469 = arith.constant 12 : i32
        %add3A_470 = arith.addi %mul3A_104, %add3A_469 : i32
        %get3A_471 = arith.index_cast %add3A_470 : i32 to index
        %get3A_472 = arith.constant 32 : index
        %get3A_473 = tpu.vector_load %arg9[%get3A_471, %get3A_472] {strides = array<i32>} : memref<128x64xf32, #tpu.memory_space<vmem>>, vector<16xf32>,
        %sub3A_474 = arith.subf %get3A_372, %get3A_473 : vector<16xf32>
        %mul3A_475 = arith.mulf %sub3A_474, %sub3A_474 : vector<16xf32>
        %add3A_476 = arith.addf %add3A_338, %mul3A_475 : vector<16xf32>
        %add3A_477 = arith.constant 13 : i32
        %add3A_478 = arith.addi %mul3A_104, %add3A_477 : i32
        %get3A_479 = arith.index_cast %add3A_478 : i32 to index
        %get3A_480 = arith.constant 32 : index
        %get3A_481 = tpu.vector_load %arg9[%get3A_479, %get3A_480] {strides = array<i32>} : memref<128x64xf32, #tpu.memory_space<vmem>>, vector<16xf32>,
        %sub3A_482 = arith.subf %get3A_372, %get3A_481 : vector<16xf32>
        %mul3A_483 = arith.mulf %sub3A_482, %sub3A_482 : vector<16xf32>
        %add3A_484 = arith.addf %add3A_346, %mul3A_483 : vector<16xf32>
        %add3A_485 = arith.constant 14 : i32
        %add3A_486 = arith.addi %mul3A_104, %add3A_485 : i32
        %get3A_487 = arith.index_cast %add3A_486 : i32 to index
        %get3A_488 = arith.constant 32 : index
        %get3A_489 = tpu.vector_load %arg9[%get3A_487, %get3A_488] {strides = array<i32>} : memref<128x64xf32, #tpu.memory_space<vmem>>, vector<16xf32>,
        %sub3A_490 = arith.subf %get3A_372, %get3A_489 : vector<16xf32>
        %mul3A_491 = arith.mulf %sub3A_490, %sub3A_490 : vector<16xf32>
        %add3A_492 = arith.addf %add3A_354, %mul3A_491 : vector<16xf32>
        %add3A_493 = arith.constant 15 : i32
        %add3A_494 = arith.addi %mul3A_104, %add3A_493 : i32
        %get3A_495 = arith.index_cast %add3A_494 : i32 to index
        %get3A_496 = arith.constant 32 : index
        %get3A_497 = tpu.vector_load %arg9[%get3A_495, %get3A_496] {strides = array<i32>} : memref<128x64xf32, #tpu.memory_space<vmem>>, vector<16xf32>,
        %sub3A_498 = arith.subf %get3A_372, %get3A_497 : vector<16xf32>
        %mul3A_499 = arith.mulf %sub3A_498, %sub3A_498 : vector<16xf32>
        %add3A_500 = arith.addf %add3A_362, %mul3A_499 : vector<16xf32>
        %add3A_501 = arith.constant 0 : i32
        %add3A_502 = arith.addi %add3A_102, %add3A_501 : i32
        %get3A_503 = arith.index_cast %add3A_502 : i32 to index
        %get3A_504 = arith.constant 48 : index
        %get3A_505 = tpu.vector_load %arg7[%get3A_503, %get3A_504] {strides = array<i32>} : memref<512x64xf32, #tpu.memory_space<vmem>>, vector<16xf32>,
        %add3A_506 = arith.constant 1 : i32
        %add3A_507 = arith.addi %add3A_102, %add3A_506 : i32
        %get3A_508 = arith.index_cast %add3A_507 : i32 to index
        %get3A_509 = arith.constant 48 : index
        %get3A_510 = tpu.vector_load %arg7[%get3A_508, %get3A_509] {strides = array<i32>} : memref<512x64xf32, #tpu.memory_space<vmem>>, vector<16xf32>,
        %add3A_511 = arith.constant 0 : i32
        %add3A_512 = arith.addi %mul3A_104, %add3A_511 : i32
        %get3A_513 = arith.index_cast %add3A_512 : i32 to index
        %get3A_514 = arith.constant 48 : index
        %get3A_515 = tpu.vector_load %arg9[%get3A_513, %get3A_514] {strides = array<i32>} : memref<128x64xf32, #tpu.memory_space<vmem>>, vector<16xf32>,
        %sub3A_516 = arith.subf %get3A_505, %get3A_515 : vector<16xf32>
        %mul3A_517 = arith.mulf %sub3A_516, %sub3A_516 : vector<16xf32>
        %add3A_518 = arith.addf %add3A_380, %mul3A_517 : vector<16xf32>
        %add3A_519 = arith.constant 1 : i32
        %add3A_520 = arith.addi %mul3A_104, %add3A_519 : i32
        %get3A_521 = arith.index_cast %add3A_520 : i32 to index
        %get3A_522 = arith.constant 48 : index
        %get3A_523 = tpu.vector_load %arg9[%get3A_521, %get3A_522] {strides = array<i32>} : memref<128x64xf32, #tpu.memory_space<vmem>>, vector<16xf32>,
        %sub3A_524 = arith.subf %get3A_505, %get3A_523 : vector<16xf32>
        %mul3A_525 = arith.mulf %sub3A_524, %sub3A_524 : vector<16xf32>
        %add3A_526 = arith.addf %add3A_388, %mul3A_525 : vector<16xf32>
        %add3A_527 = arith.constant 2 : i32
        %add3A_528 = arith.addi %mul3A_104, %add3A_527 : i32
        %get3A_529 = arith.index_cast %add3A_528 : i32 to index
        %get3A_530 = arith.constant 48 : index
        %get3A_531 = tpu.vector_load %arg9[%get3A_529, %get3A_530] {strides = array<i32>} : memref<128x64xf32, #tpu.memory_space<vmem>>, vector<16xf32>,
        %sub3A_532 = arith.subf %get3A_505, %get3A_531 : vector<16xf32>
        %mul3A_533 = arith.mulf %sub3A_532, %sub3A_532 : vector<16xf32>
        %add3A_534 = arith.addf %add3A_396, %mul3A_533 : vector<16xf32>
        %add3A_535 = arith.constant 3 : i32
        %add3A_536 = arith.addi %mul3A_104, %add3A_535 : i32
        %get3A_537 = arith.index_cast %add3A_536 : i32 to index
        %get3A_538 = arith.constant 48 : index
        %get3A_539 = tpu.vector_load %arg9[%get3A_537, %get3A_538] {strides = array<i32>} : memref<128x64xf32, #tpu.memory_space<vmem>>, vector<16xf32>,
        %sub3A_540 = arith.subf %get3A_505, %get3A_539 : vector<16xf32>
        %mul3A_541 = arith.mulf %sub3A_540, %sub3A_540 : vector<16xf32>
        %add3A_542 = arith.addf %add3A_404, %mul3A_541 : vector<16xf32>
        %add3A_543 = arith.constant 4 : i32
        %add3A_544 = arith.addi %mul3A_104, %add3A_543 : i32
        %get3A_545 = arith.index_cast %add3A_544 : i32 to index
        %get3A_546 = arith.constant 48 : index
        %get3A_547 = tpu.vector_load %arg9[%get3A_545, %get3A_546] {strides = array<i32>} : memref<128x64xf32, #tpu.memory_space<vmem>>, vector<16xf32>,
        %sub3A_548 = arith.subf %get3A_505, %get3A_547 : vector<16xf32>
        %mul3A_549 = arith.mulf %sub3A_548, %sub3A_548 : vector<16xf32>
        %add3A_550 = arith.addf %add3A_412, %mul3A_549 : vector<16xf32>
        %add3A_551 = arith.constant 5 : i32
        %add3A_552 = arith.addi %mul3A_104, %add3A_551 : i32
        %get3A_553 = arith.index_cast %add3A_552 : i32 to index
        %get3A_554 = arith.constant 48 : index
        %get3A_555 = tpu.vector_load %arg9[%get3A_553, %get3A_554] {strides = array<i32>} : memref<128x64xf32, #tpu.memory_space<vmem>>, vector<16xf32>,
        %sub3A_556 = arith.subf %get3A_505, %get3A_555 : vector<16xf32>
        %mul3A_557 = arith.mulf %sub3A_556, %sub3A_556 : vector<16xf32>
        %add3A_558 = arith.addf %add3A_420, %mul3A_557 : vector<16xf32>
        %add3A_559 = arith.constant 6 : i32
        %add3A_560 = arith.addi %mul3A_104, %add3A_559 : i32
        %get3A_561 = arith.index_cast %add3A_560 : i32 to index
        %get3A_562 = arith.constant 48 : index
        %get3A_563 = tpu.vector_load %arg9[%get3A_561, %get3A_562] {strides = array<i32>} : memref<128x64xf32, #tpu.memory_space<vmem>>, vector<16xf32>,
        %sub3A_564 = arith.subf %get3A_505, %get3A_563 : vector<16xf32>
        %mul3A_565 = arith.mulf %sub3A_564, %sub3A_564 : vector<16xf32>
        %add3A_566 = arith.addf %add3A_428, %mul3A_565 : vector<16xf32>
        %add3A_567 = arith.constant 7 : i32
        %add3A_568 = arith.addi %mul3A_104, %add3A_567 : i32
        %get3A_569 = arith.index_cast %add3A_568 : i32 to index
        %get3A_570 = arith.constant 48 : index
        %get3A_571 = tpu.vector_load %arg9[%get3A_569, %get3A_570] {strides = array<i32>} : memref<128x64xf32, #tpu.memory_space<vmem>>, vector<16xf32>,
        %sub3A_572 = arith.subf %get3A_505, %get3A_571 : vector<16xf32>
        %mul3A_573 = arith.mulf %sub3A_572, %sub3A_572 : vector<16xf32>
        %add3A_574 = arith.addf %add3A_436, %mul3A_573 : vector<16xf32>
        %add3A_575 = arith.constant 8 : i32
        %add3A_576 = arith.addi %mul3A_104, %add3A_575 : i32
        %get3A_577 = arith.index_cast %add3A_576 : i32 to index
        %get3A_578 = arith.constant 48 : index
        %get3A_579 = tpu.vector_load %arg9[%get3A_577, %get3A_578] {strides = array<i32>} : memref<128x64xf32, #tpu.memory_space<vmem>>, vector<16xf32>,
        %sub3A_580 = arith.subf %get3A_510, %get3A_579 : vector<16xf32>
        %mul3A_581 = arith.mulf %sub3A_580, %sub3A_580 : vector<16xf32>
        %add3A_582 = arith.addf %add3A_444, %mul3A_581 : vector<16xf32>
        %add3A_583 = arith.constant 9 : i32
        %add3A_584 = arith.addi %mul3A_104, %add3A_583 : i32
        %get3A_585 = arith.index_cast %add3A_584 : i32 to index
        %get3A_586 = arith.constant 48 : index
        %get3A_587 = tpu.vector_load %arg9[%get3A_585, %get3A_586] {strides = array<i32>} : memref<128x64xf32, #tpu.memory_space<vmem>>, vector<16xf32>,
        %sub3A_588 = arith.subf %get3A_510, %get3A_587 : vector<16xf32>
        %mul3A_589 = arith.mulf %sub3A_588, %sub3A_588 : vector<16xf32>
        %add3A_590 = arith.addf %add3A_452, %mul3A_589 : vector<16xf32>
        %add3A_591 = arith.constant 10 : i32
        %add3A_592 = arith.addi %mul3A_104, %add3A_591 : i32
        %get3A_593 = arith.index_cast %add3A_592 : i32 to index
        %get3A_594 = arith.constant 48 : index
        %get3A_595 = tpu.vector_load %arg9[%get3A_593, %get3A_594] {strides = array<i32>} : memref<128x64xf32, #tpu.memory_space<vmem>>, vector<16xf32>,
        %sub3A_596 = arith.subf %get3A_510, %get3A_595 : vector<16xf32>
        %mul3A_597 = arith.mulf %sub3A_596, %sub3A_596 : vector<16xf32>
        %add3A_598 = arith.addf %add3A_460, %mul3A_597 : vector<16xf32>
        %add3A_599 = arith.constant 11 : i32
        %add3A_600 = arith.addi %mul3A_104, %add3A_599 : i32
        %get3A_601 = arith.index_cast %add3A_600 : i32 to index
        %get3A_602 = arith.constant 48 : index
        %get3A_603 = tpu.vector_load %arg9[%get3A_601, %get3A_602] {strides = array<i32>} : memref<128x64xf32, #tpu.memory_space<vmem>>, vector<16xf32>,
        %sub3A_604 = arith.subf %get3A_510, %get3A_603 : vector<16xf32>
        %mul3A_605 = arith.mulf %sub3A_604, %sub3A_604 : vector<16xf32>
        %add3A_606 = arith.addf %add3A_468, %mul3A_605 : vector<16xf32>
        %add3A_607 = arith.constant 12 : i32
        %add3A_608 = arith.addi %mul3A_104, %add3A_607 : i32
        %get3A_609 = arith.index_cast %add3A_608 : i32 to index
        %get3A_610 = arith.constant 48 : index
        %get3A_611 = tpu.vector_load %arg9[%get3A_609, %get3A_610] {strides = array<i32>} : memref<128x64xf32, #tpu.memory_space<vmem>>, vector<16xf32>,
        %sub3A_612 = arith.subf %get3A_510, %get3A_611 : vector<16xf32>
        %mul3A_613 = arith.mulf %sub3A_612, %sub3A_612 : vector<16xf32>
        %add3A_614 = arith.addf %add3A_476, %mul3A_613 : vector<16xf32>
        %add3A_615 = arith.constant 13 : i32
        %add3A_616 = arith.addi %mul3A_104, %add3A_615 : i32
        %get3A_617 = arith.index_cast %add3A_616 : i32 to index
        %get3A_618 = arith.constant 48 : index
        %get3A_619 = tpu.vector_load %arg9[%get3A_617, %get3A_618] {strides = array<i32>} : memref<128x64xf32, #tpu.memory_space<vmem>>, vector<16xf32>,
        %sub3A_620 = arith.subf %get3A_510, %get3A_619 : vector<16xf32>
        %mul3A_621 = arith.mulf %sub3A_620, %sub3A_620 : vector<16xf32>
        %add3A_622 = arith.addf %add3A_484, %mul3A_621 : vector<16xf32>
        %add3A_623 = arith.constant 14 : i32
        %add3A_624 = arith.addi %mul3A_104, %add3A_623 : i32
        %get3A_625 = arith.index_cast %add3A_624 : i32 to index
        %get3A_626 = arith.constant 48 : index
        %get3A_627 = tpu.vector_load %arg9[%get3A_625, %get3A_626] {strides = array<i32>} : memref<128x64xf32, #tpu.memory_space<vmem>>, vector<16xf32>,
        %sub3A_628 = arith.subf %get3A_510, %get3A_627 : vector<16xf32>
        %mul3A_629 = arith.mulf %sub3A_628, %sub3A_628 : vector<16xf32>
        %add3A_630 = arith.addf %add3A_492, %mul3A_629 : vector<16xf32>
        %add3A_631 = arith.constant 15 : i32
        %add3A_632 = arith.addi %mul3A_104, %add3A_631 : i32
        %get3A_633 = arith.index_cast %add3A_632 : i32 to index
        %get3A_634 = arith.constant 48 : index
        %get3A_635 = tpu.vector_load %arg9[%get3A_633, %get3A_634] {strides = array<i32>} : memref<128x64xf32, #tpu.memory_space<vmem>>, vector<16xf32>,
        %sub3A_636 = arith.subf %get3A_510, %get3A_635 : vector<16xf32>
        %mul3A_637 = arith.mulf %sub3A_636, %sub3A_636 : vector<16xf32>
        %add3A_638 = arith.addf %add3A_500, %mul3A_637 : vector<16xf32>
        %broadcast_in_dim3A_639 = arith.constant 0.000000e+00 : f32
        %broadcast_in_dim3A_640 = vector.broadcast %broadcast_in_dim3A_639 : f32 to vector<16xf32>
        %eq3A = arith.constant 0 : i32
        %eq3A_641 = vector.broadcast %eq3A : i32 to vector<16xi32>
        %eq3A_642 = arith.cmpi eq, %iota3A, %eq3A_641 : vector<16xi32>
        %reduce_sum3A = arith.constant true
        %reduce_sum3A_643 = vector.broadcast %reduce_sum3A : i1 to vector<16xi1>
        %reduce_sum3A_644 = tpu.scan <sum>, %add3A_518 masked %reduce_sum3A_643 : vector<16xf32>, vector<16xi1> -> vector<16xf32>
        %reduce_sum3A_645 = vector.extract %reduce_sum3A_644[15] : f32 from vector<16xf32>
        %broadcast_in_dim3A_646 = vector.broadcast %reduce_sum3A_645 : f32 to vector<16xf32>
        %select_n3A = arith.select %eq3A_642, %broadcast_in_dim3A_646, %broadcast_in_dim3A_640 : vector<16xi1>, vector<16xf32>
        %eq3A_647 = arith.constant 1 : i32
        %eq3A_648 = vector.broadcast %eq3A_647 : i32 to vector<16xi32>
        %eq3A_649 = arith.cmpi eq, %iota3A, %eq3A_648 : vector<16xi32>
        %reduce_sum3A_650 = arith.constant true
        %reduce_sum3A_651 = vector.broadcast %reduce_sum3A_650 : i1 to vector<16xi1>
        %reduce_sum3A_652 = tpu.scan <sum>, %add3A_526 masked %reduce_sum3A_651 : vector<16xf32>, vector<16xi1> -> vector<16xf32>
        %reduce_sum3A_653 = vector.extract %reduce_sum3A_652[15] : f32 from vector<16xf32>
        %broadcast_in_dim3A_654 = vector.broadcast %reduce_sum3A_653 : f32 to vector<16xf32>
        %select_n3A_655 = arith.select %eq3A_649, %broadcast_in_dim3A_654, %select_n3A : vector<16xi1>, vector<16xf32>
        %eq3A_656 = arith.constant 2 : i32
        %eq3A_657 = vector.broadcast %eq3A_656 : i32 to vector<16xi32>
        %eq3A_658 = arith.cmpi eq, %iota3A, %eq3A_657 : vector<16xi32>
        %reduce_sum3A_659 = arith.constant true
        %reduce_sum3A_660 = vector.broadcast %reduce_sum3A_659 : i1 to vector<16xi1>
        %reduce_sum3A_661 = tpu.scan <sum>, %add3A_534 masked %reduce_sum3A_660 : vector<16xf32>, vector<16xi1> -> vector<16xf32>
        %reduce_sum3A_662 = vector.extract %reduce_sum3A_661[15] : f32 from vector<16xf32>
        %broadcast_in_dim3A_663 = vector.broadcast %reduce_sum3A_662 : f32 to vector<16xf32>
        %select_n3A_664 = arith.select %eq3A_658, %broadcast_in_dim3A_663, %select_n3A_655 : vector<16xi1>, vector<16xf32>
        %eq3A_665 = arith.constant 3 : i32
        %eq3A_666 = vector.broadcast %eq3A_665 : i32 to vector<16xi32>
        %eq3A_667 = arith.cmpi eq, %iota3A, %eq3A_666 : vector<16xi32>
        %reduce_sum3A_668 = arith.constant true
        %reduce_sum3A_669 = vector.broadcast %reduce_sum3A_668 : i1 to vector<16xi1>
        %reduce_sum3A_670 = tpu.scan <sum>, %add3A_542 masked %reduce_sum3A_669 : vector<16xf32>, vector<16xi1> -> vector<16xf32>
        %reduce_sum3A_671 = vector.extract %reduce_sum3A_670[15] : f32 from vector<16xf32>
        %broadcast_in_dim3A_672 = vector.broadcast %reduce_sum3A_671 : f32 to vector<16xf32>
        %select_n3A_673 = arith.select %eq3A_667, %broadcast_in_dim3A_672, %select_n3A_664 : vector<16xi1>, vector<16xf32>
        %eq3A_674 = arith.constant 4 : i32
        %eq3A_675 = vector.broadcast %eq3A_674 : i32 to vector<16xi32>
        %eq3A_676 = arith.cmpi eq, %iota3A, %eq3A_675 : vector<16xi32>
        %reduce_sum3A_677 = arith.constant true
        %reduce_sum3A_678 = vector.broadcast %reduce_sum3A_677 : i1 to vector<16xi1>
        %reduce_sum3A_679 = tpu.scan <sum>, %add3A_550 masked %reduce_sum3A_678 : vector<16xf32>, vector<16xi1> -> vector<16xf32>
        %reduce_sum3A_680 = vector.extract %reduce_sum3A_679[15] : f32 from vector<16xf32>
        %broadcast_in_dim3A_681 = vector.broadcast %reduce_sum3A_680 : f32 to vector<16xf32>
        %select_n3A_682 = arith.select %eq3A_676, %broadcast_in_dim3A_681, %select_n3A_673 : vector<16xi1>, vector<16xf32>
        %eq3A_683 = arith.constant 5 : i32
        %eq3A_684 = vector.broadcast %eq3A_683 : i32 to vector<16xi32>
        %eq3A_685 = arith.cmpi eq, %iota3A, %eq3A_684 : vector<16xi32>
        %reduce_sum3A_686 = arith.constant true
        %reduce_sum3A_687 = vector.broadcast %reduce_sum3A_686 : i1 to vector<16xi1>
        %reduce_sum3A_688 = tpu.scan <sum>, %add3A_558 masked %reduce_sum3A_687 : vector<16xf32>, vector<16xi1> -> vector<16xf32>
        %reduce_sum3A_689 = vector.extract %reduce_sum3A_688[15] : f32 from vector<16xf32>
        %broadcast_in_dim3A_690 = vector.broadcast %reduce_sum3A_689 : f32 to vector<16xf32>
        %select_n3A_691 = arith.select %eq3A_685, %broadcast_in_dim3A_690, %select_n3A_682 : vector<16xi1>, vector<16xf32>
        %eq3A_692 = arith.constant 6 : i32
        %eq3A_693 = vector.broadcast %eq3A_692 : i32 to vector<16xi32>
        %eq3A_694 = arith.cmpi eq, %iota3A, %eq3A_693 : vector<16xi32>
        %reduce_sum3A_695 = arith.constant true
        %reduce_sum3A_696 = vector.broadcast %reduce_sum3A_695 : i1 to vector<16xi1>
        %reduce_sum3A_697 = tpu.scan <sum>, %add3A_566 masked %reduce_sum3A_696 : vector<16xf32>, vector<16xi1> -> vector<16xf32>
        %reduce_sum3A_698 = vector.extract %reduce_sum3A_697[15] : f32 from vector<16xf32>
        %broadcast_in_dim3A_699 = vector.broadcast %reduce_sum3A_698 : f32 to vector<16xf32>
        %select_n3A_700 = arith.select %eq3A_694, %broadcast_in_dim3A_699, %select_n3A_691 : vector<16xi1>, vector<16xf32>
        %eq3A_701 = arith.constant 7 : i32
        %eq3A_702 = vector.broadcast %eq3A_701 : i32 to vector<16xi32>
        %eq3A_703 = arith.cmpi eq, %iota3A, %eq3A_702 : vector<16xi32>
        %reduce_sum3A_704 = arith.constant true
        %reduce_sum3A_705 = vector.broadcast %reduce_sum3A_704 : i1 to vector<16xi1>
        %reduce_sum3A_706 = tpu.scan <sum>, %add3A_574 masked %reduce_sum3A_705 : vector<16xf32>, vector<16xi1> -> vector<16xf32>
        %reduce_sum3A_707 = vector.extract %reduce_sum3A_706[15] : f32 from vector<16xf32>
        %broadcast_in_dim3A_708 = vector.broadcast %reduce_sum3A_707 : f32 to vector<16xf32>
        %select_n3A_709 = arith.select %eq3A_703, %broadcast_in_dim3A_708, %select_n3A_700 : vector<16xi1>, vector<16xf32>
        %eq3A_710 = arith.constant 8 : i32
        %eq3A_711 = vector.broadcast %eq3A_710 : i32 to vector<16xi32>
        %eq3A_712 = arith.cmpi eq, %iota3A, %eq3A_711 : vector<16xi32>
        %reduce_sum3A_713 = arith.constant true
        %reduce_sum3A_714 = vector.broadcast %reduce_sum3A_713 : i1 to vector<16xi1>
        %reduce_sum3A_715 = tpu.scan <sum>, %add3A_582 masked %reduce_sum3A_714 : vector<16xf32>, vector<16xi1> -> vector<16xf32>
        %reduce_sum3A_716 = vector.extract %reduce_sum3A_715[15] : f32 from vector<16xf32>
        %broadcast_in_dim3A_717 = vector.broadcast %reduce_sum3A_716 : f32 to vector<16xf32>
        %select_n3A_718 = arith.select %eq3A_712, %broadcast_in_dim3A_717, %select_n3A_709 : vector<16xi1>, vector<16xf32>
        %eq3A_719 = arith.constant 9 : i32
        %eq3A_720 = vector.broadcast %eq3A_719 : i32 to vector<16xi32>
        %eq3A_721 = arith.cmpi eq, %iota3A, %eq3A_720 : vector<16xi32>
        %reduce_sum3A_722 = arith.constant true
        %reduce_sum3A_723 = vector.broadcast %reduce_sum3A_722 : i1 to vector<16xi1>
        %reduce_sum3A_724 = tpu.scan <sum>, %add3A_590 masked %reduce_sum3A_723 : vector<16xf32>, vector<16xi1> -> vector<16xf32>
        %reduce_sum3A_725 = vector.extract %reduce_sum3A_724[15] : f32 from vector<16xf32>
        %broadcast_in_dim3A_726 = vector.broadcast %reduce_sum3A_725 : f32 to vector<16xf32>
        %select_n3A_727 = arith.select %eq3A_721, %broadcast_in_dim3A_726, %select_n3A_718 : vector<16xi1>, vector<16xf32>
        %eq3A_728 = arith.constant 10 : i32
        %eq3A_729 = vector.broadcast %eq3A_728 : i32 to vector<16xi32>
        %eq3A_730 = arith.cmpi eq, %iota3A, %eq3A_729 : vector<16xi32>
        %reduce_sum3A_731 = arith.constant true
        %reduce_sum3A_732 = vector.broadcast %reduce_sum3A_731 : i1 to vector<16xi1>
        %reduce_sum3A_733 = tpu.scan <sum>, %add3A_598 masked %reduce_sum3A_732 : vector<16xf32>, vector<16xi1> -> vector<16xf32>
        %reduce_sum3A_734 = vector.extract %reduce_sum3A_733[15] : f32 from vector<16xf32>
        %broadcast_in_dim3A_735 = vector.broadcast %reduce_sum3A_734 : f32 to vector<16xf32>
        %select_n3A_736 = arith.select %eq3A_730, %broadcast_in_dim3A_735, %select_n3A_727 : vector<16xi1>, vector<16xf32>
        %eq3A_737 = arith.constant 11 : i32
        %eq3A_738 = vector.broadcast %eq3A_737 : i32 to vector<16xi32>
        %eq3A_739 = arith.cmpi eq, %iota3A, %eq3A_738 : vector<16xi32>
        %reduce_sum3A_740 = arith.constant true
        %reduce_sum3A_741 = vector.broadcast %reduce_sum3A_740 : i1 to vector<16xi1>
        %reduce_sum3A_742 = tpu.scan <sum>, %add3A_606 masked %reduce_sum3A_741 : vector<16xf32>, vector<16xi1> -> vector<16xf32>
        %reduce_sum3A_743 = vector.extract %reduce_sum3A_742[15] : f32 from vector<16xf32>
        %broadcast_in_dim3A_744 = vector.broadcast %reduce_sum3A_743 : f32 to vector<16xf32>
        %select_n3A_745 = arith.select %eq3A_739, %broadcast_in_dim3A_744, %select_n3A_736 : vector<16xi1>, vector<16xf32>
        %eq3A_746 = arith.constant 12 : i32
        %eq3A_747 = vector.broadcast %eq3A_746 : i32 to vector<16xi32>
        %eq3A_748 = arith.cmpi eq, %iota3A, %eq3A_747 : vector<16xi32>
        %reduce_sum3A_749 = arith.constant true
        %reduce_sum3A_750 = vector.broadcast %reduce_sum3A_749 : i1 to vector<16xi1>
        %reduce_sum3A_751 = tpu.scan <sum>, %add3A_614 masked %reduce_sum3A_750 : vector<16xf32>, vector<16xi1> -> vector<16xf32>
        %reduce_sum3A_752 = vector.extract %reduce_sum3A_751[15] : f32 from vector<16xf32>
        %broadcast_in_dim3A_753 = vector.broadcast %reduce_sum3A_752 : f32 to vector<16xf32>
        %select_n3A_754 = arith.select %eq3A_748, %broadcast_in_dim3A_753, %select_n3A_745 : vector<16xi1>, vector<16xf32>
        %eq3A_755 = arith.constant 13 : i32
        %eq3A_756 = vector.broadcast %eq3A_755 : i32 to vector<16xi32>
        %eq3A_757 = arith.cmpi eq, %iota3A, %eq3A_756 : vector<16xi32>
        %reduce_sum3A_758 = arith.constant true
        %reduce_sum3A_759 = vector.broadcast %reduce_sum3A_758 : i1 to vector<16xi1>
        %reduce_sum3A_760 = tpu.scan <sum>, %add3A_622 masked %reduce_sum3A_759 : vector<16xf32>, vector<16xi1> -> vector<16xf32>
        %reduce_sum3A_761 = vector.extract %reduce_sum3A_760[15] : f32 from vector<16xf32>
        %broadcast_in_dim3A_762 = vector.broadcast %reduce_sum3A_761 : f32 to vector<16xf32>
        %select_n3A_763 = arith.select %eq3A_757, %broadcast_in_dim3A_762, %select_n3A_754 : vector<16xi1>, vector<16xf32>
        %eq3A_764 = arith.constant 14 : i32
        %eq3A_765 = vector.broadcast %eq3A_764 : i32 to vector<16xi32>
        %eq3A_766 = arith.cmpi eq, %iota3A, %eq3A_765 : vector<16xi32>
        %reduce_sum3A_767 = arith.constant true
        %reduce_sum3A_768 = vector.broadcast %reduce_sum3A_767 : i1 to vector<16xi1>
        %reduce_sum3A_769 = tpu.scan <sum>, %add3A_630 masked %reduce_sum3A_768 : vector<16xf32>, vector<16xi1> -> vector<16xf32>
        %reduce_sum3A_770 = vector.extract %reduce_sum3A_769[15] : f32 from vector<16xf32>
        %broadcast_in_dim3A_771 = vector.broadcast %reduce_sum3A_770 : f32 to vector<16xf32>
        %select_n3A_772 = arith.select %eq3A_766, %broadcast_in_dim3A_771, %select_n3A_763 : vector<16xi1>, vector<16xf32>
        %eq3A_773 = arith.constant 15 : i32
        %eq3A_774 = vector.broadcast %eq3A_773 : i32 to vector<16xi32>
        %eq3A_775 = arith.cmpi eq, %iota3A, %eq3A_774 : vector<16xi32>
        %reduce_sum3A_776 = arith.constant true
        %reduce_sum3A_777 = vector.broadcast %reduce_sum3A_776 : i1 to vector<16xi1>
        %reduce_sum3A_778 = tpu.scan <sum>, %add3A_638 masked %reduce_sum3A_777 : vector<16xf32>, vector<16xi1> -> vector<16xf32>
        %reduce_sum3A_779 = vector.extract %reduce_sum3A_778[15] : f32 from vector<16xf32>
        %broadcast_in_dim3A_780 = vector.broadcast %reduce_sum3A_779 : f32 to vector<16xf32>
        %select_n3A_781 = arith.select %eq3A_775, %broadcast_in_dim3A_780, %select_n3A_772 : vector<16xi1>, vector<16xf32>
        %max3A = arith.constant 9.99999996E-13 : f32
        %max3A_782 = vector.broadcast %max3A : f32 to vector<16xf32>
        %max3A_783 = arith.maximumf %select_n3A_781, %max3A_782 : vector<16xf32>
        %bitcast3A = vector.bitcast %max3A_783 : vector<16xf32> to vector<16xi32>
        %shift_right_logical3A = arith.constant 1 : i32
        %shift_right_logical3A_784 = vector.broadcast %shift_right_logical3A : i32 to vector<16xi32>
        %shift_right_logical3A_785 = arith.shrui %bitcast3A, %shift_right_logical3A_784 : vector<16xi32>
        %sub3A_786 = arith.constant 1597463007 : i32
        %sub3A_787 = vector.broadcast %sub3A_786 : i32 to vector<16xi32>
        %sub3A_788 = arith.subi %sub3A_787, %shift_right_logical3A_785 : vector<16xi32>
        %bitcast3A_789 = vector.bitcast %sub3A_788 : vector<16xi32> to vector<16xf32>
        %mul3A_790 = arith.constant 5.000000e-01 : f32
        %mul3A_791 = vector.broadcast %mul3A_790 : f32 to vector<16xf32>
        %mul3A_792 = arith.mulf %mul3A_791, %max3A_783 : vector<16xf32>
        %mul3A_793 = arith.mulf %mul3A_792, %bitcast3A_789 : vector<16xf32>
        %mul3A_794 = arith.mulf %mul3A_793, %bitcast3A_789 : vector<16xf32>
        %sub3A_795 = arith.constant 1.500000e+00 : f32
        %sub3A_796 = vector.broadcast %sub3A_795 : f32 to vector<16xf32>
        %sub3A_797 = arith.subf %sub3A_796, %mul3A_794 : vector<16xf32>
        %mul3A_798 = arith.mulf %bitcast3A_789, %sub3A_797 : vector<16xf32>
        %mul3A_799 = arith.constant 5.000000e-01 : f32
        %mul3A_800 = vector.broadcast %mul3A_799 : f32 to vector<16xf32>
        %mul3A_801 = arith.mulf %mul3A_800, %max3A_783 : vector<16xf32>
        %mul3A_802 = arith.mulf %mul3A_801, %mul3A_798 : vector<16xf32>
        %mul3A_803 = arith.mulf %mul3A_802, %mul3A_798 : vector<16xf32>
        %sub3A_804 = arith.constant 1.500000e+00 : f32
        %sub3A_805 = vector.broadcast %sub3A_804 : f32 to vector<16xf32>
        %sub3A_806 = arith.subf %sub3A_805, %mul3A_803 : vector<16xf32>
        %mul3A_807 = arith.mulf %mul3A_798, %sub3A_806 : vector<16xf32>
        %mul3A_808 = arith.mulf %select_n3A_781, %mul3A_807 : vector<16xf32>
        %mul3A_809 = arith.constant 16 : i32
        %mul3A_810 = arith.muli %mul3A_99, %mul3A_809 : i32
        %swap3A_811 = arith.index_cast %add3A_80 : i32 to index
        %swap3A_812 = arith.index_cast %mul3A_810 : i32 to index
        %swap3A_813 = tpu.vector_load %arg14[%swap3A_811, %swap3A_812] {strides = array<i32>} : memref<32x128xf32, #tpu.memory_space<vmem>>, vector<16xf32>,
        tpu.vector_store %arg14[%swap3A_811, %swap3A_812], %mul3A_808 {strides = array<i32>} : memref<32x128xf32, #tpu.memory_space<vmem>>, vector<16xf32>,
        %add3A_814 = arith.addf %scan3A_97, %mul3A_808 : vector<16xf32>
        %mul3A_815 = arith.constant 2 : i32
        %mul3A_816 = arith.muli %mul3A_815, %scan3A_96 : i32
        %add3A_817 = arith.constant 1 : i32
        %add3A_818 = arith.addi %mul3A_816, %add3A_817 : i32
        %mul3A_819 = arith.constant 2 : i32
        %mul3A_820 = arith.muli %add3A_818, %mul3A_819 : i32
        %add3A_821 = arith.addi %mul3A_82, %mul3A_820 : i32
        %mul3A_822 = arith.constant 16 : i32
        %mul3A_823 = arith.muli %add3A_818, %mul3A_822 : i32
        %add3A_824 = arith.constant 0 : i32
        %add3A_825 = arith.addi %add3A_821, %add3A_824 : i32
        %get3A_826 = arith.index_cast %add3A_825 : i32 to index
        %get3A_827 = arith.constant 0 : index
        %get3A_828 = tpu.vector_load %arg7[%get3A_826, %get3A_827] {strides = array<i32>} : memref<512x64xf32, #tpu.memory_space<vmem>>, vector<16xf32>,
        %add3A_829 = arith.constant 1 : i32
        %add3A_830 = arith.addi %add3A_821, %add3A_829 : i32
        %get3A_831 = arith.index_cast %add3A_830 : i32 to index
        %get3A_832 = arith.constant 0 : index
        %get3A_833 = tpu.vector_load %arg7[%get3A_831, %get3A_832] {strides = array<i32>} : memref<512x64xf32, #tpu.memory_space<vmem>>, vector<16xf32>,
        %add3A_834 = arith.constant 0 : i32
        %add3A_835 = arith.addi %mul3A_823, %add3A_834 : i32
        %get3A_836 = arith.index_cast %add3A_835 : i32 to index
        %get3A_837 = arith.constant 0 : index
        %get3A_838 = tpu.vector_load %arg9[%get3A_836, %get3A_837] {strides = array<i32>} : memref<128x64xf32, #tpu.memory_space<vmem>>, vector<16xf32>,
        %sub3A_839 = arith.subf %get3A_828, %get3A_838 : vector<16xf32>
        %mul3A_840 = arith.mulf %sub3A_839, %sub3A_839 : vector<16xf32>
        %add3A_841 = arith.constant 1 : i32
        %add3A_842 = arith.addi %mul3A_823, %add3A_841 : i32
        %get3A_843 = arith.index_cast %add3A_842 : i32 to index
        %get3A_844 = arith.constant 0 : index
        %get3A_845 = tpu.vector_load %arg9[%get3A_843, %get3A_844] {strides = array<i32>} : memref<128x64xf32, #tpu.memory_space<vmem>>, vector<16xf32>,
        %sub3A_846 = arith.subf %get3A_828, %get3A_845 : vector<16xf32>
        %mul3A_847 = arith.mulf %sub3A_846, %sub3A_846 : vector<16xf32>
        %add3A_848 = arith.constant 2 : i32
        %add3A_849 = arith.addi %mul3A_823, %add3A_848 : i32
        %get3A_850 = arith.index_cast %add3A_849 : i32 to index
        %get3A_851 = arith.constant 0 : index
        %get3A_852 = tpu.vector_load %arg9[%get3A_850, %get3A_851] {strides = array<i32>} : memref<128x64xf32, #tpu.memory_space<vmem>>, vector<16xf32>,
        %sub3A_853 = arith.subf %get3A_828, %get3A_852 : vector<16xf32>
        %mul3A_854 = arith.mulf %sub3A_853, %sub3A_853 : vector<16xf32>
        %add3A_855 = arith.constant 3 : i32
        %add3A_856 = arith.addi %mul3A_823, %add3A_855 : i32
        %get3A_857 = arith.index_cast %add3A_856 : i32 to index
        %get3A_858 = arith.constant 0 : index
        %get3A_859 = tpu.vector_load %arg9[%get3A_857, %get3A_858] {strides = array<i32>} : memref<128x64xf32, #tpu.memory_space<vmem>>, vector<16xf32>,
        %sub3A_860 = arith.subf %get3A_828, %get3A_859 : vector<16xf32>
        %mul3A_861 = arith.mulf %sub3A_860, %sub3A_860 : vector<16xf32>
        %add3A_862 = arith.constant 4 : i32
        %add3A_863 = arith.addi %mul3A_823, %add3A_862 : i32
        %get3A_864 = arith.index_cast %add3A_863 : i32 to index
        %get3A_865 = arith.constant 0 : index
        %get3A_866 = tpu.vector_load %arg9[%get3A_864, %get3A_865] {strides = array<i32>} : memref<128x64xf32, #tpu.memory_space<vmem>>, vector<16xf32>,
        %sub3A_867 = arith.subf %get3A_828, %get3A_866 : vector<16xf32>
        %mul3A_868 = arith.mulf %sub3A_867, %sub3A_867 : vector<16xf32>
        %add3A_869 = arith.constant 5 : i32
        %add3A_870 = arith.addi %mul3A_823, %add3A_869 : i32
        %get3A_871 = arith.index_cast %add3A_870 : i32 to index
        %get3A_872 = arith.constant 0 : index
        %get3A_873 = tpu.vector_load %arg9[%get3A_871, %get3A_872] {strides = array<i32>} : memref<128x64xf32, #tpu.memory_space<vmem>>, vector<16xf32>,
        %sub3A_874 = arith.subf %get3A_828, %get3A_873 : vector<16xf32>
        %mul3A_875 = arith.mulf %sub3A_874, %sub3A_874 : vector<16xf32>
        %add3A_876 = arith.constant 6 : i32
        %add3A_877 = arith.addi %mul3A_823, %add3A_876 : i32
        %get3A_878 = arith.index_cast %add3A_877 : i32 to index
        %get3A_879 = arith.constant 0 : index
        %get3A_880 = tpu.vector_load %arg9[%get3A_878, %get3A_879] {strides = array<i32>} : memref<128x64xf32, #tpu.memory_space<vmem>>, vector<16xf32>,
        %sub3A_881 = arith.subf %get3A_828, %get3A_880 : vector<16xf32>
        %mul3A_882 = arith.mulf %sub3A_881, %sub3A_881 : vector<16xf32>
        %add3A_883 = arith.constant 7 : i32
        %add3A_884 = arith.addi %mul3A_823, %add3A_883 : i32
        %get3A_885 = arith.index_cast %add3A_884 : i32 to index
        %get3A_886 = arith.constant 0 : index
        %get3A_887 = tpu.vector_load %arg9[%get3A_885, %get3A_886] {strides = array<i32>} : memref<128x64xf32, #tpu.memory_space<vmem>>, vector<16xf32>,
        %sub3A_888 = arith.subf %get3A_828, %get3A_887 : vector<16xf32>
        %mul3A_889 = arith.mulf %sub3A_888, %sub3A_888 : vector<16xf32>
        %add3A_890 = arith.constant 8 : i32
        %add3A_891 = arith.addi %mul3A_823, %add3A_890 : i32
        %get3A_892 = arith.index_cast %add3A_891 : i32 to index
        %get3A_893 = arith.constant 0 : index
        %get3A_894 = tpu.vector_load %arg9[%get3A_892, %get3A_893] {strides = array<i32>} : memref<128x64xf32, #tpu.memory_space<vmem>>, vector<16xf32>,
        %sub3A_895 = arith.subf %get3A_833, %get3A_894 : vector<16xf32>
        %mul3A_896 = arith.mulf %sub3A_895, %sub3A_895 : vector<16xf32>
        %add3A_897 = arith.constant 9 : i32
        %add3A_898 = arith.addi %mul3A_823, %add3A_897 : i32
        %get3A_899 = arith.index_cast %add3A_898 : i32 to index
        %get3A_900 = arith.constant 0 : index
        %get3A_901 = tpu.vector_load %arg9[%get3A_899, %get3A_900] {strides = array<i32>} : memref<128x64xf32, #tpu.memory_space<vmem>>, vector<16xf32>,
        %sub3A_902 = arith.subf %get3A_833, %get3A_901 : vector<16xf32>
        %mul3A_903 = arith.mulf %sub3A_902, %sub3A_902 : vector<16xf32>
        %add3A_904 = arith.constant 10 : i32
        %add3A_905 = arith.addi %mul3A_823, %add3A_904 : i32
        %get3A_906 = arith.index_cast %add3A_905 : i32 to index
        %get3A_907 = arith.constant 0 : index
        %get3A_908 = tpu.vector_load %arg9[%get3A_906, %get3A_907] {strides = array<i32>} : memref<128x64xf32, #tpu.memory_space<vmem>>, vector<16xf32>,
        %sub3A_909 = arith.subf %get3A_833, %get3A_908 : vector<16xf32>
        %mul3A_910 = arith.mulf %sub3A_909, %sub3A_909 : vector<16xf32>
        %add3A_911 = arith.constant 11 : i32
        %add3A_912 = arith.addi %mul3A_823, %add3A_911 : i32
        %get3A_913 = arith.index_cast %add3A_912 : i32 to index
        %get3A_914 = arith.constant 0 : index
        %get3A_915 = tpu.vector_load %arg9[%get3A_913, %get3A_914] {strides = array<i32>} : memref<128x64xf32, #tpu.memory_space<vmem>>, vector<16xf32>,
        %sub3A_916 = arith.subf %get3A_833, %get3A_915 : vector<16xf32>
        %mul3A_917 = arith.mulf %sub3A_916, %sub3A_916 : vector<16xf32>
        %add3A_918 = arith.constant 12 : i32
        %add3A_919 = arith.addi %mul3A_823, %add3A_918 : i32
        %get3A_920 = arith.index_cast %add3A_919 : i32 to index
        %get3A_921 = arith.constant 0 : index
        %get3A_922 = tpu.vector_load %arg9[%get3A_920, %get3A_921] {strides = array<i32>} : memref<128x64xf32, #tpu.memory_space<vmem>>, vector<16xf32>,
        %sub3A_923 = arith.subf %get3A_833, %get3A_922 : vector<16xf32>
        %mul3A_924 = arith.mulf %sub3A_923, %sub3A_923 : vector<16xf32>
        %add3A_925 = arith.constant 13 : i32
        %add3A_926 = arith.addi %mul3A_823, %add3A_925 : i32
        %get3A_927 = arith.index_cast %add3A_926 : i32 to index
        %get3A_928 = arith.constant 0 : index
        %get3A_929 = tpu.vector_load %arg9[%get3A_927, %get3A_928] {strides = array<i32>} : memref<128x64xf32, #tpu.memory_space<vmem>>, vector<16xf32>,
        %sub3A_930 = arith.subf %get3A_833, %get3A_929 : vector<16xf32>
        %mul3A_931 = arith.mulf %sub3A_930, %sub3A_930 : vector<16xf32>
        %add3A_932 = arith.constant 14 : i32
        %add3A_933 = arith.addi %mul3A_823, %add3A_932 : i32
        %get3A_934 = arith.index_cast %add3A_933 : i32 to index
        %get3A_935 = arith.constant 0 : index
        %get3A_936 = tpu.vector_load %arg9[%get3A_934, %get3A_935] {strides = array<i32>} : memref<128x64xf32, #tpu.memory_space<vmem>>, vector<16xf32>,
        %sub3A_937 = arith.subf %get3A_833, %get3A_936 : vector<16xf32>
        %mul3A_938 = arith.mulf %sub3A_937, %sub3A_937 : vector<16xf32>
        %add3A_939 = arith.constant 15 : i32
        %add3A_940 = arith.addi %mul3A_823, %add3A_939 : i32
        %get3A_941 = arith.index_cast %add3A_940 : i32 to index
        %get3A_942 = arith.constant 0 : index
        %get3A_943 = tpu.vector_load %arg9[%get3A_941, %get3A_942] {strides = array<i32>} : memref<128x64xf32, #tpu.memory_space<vmem>>, vector<16xf32>,
        %sub3A_944 = arith.subf %get3A_833, %get3A_943 : vector<16xf32>
        %mul3A_945 = arith.mulf %sub3A_944, %sub3A_944 : vector<16xf32>
        %add3A_946 = arith.constant 0 : i32
        %add3A_947 = arith.addi %add3A_821, %add3A_946 : i32
        %get3A_948 = arith.index_cast %add3A_947 : i32 to index
        %get3A_949 = arith.constant 16 : index
        %get3A_950 = tpu.vector_load %arg7[%get3A_948, %get3A_949] {strides = array<i32>} : memref<512x64xf32, #tpu.memory_space<vmem>>, vector<16xf32>,
        %add3A_951 = arith.constant 1 : i32
        %add3A_952 = arith.addi %add3A_821, %add3A_951 : i32
        %get3A_953 = arith.index_cast %add3A_952 : i32 to index
        %get3A_954 = arith.constant 16 : index
        %get3A_955 = tpu.vector_load %arg7[%get3A_953, %get3A_954] {strides = array<i32>} : memref<512x64xf32, #tpu.memory_space<vmem>>, vector<16xf32>,
        %add3A_956 = arith.constant 0 : i32
        %add3A_957 = arith.addi %mul3A_823, %add3A_956 : i32
        %get3A_958 = arith.index_cast %add3A_957 : i32 to index
        %get3A_959 = arith.constant 16 : index
        %get3A_960 = tpu.vector_load %arg9[%get3A_958, %get3A_959] {strides = array<i32>} : memref<128x64xf32, #tpu.memory_space<vmem>>, vector<16xf32>,
        %sub3A_961 = arith.subf %get3A_950, %get3A_960 : vector<16xf32>
        %mul3A_962 = arith.mulf %sub3A_961, %sub3A_961 : vector<16xf32>
        %add3A_963 = arith.addf %mul3A_840, %mul3A_962 : vector<16xf32>
        %add3A_964 = arith.constant 1 : i32
        %add3A_965 = arith.addi %mul3A_823, %add3A_964 : i32
        %get3A_966 = arith.index_cast %add3A_965 : i32 to index
        %get3A_967 = arith.constant 16 : index
        %get3A_968 = tpu.vector_load %arg9[%get3A_966, %get3A_967] {strides = array<i32>} : memref<128x64xf32, #tpu.memory_space<vmem>>, vector<16xf32>,
        %sub3A_969 = arith.subf %get3A_950, %get3A_968 : vector<16xf32>
        %mul3A_970 = arith.mulf %sub3A_969, %sub3A_969 : vector<16xf32>
        %add3A_971 = arith.addf %mul3A_847, %mul3A_970 : vector<16xf32>
        %add3A_972 = arith.constant 2 : i32
        %add3A_973 = arith.addi %mul3A_823, %add3A_972 : i32
        %get3A_974 = arith.index_cast %add3A_973 : i32 to index
        %get3A_975 = arith.constant 16 : index
        %get3A_976 = tpu.vector_load %arg9[%get3A_974, %get3A_975] {strides = array<i32>} : memref<128x64xf32, #tpu.memory_space<vmem>>, vector<16xf32>,
        %sub3A_977 = arith.subf %get3A_950, %get3A_976 : vector<16xf32>
        %mul3A_978 = arith.mulf %sub3A_977, %sub3A_977 : vector<16xf32>
        %add3A_979 = arith.addf %mul3A_854, %mul3A_978 : vector<16xf32>
        %add3A_980 = arith.constant 3 : i32
        %add3A_981 = arith.addi %mul3A_823, %add3A_980 : i32
        %get3A_982 = arith.index_cast %add3A_981 : i32 to index
        %get3A_983 = arith.constant 16 : index
        %get3A_984 = tpu.vector_load %arg9[%get3A_982, %get3A_983] {strides = array<i32>} : memref<128x64xf32, #tpu.memory_space<vmem>>, vector<16xf32>,
        %sub3A_985 = arith.subf %get3A_950, %get3A_984 : vector<16xf32>
        %mul3A_986 = arith.mulf %sub3A_985, %sub3A_985 : vector<16xf32>
        %add3A_987 = arith.addf %mul3A_861, %mul3A_986 : vector<16xf32>
        %add3A_988 = arith.constant 4 : i32
        %add3A_989 = arith.addi %mul3A_823, %add3A_988 : i32
        %get3A_990 = arith.index_cast %add3A_989 : i32 to index
        %get3A_991 = arith.constant 16 : index
        %get3A_992 = tpu.vector_load %arg9[%get3A_990, %get3A_991] {strides = array<i32>} : memref<128x64xf32, #tpu.memory_space<vmem>>, vector<16xf32>,
        %sub3A_993 = arith.subf %get3A_950, %get3A_992 : vector<16xf32>
        %mul3A_994 = arith.mulf %sub3A_993, %sub3A_993 : vector<16xf32>
        %add3A_995 = arith.addf %mul3A_868, %mul3A_994 : vector<16xf32>
        %add3A_996 = arith.constant 5 : i32
        %add3A_997 = arith.addi %mul3A_823, %add3A_996 : i32
        %get3A_998 = arith.index_cast %add3A_997 : i32 to index
        %get3A_999 = arith.constant 16 : index
        %get3A_1000 = tpu.vector_load %arg9[%get3A_998, %get3A_999] {strides = array<i32>} : memref<128x64xf32, #tpu.memory_space<vmem>>, vector<16xf32>,
        %sub3A_1001 = arith.subf %get3A_950, %get3A_1000 : vector<16xf32>
        %mul3A_1002 = arith.mulf %sub3A_1001, %sub3A_1001 : vector<16xf32>
        %add3A_1003 = arith.addf %mul3A_875, %mul3A_1002 : vector<16xf32>
        %add3A_1004 = arith.constant 6 : i32
        %add3A_1005 = arith.addi %mul3A_823, %add3A_1004 : i32
        %get3A_1006 = arith.index_cast %add3A_1005 : i32 to index
        %get3A_1007 = arith.constant 16 : index
        %get3A_1008 = tpu.vector_load %arg9[%get3A_1006, %get3A_1007] {strides = array<i32>} : memref<128x64xf32, #tpu.memory_space<vmem>>, vector<16xf32>,
        %sub3A_1009 = arith.subf %get3A_950, %get3A_1008 : vector<16xf32>
        %mul3A_1010 = arith.mulf %sub3A_1009, %sub3A_1009 : vector<16xf32>
        %add3A_1011 = arith.addf %mul3A_882, %mul3A_1010 : vector<16xf32>
        %add3A_1012 = arith.constant 7 : i32
        %add3A_1013 = arith.addi %mul3A_823, %add3A_1012 : i32
        %get3A_1014 = arith.index_cast %add3A_1013 : i32 to index
        %get3A_1015 = arith.constant 16 : index
        %get3A_1016 = tpu.vector_load %arg9[%get3A_1014, %get3A_1015] {strides = array<i32>} : memref<128x64xf32, #tpu.memory_space<vmem>>, vector<16xf32>,
        %sub3A_1017 = arith.subf %get3A_950, %get3A_1016 : vector<16xf32>
        %mul3A_1018 = arith.mulf %sub3A_1017, %sub3A_1017 : vector<16xf32>
        %add3A_1019 = arith.addf %mul3A_889, %mul3A_1018 : vector<16xf32>
        %add3A_1020 = arith.constant 8 : i32
        %add3A_1021 = arith.addi %mul3A_823, %add3A_1020 : i32
        %get3A_1022 = arith.index_cast %add3A_1021 : i32 to index
        %get3A_1023 = arith.constant 16 : index
        %get3A_1024 = tpu.vector_load %arg9[%get3A_1022, %get3A_1023] {strides = array<i32>} : memref<128x64xf32, #tpu.memory_space<vmem>>, vector<16xf32>,
        %sub3A_1025 = arith.subf %get3A_955, %get3A_1024 : vector<16xf32>
        %mul3A_1026 = arith.mulf %sub3A_1025, %sub3A_1025 : vector<16xf32>
        %add3A_1027 = arith.addf %mul3A_896, %mul3A_1026 : vector<16xf32>
        %add3A_1028 = arith.constant 9 : i32
        %add3A_1029 = arith.addi %mul3A_823, %add3A_1028 : i32
        %get3A_1030 = arith.index_cast %add3A_1029 : i32 to index
        %get3A_1031 = arith.constant 16 : index
        %get3A_1032 = tpu.vector_load %arg9[%get3A_1030, %get3A_1031] {strides = array<i32>} : memref<128x64xf32, #tpu.memory_space<vmem>>, vector<16xf32>,
        %sub3A_1033 = arith.subf %get3A_955, %get3A_1032 : vector<16xf32>
        %mul3A_1034 = arith.mulf %sub3A_1033, %sub3A_1033 : vector<16xf32>
        %add3A_1035 = arith.addf %mul3A_903, %mul3A_1034 : vector<16xf32>
        %add3A_1036 = arith.constant 10 : i32
        %add3A_1037 = arith.addi %mul3A_823, %add3A_1036 : i32
        %get3A_1038 = arith.index_cast %add3A_1037 : i32 to index
        %get3A_1039 = arith.constant 16 : index
        %get3A_1040 = tpu.vector_load %arg9[%get3A_1038, %get3A_1039] {strides = array<i32>} : memref<128x64xf32, #tpu.memory_space<vmem>>, vector<16xf32>,
        %sub3A_1041 = arith.subf %get3A_955, %get3A_1040 : vector<16xf32>
        %mul3A_1042 = arith.mulf %sub3A_1041, %sub3A_1041 : vector<16xf32>
        %add3A_1043 = arith.addf %mul3A_910, %mul3A_1042 : vector<16xf32>
        %add3A_1044 = arith.constant 11 : i32
        %add3A_1045 = arith.addi %mul3A_823, %add3A_1044 : i32
        %get3A_1046 = arith.index_cast %add3A_1045 : i32 to index
        %get3A_1047 = arith.constant 16 : index
        %get3A_1048 = tpu.vector_load %arg9[%get3A_1046, %get3A_1047] {strides = array<i32>} : memref<128x64xf32, #tpu.memory_space<vmem>>, vector<16xf32>,
        %sub3A_1049 = arith.subf %get3A_955, %get3A_1048 : vector<16xf32>
        %mul3A_1050 = arith.mulf %sub3A_1049, %sub3A_1049 : vector<16xf32>
        %add3A_1051 = arith.addf %mul3A_917, %mul3A_1050 : vector<16xf32>
        %add3A_1052 = arith.constant 12 : i32
        %add3A_1053 = arith.addi %mul3A_823, %add3A_1052 : i32
        %get3A_1054 = arith.index_cast %add3A_1053 : i32 to index
        %get3A_1055 = arith.constant 16 : index
        %get3A_1056 = tpu.vector_load %arg9[%get3A_1054, %get3A_1055] {strides = array<i32>} : memref<128x64xf32, #tpu.memory_space<vmem>>, vector<16xf32>,
        %sub3A_1057 = arith.subf %get3A_955, %get3A_1056 : vector<16xf32>
        %mul3A_1058 = arith.mulf %sub3A_1057, %sub3A_1057 : vector<16xf32>
        %add3A_1059 = arith.addf %mul3A_924, %mul3A_1058 : vector<16xf32>
        %add3A_1060 = arith.constant 13 : i32
        %add3A_1061 = arith.addi %mul3A_823, %add3A_1060 : i32
        %get3A_1062 = arith.index_cast %add3A_1061 : i32 to index
        %get3A_1063 = arith.constant 16 : index
        %get3A_1064 = tpu.vector_load %arg9[%get3A_1062, %get3A_1063] {strides = array<i32>} : memref<128x64xf32, #tpu.memory_space<vmem>>, vector<16xf32>,
        %sub3A_1065 = arith.subf %get3A_955, %get3A_1064 : vector<16xf32>
        %mul3A_1066 = arith.mulf %sub3A_1065, %sub3A_1065 : vector<16xf32>
        %add3A_1067 = arith.addf %mul3A_931, %mul3A_1066 : vector<16xf32>
        %add3A_1068 = arith.constant 14 : i32
        %add3A_1069 = arith.addi %mul3A_823, %add3A_1068 : i32
        %get3A_1070 = arith.index_cast %add3A_1069 : i32 to index
        %get3A_1071 = arith.constant 16 : index
        %get3A_1072 = tpu.vector_load %arg9[%get3A_1070, %get3A_1071] {strides = array<i32>} : memref<128x64xf32, #tpu.memory_space<vmem>>, vector<16xf32>,
        %sub3A_1073 = arith.subf %get3A_955, %get3A_1072 : vector<16xf32>
        %mul3A_1074 = arith.mulf %sub3A_1073, %sub3A_1073 : vector<16xf32>
        %add3A_1075 = arith.addf %mul3A_938, %mul3A_1074 : vector<16xf32>
        %add3A_1076 = arith.constant 15 : i32
        %add3A_1077 = arith.addi %mul3A_823, %add3A_1076 : i32
        %get3A_1078 = arith.index_cast %add3A_1077 : i32 to index
        %get3A_1079 = arith.constant 16 : index
        %get3A_1080 = tpu.vector_load %arg9[%get3A_1078, %get3A_1079] {strides = array<i32>} : memref<128x64xf32, #tpu.memory_space<vmem>>, vector<16xf32>,
        %sub3A_1081 = arith.subf %get3A_955, %get3A_1080 : vector<16xf32>
        %mul3A_1082 = arith.mulf %sub3A_1081, %sub3A_1081 : vector<16xf32>
        %add3A_1083 = arith.addf %mul3A_945, %mul3A_1082 : vector<16xf32>
        %add3A_1084 = arith.constant 0 : i32
        %add3A_1085 = arith.addi %add3A_821, %add3A_1084 : i32
        %get3A_1086 = arith.index_cast %add3A_1085 : i32 to index
        %get3A_1087 = arith.constant 32 : index
        %get3A_1088 = tpu.vector_load %arg7[%get3A_1086, %get3A_1087] {strides = array<i32>} : memref<512x64xf32, #tpu.memory_space<vmem>>, vector<16xf32>,
        %add3A_1089 = arith.constant 1 : i32
        %add3A_1090 = arith.addi %add3A_821, %add3A_1089 : i32
        %get3A_1091 = arith.index_cast %add3A_1090 : i32 to index
        %get3A_1092 = arith.constant 32 : index
        %get3A_1093 = tpu.vector_load %arg7[%get3A_1091, %get3A_1092] {strides = array<i32>} : memref<512x64xf32, #tpu.memory_space<vmem>>, vector<16xf32>,
        %add3A_1094 = arith.constant 0 : i32
        %add3A_1095 = arith.addi %mul3A_823, %add3A_1094 : i32
        %get3A_1096 = arith.index_cast %add3A_1095 : i32 to index
        %get3A_1097 = arith.constant 32 : index
        %get3A_1098 = tpu.vector_load %arg9[%get3A_1096, %get3A_1097] {strides = array<i32>} : memref<128x64xf32, #tpu.memory_space<vmem>>, vector<16xf32>,
        %sub3A_1099 = arith.subf %get3A_1088, %get3A_1098 : vector<16xf32>
        %mul3A_1100 = arith.mulf %sub3A_1099, %sub3A_1099 : vector<16xf32>
        %add3A_1101 = arith.addf %add3A_963, %mul3A_1100 : vector<16xf32>
        %add3A_1102 = arith.constant 1 : i32
        %add3A_1103 = arith.addi %mul3A_823, %add3A_1102 : i32
        %get3A_1104 = arith.index_cast %add3A_1103 : i32 to index
        %get3A_1105 = arith.constant 32 : index
        %get3A_1106 = tpu.vector_load %arg9[%get3A_1104, %get3A_1105] {strides = array<i32>} : memref<128x64xf32, #tpu.memory_space<vmem>>, vector<16xf32>,
        %sub3A_1107 = arith.subf %get3A_1088, %get3A_1106 : vector<16xf32>
        %mul3A_1108 = arith.mulf %sub3A_1107, %sub3A_1107 : vector<16xf32>
        %add3A_1109 = arith.addf %add3A_971, %mul3A_1108 : vector<16xf32>
        %add3A_1110 = arith.constant 2 : i32
        %add3A_1111 = arith.addi %mul3A_823, %add3A_1110 : i32
        %get3A_1112 = arith.index_cast %add3A_1111 : i32 to index
        %get3A_1113 = arith.constant 32 : index
        %get3A_1114 = tpu.vector_load %arg9[%get3A_1112, %get3A_1113] {strides = array<i32>} : memref<128x64xf32, #tpu.memory_space<vmem>>, vector<16xf32>,
        %sub3A_1115 = arith.subf %get3A_1088, %get3A_1114 : vector<16xf32>
        %mul3A_1116 = arith.mulf %sub3A_1115, %sub3A_1115 : vector<16xf32>
        %add3A_1117 = arith.addf %add3A_979, %mul3A_1116 : vector<16xf32>
        %add3A_1118 = arith.constant 3 : i32
        %add3A_1119 = arith.addi %mul3A_823, %add3A_1118 : i32
        %get3A_1120 = arith.index_cast %add3A_1119 : i32 to index
        %get3A_1121 = arith.constant 32 : index
        %get3A_1122 = tpu.vector_load %arg9[%get3A_1120, %get3A_1121] {strides = array<i32>} : memref<128x64xf32, #tpu.memory_space<vmem>>, vector<16xf32>,
        %sub3A_1123 = arith.subf %get3A_1088, %get3A_1122 : vector<16xf32>
        %mul3A_1124 = arith.mulf %sub3A_1123, %sub3A_1123 : vector<16xf32>
        %add3A_1125 = arith.addf %add3A_987, %mul3A_1124 : vector<16xf32>
        %add3A_1126 = arith.constant 4 : i32
        %add3A_1127 = arith.addi %mul3A_823, %add3A_1126 : i32
        %get3A_1128 = arith.index_cast %add3A_1127 : i32 to index
        %get3A_1129 = arith.constant 32 : index
        %get3A_1130 = tpu.vector_load %arg9[%get3A_1128, %get3A_1129] {strides = array<i32>} : memref<128x64xf32, #tpu.memory_space<vmem>>, vector<16xf32>,
        %sub3A_1131 = arith.subf %get3A_1088, %get3A_1130 : vector<16xf32>
        %mul3A_1132 = arith.mulf %sub3A_1131, %sub3A_1131 : vector<16xf32>
        %add3A_1133 = arith.addf %add3A_995, %mul3A_1132 : vector<16xf32>
        %add3A_1134 = arith.constant 5 : i32
        %add3A_1135 = arith.addi %mul3A_823, %add3A_1134 : i32
        %get3A_1136 = arith.index_cast %add3A_1135 : i32 to index
        %get3A_1137 = arith.constant 32 : index
        %get3A_1138 = tpu.vector_load %arg9[%get3A_1136, %get3A_1137] {strides = array<i32>} : memref<128x64xf32, #tpu.memory_space<vmem>>, vector<16xf32>,
        %sub3A_1139 = arith.subf %get3A_1088, %get3A_1138 : vector<16xf32>
        %mul3A_1140 = arith.mulf %sub3A_1139, %sub3A_1139 : vector<16xf32>
        %add3A_1141 = arith.addf %add3A_1003, %mul3A_1140 : vector<16xf32>
        %add3A_1142 = arith.constant 6 : i32
        %add3A_1143 = arith.addi %mul3A_823, %add3A_1142 : i32
        %get3A_1144 = arith.index_cast %add3A_1143 : i32 to index
        %get3A_1145 = arith.constant 32 : index
        %get3A_1146 = tpu.vector_load %arg9[%get3A_1144, %get3A_1145] {strides = array<i32>} : memref<128x64xf32, #tpu.memory_space<vmem>>, vector<16xf32>,
        %sub3A_1147 = arith.subf %get3A_1088, %get3A_1146 : vector<16xf32>
        %mul3A_1148 = arith.mulf %sub3A_1147, %sub3A_1147 : vector<16xf32>
        %add3A_1149 = arith.addf %add3A_1011, %mul3A_1148 : vector<16xf32>
        %add3A_1150 = arith.constant 7 : i32
        %add3A_1151 = arith.addi %mul3A_823, %add3A_1150 : i32
        %get3A_1152 = arith.index_cast %add3A_1151 : i32 to index
        %get3A_1153 = arith.constant 32 : index
        %get3A_1154 = tpu.vector_load %arg9[%get3A_1152, %get3A_1153] {strides = array<i32>} : memref<128x64xf32, #tpu.memory_space<vmem>>, vector<16xf32>,
        %sub3A_1155 = arith.subf %get3A_1088, %get3A_1154 : vector<16xf32>
        %mul3A_1156 = arith.mulf %sub3A_1155, %sub3A_1155 : vector<16xf32>
        %add3A_1157 = arith.addf %add3A_1019, %mul3A_1156 : vector<16xf32>
        %add3A_1158 = arith.constant 8 : i32
        %add3A_1159 = arith.addi %mul3A_823, %add3A_1158 : i32
        %get3A_1160 = arith.index_cast %add3A_1159 : i32 to index
        %get3A_1161 = arith.constant 32 : index
        %get3A_1162 = tpu.vector_load %arg9[%get3A_1160, %get3A_1161] {strides = array<i32>} : memref<128x64xf32, #tpu.memory_space<vmem>>, vector<16xf32>,
        %sub3A_1163 = arith.subf %get3A_1093, %get3A_1162 : vector<16xf32>
        %mul3A_1164 = arith.mulf %sub3A_1163, %sub3A_1163 : vector<16xf32>
        %add3A_1165 = arith.addf %add3A_1027, %mul3A_1164 : vector<16xf32>
        %add3A_1166 = arith.constant 9 : i32
        %add3A_1167 = arith.addi %mul3A_823, %add3A_1166 : i32
        %get3A_1168 = arith.index_cast %add3A_1167 : i32 to index
        %get3A_1169 = arith.constant 32 : index
        %get3A_1170 = tpu.vector_load %arg9[%get3A_1168, %get3A_1169] {strides = array<i32>} : memref<128x64xf32, #tpu.memory_space<vmem>>, vector<16xf32>,
        %sub3A_1171 = arith.subf %get3A_1093, %get3A_1170 : vector<16xf32>
        %mul3A_1172 = arith.mulf %sub3A_1171, %sub3A_1171 : vector<16xf32>
        %add3A_1173 = arith.addf %add3A_1035, %mul3A_1172 : vector<16xf32>
        %add3A_1174 = arith.constant 10 : i32
        %add3A_1175 = arith.addi %mul3A_823, %add3A_1174 : i32
        %get3A_1176 = arith.index_cast %add3A_1175 : i32 to index
        %get3A_1177 = arith.constant 32 : index
        %get3A_1178 = tpu.vector_load %arg9[%get3A_1176, %get3A_1177] {strides = array<i32>} : memref<128x64xf32, #tpu.memory_space<vmem>>, vector<16xf32>,
        %sub3A_1179 = arith.subf %get3A_1093, %get3A_1178 : vector<16xf32>
        %mul3A_1180 = arith.mulf %sub3A_1179, %sub3A_1179 : vector<16xf32>
        %add3A_1181 = arith.addf %add3A_1043, %mul3A_1180 : vector<16xf32>
        %add3A_1182 = arith.constant 11 : i32
        %add3A_1183 = arith.addi %mul3A_823, %add3A_1182 : i32
        %get3A_1184 = arith.index_cast %add3A_1183 : i32 to index
        %get3A_1185 = arith.constant 32 : index
        %get3A_1186 = tpu.vector_load %arg9[%get3A_1184, %get3A_1185] {strides = array<i32>} : memref<128x64xf32, #tpu.memory_space<vmem>>, vector<16xf32>,
        %sub3A_1187 = arith.subf %get3A_1093, %get3A_1186 : vector<16xf32>
        %mul3A_1188 = arith.mulf %sub3A_1187, %sub3A_1187 : vector<16xf32>
        %add3A_1189 = arith.addf %add3A_1051, %mul3A_1188 : vector<16xf32>
        %add3A_1190 = arith.constant 12 : i32
        %add3A_1191 = arith.addi %mul3A_823, %add3A_1190 : i32
        %get3A_1192 = arith.index_cast %add3A_1191 : i32 to index
        %get3A_1193 = arith.constant 32 : index
        %get3A_1194 = tpu.vector_load %arg9[%get3A_1192, %get3A_1193] {strides = array<i32>} : memref<128x64xf32, #tpu.memory_space<vmem>>, vector<16xf32>,
        %sub3A_1195 = arith.subf %get3A_1093, %get3A_1194 : vector<16xf32>
        %mul3A_1196 = arith.mulf %sub3A_1195, %sub3A_1195 : vector<16xf32>
        %add3A_1197 = arith.addf %add3A_1059, %mul3A_1196 : vector<16xf32>
        %add3A_1198 = arith.constant 13 : i32
        %add3A_1199 = arith.addi %mul3A_823, %add3A_1198 : i32
        %get3A_1200 = arith.index_cast %add3A_1199 : i32 to index
        %get3A_1201 = arith.constant 32 : index
        %get3A_1202 = tpu.vector_load %arg9[%get3A_1200, %get3A_1201] {strides = array<i32>} : memref<128x64xf32, #tpu.memory_space<vmem>>, vector<16xf32>,
        %sub3A_1203 = arith.subf %get3A_1093, %get3A_1202 : vector<16xf32>
        %mul3A_1204 = arith.mulf %sub3A_1203, %sub3A_1203 : vector<16xf32>
        %add3A_1205 = arith.addf %add3A_1067, %mul3A_1204 : vector<16xf32>
        %add3A_1206 = arith.constant 14 : i32
        %add3A_1207 = arith.addi %mul3A_823, %add3A_1206 : i32
        %get3A_1208 = arith.index_cast %add3A_1207 : i32 to index
        %get3A_1209 = arith.constant 32 : index
        %get3A_1210 = tpu.vector_load %arg9[%get3A_1208, %get3A_1209] {strides = array<i32>} : memref<128x64xf32, #tpu.memory_space<vmem>>, vector<16xf32>,
        %sub3A_1211 = arith.subf %get3A_1093, %get3A_1210 : vector<16xf32>
        %mul3A_1212 = arith.mulf %sub3A_1211, %sub3A_1211 : vector<16xf32>
        %add3A_1213 = arith.addf %add3A_1075, %mul3A_1212 : vector<16xf32>
        %add3A_1214 = arith.constant 15 : i32
        %add3A_1215 = arith.addi %mul3A_823, %add3A_1214 : i32
        %get3A_1216 = arith.index_cast %add3A_1215 : i32 to index
        %get3A_1217 = arith.constant 32 : index
        %get3A_1218 = tpu.vector_load %arg9[%get3A_1216, %get3A_1217] {strides = array<i32>} : memref<128x64xf32, #tpu.memory_space<vmem>>, vector<16xf32>,
        %sub3A_1219 = arith.subf %get3A_1093, %get3A_1218 : vector<16xf32>
        %mul3A_1220 = arith.mulf %sub3A_1219, %sub3A_1219 : vector<16xf32>
        %add3A_1221 = arith.addf %add3A_1083, %mul3A_1220 : vector<16xf32>
        %add3A_1222 = arith.constant 0 : i32
        %add3A_1223 = arith.addi %add3A_821, %add3A_1222 : i32
        %get3A_1224 = arith.index_cast %add3A_1223 : i32 to index
        %get3A_1225 = arith.constant 48 : index
        %get3A_1226 = tpu.vector_load %arg7[%get3A_1224, %get3A_1225] {strides = array<i32>} : memref<512x64xf32, #tpu.memory_space<vmem>>, vector<16xf32>,
        %add3A_1227 = arith.constant 1 : i32
        %add3A_1228 = arith.addi %add3A_821, %add3A_1227 : i32
        %get3A_1229 = arith.index_cast %add3A_1228 : i32 to index
        %get3A_1230 = arith.constant 48 : index
        %get3A_1231 = tpu.vector_load %arg7[%get3A_1229, %get3A_1230] {strides = array<i32>} : memref<512x64xf32, #tpu.memory_space<vmem>>, vector<16xf32>,
        %add3A_1232 = arith.constant 0 : i32
        %add3A_1233 = arith.addi %mul3A_823, %add3A_1232 : i32
        %get3A_1234 = arith.index_cast %add3A_1233 : i32 to index
        %get3A_1235 = arith.constant 48 : index
        %get3A_1236 = tpu.vector_load %arg9[%get3A_1234, %get3A_1235] {strides = array<i32>} : memref<128x64xf32, #tpu.memory_space<vmem>>, vector<16xf32>,
        %sub3A_1237 = arith.subf %get3A_1226, %get3A_1236 : vector<16xf32>
        %mul3A_1238 = arith.mulf %sub3A_1237, %sub3A_1237 : vector<16xf32>
        %add3A_1239 = arith.addf %add3A_1101, %mul3A_1238 : vector<16xf32>
        %add3A_1240 = arith.constant 1 : i32
        %add3A_1241 = arith.addi %mul3A_823, %add3A_1240 : i32
        %get3A_1242 = arith.index_cast %add3A_1241 : i32 to index
        %get3A_1243 = arith.constant 48 : index
        %get3A_1244 = tpu.vector_load %arg9[%get3A_1242, %get3A_1243] {strides = array<i32>} : memref<128x64xf32, #tpu.memory_space<vmem>>, vector<16xf32>,
        %sub3A_1245 = arith.subf %get3A_1226, %get3A_1244 : vector<16xf32>
        %mul3A_1246 = arith.mulf %sub3A_1245, %sub3A_1245 : vector<16xf32>
        %add3A_1247 = arith.addf %add3A_1109, %mul3A_1246 : vector<16xf32>
        %add3A_1248 = arith.constant 2 : i32
        %add3A_1249 = arith.addi %mul3A_823, %add3A_1248 : i32
        %get3A_1250 = arith.index_cast %add3A_1249 : i32 to index
        %get3A_1251 = arith.constant 48 : index
        %get3A_1252 = tpu.vector_load %arg9[%get3A_1250, %get3A_1251] {strides = array<i32>} : memref<128x64xf32, #tpu.memory_space<vmem>>, vector<16xf32>,
        %sub3A_1253 = arith.subf %get3A_1226, %get3A_1252 : vector<16xf32>
        %mul3A_1254 = arith.mulf %sub3A_1253, %sub3A_1253 : vector<16xf32>
        %add3A_1255 = arith.addf %add3A_1117, %mul3A_1254 : vector<16xf32>
        %add3A_1256 = arith.constant 3 : i32
        %add3A_1257 = arith.addi %mul3A_823, %add3A_1256 : i32
        %get3A_1258 = arith.index_cast %add3A_1257 : i32 to index
        %get3A_1259 = arith.constant 48 : index
        %get3A_1260 = tpu.vector_load %arg9[%get3A_1258, %get3A_1259] {strides = array<i32>} : memref<128x64xf32, #tpu.memory_space<vmem>>, vector<16xf32>,
        %sub3A_1261 = arith.subf %get3A_1226, %get3A_1260 : vector<16xf32>
        %mul3A_1262 = arith.mulf %sub3A_1261, %sub3A_1261 : vector<16xf32>
        %add3A_1263 = arith.addf %add3A_1125, %mul3A_1262 : vector<16xf32>
        %add3A_1264 = arith.constant 4 : i32
        %add3A_1265 = arith.addi %mul3A_823, %add3A_1264 : i32
        %get3A_1266 = arith.index_cast %add3A_1265 : i32 to index
        %get3A_1267 = arith.constant 48 : index
        %get3A_1268 = tpu.vector_load %arg9[%get3A_1266, %get3A_1267] {strides = array<i32>} : memref<128x64xf32, #tpu.memory_space<vmem>>, vector<16xf32>,
        %sub3A_1269 = arith.subf %get3A_1226, %get3A_1268 : vector<16xf32>
        %mul3A_1270 = arith.mulf %sub3A_1269, %sub3A_1269 : vector<16xf32>
        %add3A_1271 = arith.addf %add3A_1133, %mul3A_1270 : vector<16xf32>
        %add3A_1272 = arith.constant 5 : i32
        %add3A_1273 = arith.addi %mul3A_823, %add3A_1272 : i32
        %get3A_1274 = arith.index_cast %add3A_1273 : i32 to index
        %get3A_1275 = arith.constant 48 : index
        %get3A_1276 = tpu.vector_load %arg9[%get3A_1274, %get3A_1275] {strides = array<i32>} : memref<128x64xf32, #tpu.memory_space<vmem>>, vector<16xf32>,
        %sub3A_1277 = arith.subf %get3A_1226, %get3A_1276 : vector<16xf32>
        %mul3A_1278 = arith.mulf %sub3A_1277, %sub3A_1277 : vector<16xf32>
        %add3A_1279 = arith.addf %add3A_1141, %mul3A_1278 : vector<16xf32>
        %add3A_1280 = arith.constant 6 : i32
        %add3A_1281 = arith.addi %mul3A_823, %add3A_1280 : i32
        %get3A_1282 = arith.index_cast %add3A_1281 : i32 to index
        %get3A_1283 = arith.constant 48 : index
        %get3A_1284 = tpu.vector_load %arg9[%get3A_1282, %get3A_1283] {strides = array<i32>} : memref<128x64xf32, #tpu.memory_space<vmem>>, vector<16xf32>,
        %sub3A_1285 = arith.subf %get3A_1226, %get3A_1284 : vector<16xf32>
        %mul3A_1286 = arith.mulf %sub3A_1285, %sub3A_1285 : vector<16xf32>
        %add3A_1287 = arith.addf %add3A_1149, %mul3A_1286 : vector<16xf32>
        %add3A_1288 = arith.constant 7 : i32
        %add3A_1289 = arith.addi %mul3A_823, %add3A_1288 : i32
        %get3A_1290 = arith.index_cast %add3A_1289 : i32 to index
        %get3A_1291 = arith.constant 48 : index
        %get3A_1292 = tpu.vector_load %arg9[%get3A_1290, %get3A_1291] {strides = array<i32>} : memref<128x64xf32, #tpu.memory_space<vmem>>, vector<16xf32>,
        %sub3A_1293 = arith.subf %get3A_1226, %get3A_1292 : vector<16xf32>
        %mul3A_1294 = arith.mulf %sub3A_1293, %sub3A_1293 : vector<16xf32>
        %add3A_1295 = arith.addf %add3A_1157, %mul3A_1294 : vector<16xf32>
        %add3A_1296 = arith.constant 8 : i32
        %add3A_1297 = arith.addi %mul3A_823, %add3A_1296 : i32
        %get3A_1298 = arith.index_cast %add3A_1297 : i32 to index
        %get3A_1299 = arith.constant 48 : index
        %get3A_1300 = tpu.vector_load %arg9[%get3A_1298, %get3A_1299] {strides = array<i32>} : memref<128x64xf32, #tpu.memory_space<vmem>>, vector<16xf32>,
        %sub3A_1301 = arith.subf %get3A_1231, %get3A_1300 : vector<16xf32>
        %mul3A_1302 = arith.mulf %sub3A_1301, %sub3A_1301 : vector<16xf32>
        %add3A_1303 = arith.addf %add3A_1165, %mul3A_1302 : vector<16xf32>
        %add3A_1304 = arith.constant 9 : i32
        %add3A_1305 = arith.addi %mul3A_823, %add3A_1304 : i32
        %get3A_1306 = arith.index_cast %add3A_1305 : i32 to index
        %get3A_1307 = arith.constant 48 : index
        %get3A_1308 = tpu.vector_load %arg9[%get3A_1306, %get3A_1307] {strides = array<i32>} : memref<128x64xf32, #tpu.memory_space<vmem>>, vector<16xf32>,
        %sub3A_1309 = arith.subf %get3A_1231, %get3A_1308 : vector<16xf32>
        %mul3A_1310 = arith.mulf %sub3A_1309, %sub3A_1309 : vector<16xf32>
        %add3A_1311 = arith.addf %add3A_1173, %mul3A_1310 : vector<16xf32>
        %add3A_1312 = arith.constant 10 : i32
        %add3A_1313 = arith.addi %mul3A_823, %add3A_1312 : i32
        %get3A_1314 = arith.index_cast %add3A_1313 : i32 to index
        %get3A_1315 = arith.constant 48 : index
        %get3A_1316 = tpu.vector_load %arg9[%get3A_1314, %get3A_1315] {strides = array<i32>} : memref<128x64xf32, #tpu.memory_space<vmem>>, vector<16xf32>,
        %sub3A_1317 = arith.subf %get3A_1231, %get3A_1316 : vector<16xf32>
        %mul3A_1318 = arith.mulf %sub3A_1317, %sub3A_1317 : vector<16xf32>
        %add3A_1319 = arith.addf %add3A_1181, %mul3A_1318 : vector<16xf32>
        %add3A_1320 = arith.constant 11 : i32
        %add3A_1321 = arith.addi %mul3A_823, %add3A_1320 : i32
        %get3A_1322 = arith.index_cast %add3A_1321 : i32 to index
        %get3A_1323 = arith.constant 48 : index
        %get3A_1324 = tpu.vector_load %arg9[%get3A_1322, %get3A_1323] {strides = array<i32>} : memref<128x64xf32, #tpu.memory_space<vmem>>, vector<16xf32>,
        %sub3A_1325 = arith.subf %get3A_1231, %get3A_1324 : vector<16xf32>
        %mul3A_1326 = arith.mulf %sub3A_1325, %sub3A_1325 : vector<16xf32>
        %add3A_1327 = arith.addf %add3A_1189, %mul3A_1326 : vector<16xf32>
        %add3A_1328 = arith.constant 12 : i32
        %add3A_1329 = arith.addi %mul3A_823, %add3A_1328 : i32
        %get3A_1330 = arith.index_cast %add3A_1329 : i32 to index
        %get3A_1331 = arith.constant 48 : index
        %get3A_1332 = tpu.vector_load %arg9[%get3A_1330, %get3A_1331] {strides = array<i32>} : memref<128x64xf32, #tpu.memory_space<vmem>>, vector<16xf32>,
        %sub3A_1333 = arith.subf %get3A_1231, %get3A_1332 : vector<16xf32>
        %mul3A_1334 = arith.mulf %sub3A_1333, %sub3A_1333 : vector<16xf32>
        %add3A_1335 = arith.addf %add3A_1197, %mul3A_1334 : vector<16xf32>
        %add3A_1336 = arith.constant 13 : i32
        %add3A_1337 = arith.addi %mul3A_823, %add3A_1336 : i32
        %get3A_1338 = arith.index_cast %add3A_1337 : i32 to index
        %get3A_1339 = arith.constant 48 : index
        %get3A_1340 = tpu.vector_load %arg9[%get3A_1338, %get3A_1339] {strides = array<i32>} : memref<128x64xf32, #tpu.memory_space<vmem>>, vector<16xf32>,
        %sub3A_1341 = arith.subf %get3A_1231, %get3A_1340 : vector<16xf32>
        %mul3A_1342 = arith.mulf %sub3A_1341, %sub3A_1341 : vector<16xf32>
        %add3A_1343 = arith.addf %add3A_1205, %mul3A_1342 : vector<16xf32>
        %add3A_1344 = arith.constant 14 : i32
        %add3A_1345 = arith.addi %mul3A_823, %add3A_1344 : i32
        %get3A_1346 = arith.index_cast %add3A_1345 : i32 to index
        %get3A_1347 = arith.constant 48 : index
        %get3A_1348 = tpu.vector_load %arg9[%get3A_1346, %get3A_1347] {strides = array<i32>} : memref<128x64xf32, #tpu.memory_space<vmem>>, vector<16xf32>,
        %sub3A_1349 = arith.subf %get3A_1231, %get3A_1348 : vector<16xf32>
        %mul3A_1350 = arith.mulf %sub3A_1349, %sub3A_1349 : vector<16xf32>
        %add3A_1351 = arith.addf %add3A_1213, %mul3A_1350 : vector<16xf32>
        %add3A_1352 = arith.constant 15 : i32
        %add3A_1353 = arith.addi %mul3A_823, %add3A_1352 : i32
        %get3A_1354 = arith.index_cast %add3A_1353 : i32 to index
        %get3A_1355 = arith.constant 48 : index
        %get3A_1356 = tpu.vector_load %arg9[%get3A_1354, %get3A_1355] {strides = array<i32>} : memref<128x64xf32, #tpu.memory_space<vmem>>, vector<16xf32>,
        %sub3A_1357 = arith.subf %get3A_1231, %get3A_1356 : vector<16xf32>
        %mul3A_1358 = arith.mulf %sub3A_1357, %sub3A_1357 : vector<16xf32>
        %add3A_1359 = arith.addf %add3A_1221, %mul3A_1358 : vector<16xf32>
        %broadcast_in_dim3A_1360 = arith.constant 0.000000e+00 : f32
        %broadcast_in_dim3A_1361 = vector.broadcast %broadcast_in_dim3A_1360 : f32 to vector<16xf32>
        %eq3A_1362 = arith.constant 0 : i32
        %eq3A_1363 = vector.broadcast %eq3A_1362 : i32 to vector<16xi32>
        %eq3A_1364 = arith.cmpi eq, %iota3A, %eq3A_1363 : vector<16xi32>
        %reduce_sum3A_1365 = arith.constant true
        %reduce_sum3A_1366 = vector.broadcast %reduce_sum3A_1365 : i1 to vector<16xi1>
        %reduce_sum3A_1367 = tpu.scan <sum>, %add3A_1239 masked %reduce_sum3A_1366 : vector<16xf32>, vector<16xi1> -> vector<16xf32>
        %reduce_sum3A_1368 = vector.extract %reduce_sum3A_1367[15] : f32 from vector<16xf32>
        %broadcast_in_dim3A_1369 = vector.broadcast %reduce_sum3A_1368 : f32 to vector<16xf32>
        %select_n3A_1370 = arith.select %eq3A_1364, %broadcast_in_dim3A_1369, %broadcast_in_dim3A_1361 : vector<16xi1>, vector<16xf32>
        %eq3A_1371 = arith.constant 1 : i32
        %eq3A_1372 = vector.broadcast %eq3A_1371 : i32 to vector<16xi32>
        %eq3A_1373 = arith.cmpi eq, %iota3A, %eq3A_1372 : vector<16xi32>
        %reduce_sum3A_1374 = arith.constant true
        %reduce_sum3A_1375 = vector.broadcast %reduce_sum3A_1374 : i1 to vector<16xi1>
        %reduce_sum3A_1376 = tpu.scan <sum>, %add3A_1247 masked %reduce_sum3A_1375 : vector<16xf32>, vector<16xi1> -> vector<16xf32>
        %reduce_sum3A_1377 = vector.extract %reduce_sum3A_1376[15] : f32 from vector<16xf32>
        %broadcast_in_dim3A_1378 = vector.broadcast %reduce_sum3A_1377 : f32 to vector<16xf32>
        %select_n3A_1379 = arith.select %eq3A_1373, %broadcast_in_dim3A_1378, %select_n3A_1370 : vector<16xi1>, vector<16xf32>
        %eq3A_1380 = arith.constant 2 : i32
        %eq3A_1381 = vector.broadcast %eq3A_1380 : i32 to vector<16xi32>
        %eq3A_1382 = arith.cmpi eq, %iota3A, %eq3A_1381 : vector<16xi32>
        %reduce_sum3A_1383 = arith.constant true
        %reduce_sum3A_1384 = vector.broadcast %reduce_sum3A_1383 : i1 to vector<16xi1>
        %reduce_sum3A_1385 = tpu.scan <sum>, %add3A_1255 masked %reduce_sum3A_1384 : vector<16xf32>, vector<16xi1> -> vector<16xf32>
        %reduce_sum3A_1386 = vector.extract %reduce_sum3A_1385[15] : f32 from vector<16xf32>
        %broadcast_in_dim3A_1387 = vector.broadcast %reduce_sum3A_1386 : f32 to vector<16xf32>
        %select_n3A_1388 = arith.select %eq3A_1382, %broadcast_in_dim3A_1387, %select_n3A_1379 : vector<16xi1>, vector<16xf32>
        %eq3A_1389 = arith.constant 3 : i32
        %eq3A_1390 = vector.broadcast %eq3A_1389 : i32 to vector<16xi32>
        %eq3A_1391 = arith.cmpi eq, %iota3A, %eq3A_1390 : vector<16xi32>
        %reduce_sum3A_1392 = arith.constant true
        %reduce_sum3A_1393 = vector.broadcast %reduce_sum3A_1392 : i1 to vector<16xi1>
        %reduce_sum3A_1394 = tpu.scan <sum>, %add3A_1263 masked %reduce_sum3A_1393 : vector<16xf32>, vector<16xi1> -> vector<16xf32>
        %reduce_sum3A_1395 = vector.extract %reduce_sum3A_1394[15] : f32 from vector<16xf32>
        %broadcast_in_dim3A_1396 = vector.broadcast %reduce_sum3A_1395 : f32 to vector<16xf32>
        %select_n3A_1397 = arith.select %eq3A_1391, %broadcast_in_dim3A_1396, %select_n3A_1388 : vector<16xi1>, vector<16xf32>
        %eq3A_1398 = arith.constant 4 : i32
        %eq3A_1399 = vector.broadcast %eq3A_1398 : i32 to vector<16xi32>
        %eq3A_1400 = arith.cmpi eq, %iota3A, %eq3A_1399 : vector<16xi32>
        %reduce_sum3A_1401 = arith.constant true
        %reduce_sum3A_1402 = vector.broadcast %reduce_sum3A_1401 : i1 to vector<16xi1>
        %reduce_sum3A_1403 = tpu.scan <sum>, %add3A_1271 masked %reduce_sum3A_1402 : vector<16xf32>, vector<16xi1> -> vector<16xf32>
        %reduce_sum3A_1404 = vector.extract %reduce_sum3A_1403[15] : f32 from vector<16xf32>
        %broadcast_in_dim3A_1405 = vector.broadcast %reduce_sum3A_1404 : f32 to vector<16xf32>
        %select_n3A_1406 = arith.select %eq3A_1400, %broadcast_in_dim3A_1405, %select_n3A_1397 : vector<16xi1>, vector<16xf32>
        %eq3A_1407 = arith.constant 5 : i32
        %eq3A_1408 = vector.broadcast %eq3A_1407 : i32 to vector<16xi32>
        %eq3A_1409 = arith.cmpi eq, %iota3A, %eq3A_1408 : vector<16xi32>
        %reduce_sum3A_1410 = arith.constant true
        %reduce_sum3A_1411 = vector.broadcast %reduce_sum3A_1410 : i1 to vector<16xi1>
        %reduce_sum3A_1412 = tpu.scan <sum>, %add3A_1279 masked %reduce_sum3A_1411 : vector<16xf32>, vector<16xi1> -> vector<16xf32>
        %reduce_sum3A_1413 = vector.extract %reduce_sum3A_1412[15] : f32 from vector<16xf32>
        %broadcast_in_dim3A_1414 = vector.broadcast %reduce_sum3A_1413 : f32 to vector<16xf32>
        %select_n3A_1415 = arith.select %eq3A_1409, %broadcast_in_dim3A_1414, %select_n3A_1406 : vector<16xi1>, vector<16xf32>
        %eq3A_1416 = arith.constant 6 : i32
        %eq3A_1417 = vector.broadcast %eq3A_1416 : i32 to vector<16xi32>
        %eq3A_1418 = arith.cmpi eq, %iota3A, %eq3A_1417 : vector<16xi32>
        %reduce_sum3A_1419 = arith.constant true
        %reduce_sum3A_1420 = vector.broadcast %reduce_sum3A_1419 : i1 to vector<16xi1>
        %reduce_sum3A_1421 = tpu.scan <sum>, %add3A_1287 masked %reduce_sum3A_1420 : vector<16xf32>, vector<16xi1> -> vector<16xf32>
        %reduce_sum3A_1422 = vector.extract %reduce_sum3A_1421[15] : f32 from vector<16xf32>
        %broadcast_in_dim3A_1423 = vector.broadcast %reduce_sum3A_1422 : f32 to vector<16xf32>
        %select_n3A_1424 = arith.select %eq3A_1418, %broadcast_in_dim3A_1423, %select_n3A_1415 : vector<16xi1>, vector<16xf32>
        %eq3A_1425 = arith.constant 7 : i32
        %eq3A_1426 = vector.broadcast %eq3A_1425 : i32 to vector<16xi32>
        %eq3A_1427 = arith.cmpi eq, %iota3A, %eq3A_1426 : vector<16xi32>
        %reduce_sum3A_1428 = arith.constant true
        %reduce_sum3A_1429 = vector.broadcast %reduce_sum3A_1428 : i1 to vector<16xi1>
        %reduce_sum3A_1430 = tpu.scan <sum>, %add3A_1295 masked %reduce_sum3A_1429 : vector<16xf32>, vector<16xi1> -> vector<16xf32>
        %reduce_sum3A_1431 = vector.extract %reduce_sum3A_1430[15] : f32 from vector<16xf32>
        %broadcast_in_dim3A_1432 = vector.broadcast %reduce_sum3A_1431 : f32 to vector<16xf32>
        %select_n3A_1433 = arith.select %eq3A_1427, %broadcast_in_dim3A_1432, %select_n3A_1424 : vector<16xi1>, vector<16xf32>
        %eq3A_1434 = arith.constant 8 : i32
        %eq3A_1435 = vector.broadcast %eq3A_1434 : i32 to vector<16xi32>
        %eq3A_1436 = arith.cmpi eq, %iota3A, %eq3A_1435 : vector<16xi32>
        %reduce_sum3A_1437 = arith.constant true
        %reduce_sum3A_1438 = vector.broadcast %reduce_sum3A_1437 : i1 to vector<16xi1>
        %reduce_sum3A_1439 = tpu.scan <sum>, %add3A_1303 masked %reduce_sum3A_1438 : vector<16xf32>, vector<16xi1> -> vector<16xf32>
        %reduce_sum3A_1440 = vector.extract %reduce_sum3A_1439[15] : f32 from vector<16xf32>
        %broadcast_in_dim3A_1441 = vector.broadcast %reduce_sum3A_1440 : f32 to vector<16xf32>
        %select_n3A_1442 = arith.select %eq3A_1436, %broadcast_in_dim3A_1441, %select_n3A_1433 : vector<16xi1>, vector<16xf32>
        %eq3A_1443 = arith.constant 9 : i32
        %eq3A_1444 = vector.broadcast %eq3A_1443 : i32 to vector<16xi32>
        %eq3A_1445 = arith.cmpi eq, %iota3A, %eq3A_1444 : vector<16xi32>
        %reduce_sum3A_1446 = arith.constant true
        %reduce_sum3A_1447 = vector.broadcast %reduce_sum3A_1446 : i1 to vector<16xi1>
        %reduce_sum3A_1448 = tpu.scan <sum>, %add3A_1311 masked %reduce_sum3A_1447 : vector<16xf32>, vector<16xi1> -> vector<16xf32>
        %reduce_sum3A_1449 = vector.extract %reduce_sum3A_1448[15] : f32 from vector<16xf32>
        %broadcast_in_dim3A_1450 = vector.broadcast %reduce_sum3A_1449 : f32 to vector<16xf32>
        %select_n3A_1451 = arith.select %eq3A_1445, %broadcast_in_dim3A_1450, %select_n3A_1442 : vector<16xi1>, vector<16xf32>
        %eq3A_1452 = arith.constant 10 : i32
        %eq3A_1453 = vector.broadcast %eq3A_1452 : i32 to vector<16xi32>
        %eq3A_1454 = arith.cmpi eq, %iota3A, %eq3A_1453 : vector<16xi32>
        %reduce_sum3A_1455 = arith.constant true
        %reduce_sum3A_1456 = vector.broadcast %reduce_sum3A_1455 : i1 to vector<16xi1>
        %reduce_sum3A_1457 = tpu.scan <sum>, %add3A_1319 masked %reduce_sum3A_1456 : vector<16xf32>, vector<16xi1> -> vector<16xf32>
        %reduce_sum3A_1458 = vector.extract %reduce_sum3A_1457[15] : f32 from vector<16xf32>
        %broadcast_in_dim3A_1459 = vector.broadcast %reduce_sum3A_1458 : f32 to vector<16xf32>
        %select_n3A_1460 = arith.select %eq3A_1454, %broadcast_in_dim3A_1459, %select_n3A_1451 : vector<16xi1>, vector<16xf32>
        %eq3A_1461 = arith.constant 11 : i32
        %eq3A_1462 = vector.broadcast %eq3A_1461 : i32 to vector<16xi32>
        %eq3A_1463 = arith.cmpi eq, %iota3A, %eq3A_1462 : vector<16xi32>
        %reduce_sum3A_1464 = arith.constant true
        %reduce_sum3A_1465 = vector.broadcast %reduce_sum3A_1464 : i1 to vector<16xi1>
        %reduce_sum3A_1466 = tpu.scan <sum>, %add3A_1327 masked %reduce_sum3A_1465 : vector<16xf32>, vector<16xi1> -> vector<16xf32>
        %reduce_sum3A_1467 = vector.extract %reduce_sum3A_1466[15] : f32 from vector<16xf32>
        %broadcast_in_dim3A_1468 = vector.broadcast %reduce_sum3A_1467 : f32 to vector<16xf32>
        %select_n3A_1469 = arith.select %eq3A_1463, %broadcast_in_dim3A_1468, %select_n3A_1460 : vector<16xi1>, vector<16xf32>
        %eq3A_1470 = arith.constant 12 : i32
        %eq3A_1471 = vector.broadcast %eq3A_1470 : i32 to vector<16xi32>
        %eq3A_1472 = arith.cmpi eq, %iota3A, %eq3A_1471 : vector<16xi32>
        %reduce_sum3A_1473 = arith.constant true
        %reduce_sum3A_1474 = vector.broadcast %reduce_sum3A_1473 : i1 to vector<16xi1>
        %reduce_sum3A_1475 = tpu.scan <sum>, %add3A_1335 masked %reduce_sum3A_1474 : vector<16xf32>, vector<16xi1> -> vector<16xf32>
        %reduce_sum3A_1476 = vector.extract %reduce_sum3A_1475[15] : f32 from vector<16xf32>
        %broadcast_in_dim3A_1477 = vector.broadcast %reduce_sum3A_1476 : f32 to vector<16xf32>
        %select_n3A_1478 = arith.select %eq3A_1472, %broadcast_in_dim3A_1477, %select_n3A_1469 : vector<16xi1>, vector<16xf32>
        %eq3A_1479 = arith.constant 13 : i32
        %eq3A_1480 = vector.broadcast %eq3A_1479 : i32 to vector<16xi32>
        %eq3A_1481 = arith.cmpi eq, %iota3A, %eq3A_1480 : vector<16xi32>
        %reduce_sum3A_1482 = arith.constant true
        %reduce_sum3A_1483 = vector.broadcast %reduce_sum3A_1482 : i1 to vector<16xi1>
        %reduce_sum3A_1484 = tpu.scan <sum>, %add3A_1343 masked %reduce_sum3A_1483 : vector<16xf32>, vector<16xi1> -> vector<16xf32>
        %reduce_sum3A_1485 = vector.extract %reduce_sum3A_1484[15] : f32 from vector<16xf32>
        %broadcast_in_dim3A_1486 = vector.broadcast %reduce_sum3A_1485 : f32 to vector<16xf32>
        %select_n3A_1487 = arith.select %eq3A_1481, %broadcast_in_dim3A_1486, %select_n3A_1478 : vector<16xi1>, vector<16xf32>
        %eq3A_1488 = arith.constant 14 : i32
        %eq3A_1489 = vector.broadcast %eq3A_1488 : i32 to vector<16xi32>
        %eq3A_1490 = arith.cmpi eq, %iota3A, %eq3A_1489 : vector<16xi32>
        %reduce_sum3A_1491 = arith.constant true
        %reduce_sum3A_1492 = vector.broadcast %reduce_sum3A_1491 : i1 to vector<16xi1>
        %reduce_sum3A_1493 = tpu.scan <sum>, %add3A_1351 masked %reduce_sum3A_1492 : vector<16xf32>, vector<16xi1> -> vector<16xf32>
        %reduce_sum3A_1494 = vector.extract %reduce_sum3A_1493[15] : f32 from vector<16xf32>
        %broadcast_in_dim3A_1495 = vector.broadcast %reduce_sum3A_1494 : f32 to vector<16xf32>
        %select_n3A_1496 = arith.select %eq3A_1490, %broadcast_in_dim3A_1495, %select_n3A_1487 : vector<16xi1>, vector<16xf32>
        %eq3A_1497 = arith.constant 15 : i32
        %eq3A_1498 = vector.broadcast %eq3A_1497 : i32 to vector<16xi32>
        %eq3A_1499 = arith.cmpi eq, %iota3A, %eq3A_1498 : vector<16xi32>
        %reduce_sum3A_1500 = arith.constant true
        %reduce_sum3A_1501 = vector.broadcast %reduce_sum3A_1500 : i1 to vector<16xi1>
        %reduce_sum3A_1502 = tpu.scan <sum>, %add3A_1359 masked %reduce_sum3A_1501 : vector<16xf32>, vector<16xi1> -> vector<16xf32>
        %reduce_sum3A_1503 = vector.extract %reduce_sum3A_1502[15] : f32 from vector<16xf32>
        %broadcast_in_dim3A_1504 = vector.broadcast %reduce_sum3A_1503 : f32 to vector<16xf32>
        %select_n3A_1505 = arith.select %eq3A_1499, %broadcast_in_dim3A_1504, %select_n3A_1496 : vector<16xi1>, vector<16xf32>
        %max3A_1506 = arith.constant 9.99999996E-13 : f32
        %max3A_1507 = vector.broadcast %max3A_1506 : f32 to vector<16xf32>
        %max3A_1508 = arith.maximumf %select_n3A_1505, %max3A_1507 : vector<16xf32>
        %bitcast3A_1509 = vector.bitcast %max3A_1508 : vector<16xf32> to vector<16xi32>
        %shift_right_logical3A_1510 = arith.constant 1 : i32
        %shift_right_logical3A_1511 = vector.broadcast %shift_right_logical3A_1510 : i32 to vector<16xi32>
        %shift_right_logical3A_1512 = arith.shrui %bitcast3A_1509, %shift_right_logical3A_1511 : vector<16xi32>
        %sub3A_1513 = arith.constant 1597463007 : i32
        %sub3A_1514 = vector.broadcast %sub3A_1513 : i32 to vector<16xi32>
        %sub3A_1515 = arith.subi %sub3A_1514, %shift_right_logical3A_1512 : vector<16xi32>
        %bitcast3A_1516 = vector.bitcast %sub3A_1515 : vector<16xi32> to vector<16xf32>
        %mul3A_1517 = arith.constant 5.000000e-01 : f32
        %mul3A_1518 = vector.broadcast %mul3A_1517 : f32 to vector<16xf32>
        %mul3A_1519 = arith.mulf %mul3A_1518, %max3A_1508 : vector<16xf32>
        %mul3A_1520 = arith.mulf %mul3A_1519, %bitcast3A_1516 : vector<16xf32>
        %mul3A_1521 = arith.mulf %mul3A_1520, %bitcast3A_1516 : vector<16xf32>
        %sub3A_1522 = arith.constant 1.500000e+00 : f32
        %sub3A_1523 = vector.broadcast %sub3A_1522 : f32 to vector<16xf32>
        %sub3A_1524 = arith.subf %sub3A_1523, %mul3A_1521 : vector<16xf32>
        %mul3A_1525 = arith.mulf %bitcast3A_1516, %sub3A_1524 : vector<16xf32>
        %mul3A_1526 = arith.constant 5.000000e-01 : f32
        %mul3A_1527 = vector.broadcast %mul3A_1526 : f32 to vector<16xf32>
        %mul3A_1528 = arith.mulf %mul3A_1527, %max3A_1508 : vector<16xf32>
        %mul3A_1529 = arith.mulf %mul3A_1528, %mul3A_1525 : vector<16xf32>
        %mul3A_1530 = arith.mulf %mul3A_1529, %mul3A_1525 : vector<16xf32>
        %sub3A_1531 = arith.constant 1.500000e+00 : f32
        %sub3A_1532 = vector.broadcast %sub3A_1531 : f32 to vector<16xf32>
        %sub3A_1533 = arith.subf %sub3A_1532, %mul3A_1530 : vector<16xf32>
        %mul3A_1534 = arith.mulf %mul3A_1525, %sub3A_1533 : vector<16xf32>
        %mul3A_1535 = arith.mulf %select_n3A_1505, %mul3A_1534 : vector<16xf32>
        %mul3A_1536 = arith.constant 16 : i32
        %mul3A_1537 = arith.muli %add3A_818, %mul3A_1536 : i32
        %swap3A_1538 = arith.index_cast %add3A_80 : i32 to index
        %swap3A_1539 = arith.index_cast %mul3A_1537 : i32 to index
        %swap3A_1540 = tpu.vector_load %arg14[%swap3A_1538, %swap3A_1539] {strides = array<i32>} : memref<32x128xf32, #tpu.memory_space<vmem>>, vector<16xf32>,
        tpu.vector_store %arg14[%swap3A_1538, %swap3A_1539], %mul3A_1535 {strides = array<i32>} : memref<32x128xf32, #tpu.memory_space<vmem>>, vector<16xf32>,
        %add3A_1541 = arith.addf %add3A_814, %mul3A_1535 : vector<16xf32>
        scf.yield %add3A_1541 : vector<16xf32>
      }
      %scan3A_90 = arith.constant 4 : i32
      %ne3A_91 = arith.constant 15 : i32
      %ne3A_92 = arith.cmpi ne, %scan3A_40, %ne3A_91 : i32
      %convert_element_type3A_93 = arith.extui %ne3A_92 : i1 to i32
      %cond3A_94 = arith.constant 0 : i32
      %cond3A_95 = arith.cmpi ne, %convert_element_type3A_93, %cond3A_94 : i32
      scf.if %cond3A_95 {
        %mul3A_96 = arith.constant 2 : i32
        %mul3A_97 = arith.muli %mul3A_96, %scan3A_40 : i32
        %add3A_98 = arith.constant 3 : i32
        %add3A_99 = arith.addi %mul3A_97, %add3A_98 : i32
        %dma_start3A_100 = arith.constant 0 : i32
        %dma_start3A_101 = tpu.memref_slice %arg6[%add3A_99, %dma_start3A_100] : memref<32x128xi32, #tpu.memory_space<vmem>> -> memref<1x128xi32, #tpu.memory_space<vmem>>
        %dma_start3A_102 = tpu.memref_squeeze %dma_start3A_101 : memref<1x128xi32, #tpu.memory_space<vmem>> -> memref<128xi32, #tpu.memory_space<vmem>>
        %dma_start3A_103 = arith.constant 0 : i32
        %dma_start3A_104 = arith.constant 0 : i32
        %dma_start3A_105 = tpu.memref_slice %arg2[%scan3A, %dma_start3A_103, %dma_start3A_104] : memref<1x16384x64xf32, #tpu.memory_space<hbm>> -> memref<1x16384x64xf32, #tpu.memory_space<hbm>>
        %dma_start3A_106 = tpu.memref_squeeze %dma_start3A_105 : memref<1x16384x64xf32, #tpu.memory_space<hbm>> -> memref<16384x64xf32, #tpu.memory_space<hbm>>
        %dma_start3A_107 = arith.constant 0 : i32
        %dma_start3A_108 = arith.constant 0 : i32
        %dma_start3A_109 = tpu.memref_slice %dma_start3A_106[%dma_start3A_107, %dma_start3A_108] : memref<16384x64xf32, #tpu.memory_space<hbm>> -> memref<16384x64xf32, #tpu.memory_space<hbm>>
        tpu.enqueue_indirect_dma source(%dma_start3A_109 : memref<16384x64xf32, #tpu.memory_space<hbm>>) target(%arg9 : memref<128x64xf32, #tpu.memory_space<vmem>>) offsets(%dma_start3A_102 : memref<128xi32, #tpu.memory_space<vmem>>) semaphore(%arg17 : memref<!tpu.dma_semaphore, #tpu.memory_space<semaphore_mem>>)
      } else {
      }
      scf.yield %scan3A_89 : vector<16xf32>
    }
    %scan3A_34 = arith.constant 16 : i32
    %swap3A = arith.constant 0 : i32
    %swap3A_35 = arith.index_cast %swap3A : i32 to index
    %swap3A_36 = arith.constant 0 : index
    %swap3A_37 = tpu.vector_load %arg15[%swap3A_35, %swap3A_36] {strides = array<i32>} : memref<1x16xf32, #tpu.memory_space<vmem>>, vector<16xf32>,
    tpu.vector_store %arg15[%swap3A_35, %swap3A_36], %scan3A_33 {strides = array<i32>} : memref<1x16xf32, #tpu.memory_space<vmem>>, vector<16xf32>,
    %mul3A_38 = arith.constant 32 : i32
    %mul3A_39 = arith.muli %add3A, %mul3A_38 : i32
    "tpu.region"() ({
      %run_scoped3A_40 = tpu.sem_alloc : memref<!tpu.dma_semaphore, #tpu.memory_space<semaphore_mem>>
      %dma_start3A_41 = arith.constant 0 : i32
      %dma_start3A_42 = tpu.memref_slice %arg4[%mul3A_39, %dma_start3A_41] : memref<1024x128xf32, #tpu.memory_space<hbm>> -> memref<32x128xf32, #tpu.memory_space<hbm>>
      %dma_start3A_43 = arith.constant 0 : i32
      %dma_start3A_44 = tpu.memref_slice %arg4[%mul3A_39, %dma_start3A_43] : memref<1024x128xf32, #tpu.memory_space<hbm>> -> memref<32x128xf32, #tpu.memory_space<hbm>>
      tpu.enqueue_dma source(%arg14 : memref<32x128xf32, #tpu.memory_space<vmem>>) target(%dma_start3A_44 : memref<32x128xf32, #tpu.memory_space<hbm>>) target_semaphore(%run_scoped3A_40 : memref<!tpu.dma_semaphore, #tpu.memory_space<semaphore_mem>>)
      %dma_wait3A = arith.constant 0 : i32
      %dma_wait3A_45 = tpu.memref_slice %arg4[%mul3A_39, %dma_wait3A] : memref<1024x128xf32, #tpu.memory_space<hbm>> -> memref<32x128xf32, #tpu.memory_space<hbm>>
      %dma_wait3A_46 = arith.constant 0 : i32
      %dma_wait3A_47 = tpu.memref_slice %arg4[%mul3A_39, %dma_wait3A_46] : memref<1024x128xf32, #tpu.memory_space<hbm>> -> memref<32x128xf32, #tpu.memory_space<hbm>>
      tpu.wait_dma2 semaphore(%run_scoped3A_40 : memref<!tpu.dma_semaphore, #tpu.memory_space<semaphore_mem>>) src(%arg14 : memref<32x128xf32, #tpu.memory_space<vmem>>) dst(%dma_wait3A_47 : memref<32x128xf32, #tpu.memory_space<hbm>>)
      tpu.yield
    }) : () -> ()
    "tpu.region"() ({
      %run_scoped3A_40 = tpu.sem_alloc : memref<!tpu.dma_semaphore, #tpu.memory_space<semaphore_mem>>
      %dma_start3A_41 = arith.constant 0 : i32
      %dma_start3A_42 = tpu.memref_slice %arg5[%add3A, %dma_start3A_41] : memref<32x16xf32, #tpu.memory_space<hbm>> -> memref<1x16xf32, #tpu.memory_space<hbm>>
      %dma_start3A_43 = arith.constant 0 : i32
      %dma_start3A_44 = tpu.memref_slice %arg5[%add3A, %dma_start3A_43] : memref<32x16xf32, #tpu.memory_space<hbm>> -> memref<1x16xf32, #tpu.memory_space<hbm>>
      tpu.enqueue_dma source(%arg15 : memref<1x16xf32, #tpu.memory_space<vmem>>) target(%dma_start3A_44 : memref<1x16xf32, #tpu.memory_space<hbm>>) target_semaphore(%run_scoped3A_40 : memref<!tpu.dma_semaphore, #tpu.memory_space<semaphore_mem>>)
      %dma_wait3A = arith.constant 0 : i32
      %dma_wait3A_45 = tpu.memref_slice %arg5[%add3A, %dma_wait3A] : memref<32x16xf32, #tpu.memory_space<hbm>> -> memref<1x16xf32, #tpu.memory_space<hbm>>
      %dma_wait3A_46 = arith.constant 0 : i32
      %dma_wait3A_47 = tpu.memref_slice %arg5[%add3A, %dma_wait3A_46] : memref<32x16xf32, #tpu.memory_space<hbm>> -> memref<1x16xf32, #tpu.memory_space<hbm>>
      tpu.wait_dma2 semaphore(%run_scoped3A_40 : memref<!tpu.dma_semaphore, #tpu.memory_space<semaphore_mem>>) src(%arg15 : memref<1x16xf32, #tpu.memory_space<vmem>>) dst(%dma_wait3A_47 : memref<1x16xf32, #tpu.memory_space<hbm>>)
      tpu.yield
    }) : () -> ()
    return
  }
}

</mosaic_0001>

<sc_bundles>
// kernel: kernel.3.cloned.1.call-start
scs
__scs_entry_jumppad:
0x0: {  	(pc) =	sbr.rel $0x88, $3  }
0x1: {  	(tag) =	ssettag $0x0;
	lr =	simm.s32 $0x1  }
0x2: {  	[smem:$0x3F9F] =	sst lr;
	_ =	strace $0xD0000000  }
0x3: {  	_ = 	snop  }
0x4: {  	_ = 	snop  }
0x5: {  	_ = 	snop  }
0x6: {  	_ = 	snop  }
0x7: {  	_ = 	snop  }
__scs_overlays_trampoline_lowered:
0x8: {  	[smem:$0x3FAE] =	sst s0  }
0x9: {  	[smem:$0x3FAF] =	sst s1  }
0xa: {  	[smem:$0x3FB0] =	sst s2  }
0xb: {  	[smem:$0x3FB1] =	sst s3  }
0xc: {  	[smem:$0x3FB2] =	sst s4  }
0xd: {  	[smem:$0x3FB3] =	sst s5  }
0xe: {  	[smem:$0x3FB4] =	sst s6  }
0xf: {  	[smem:$0x3FB5] =	sst s7  }
0x10: {  	[smem:$0x3FB6] =	sst s8  }
0x11: {  	[smem:$0x3FB7] =	sst s9;
	s0 =	simm.s32 @!p0 $0x0  }
0x12: {  	s1 =	sld [smem:$0x3F9D];
	s0 =	simm.s32 @p0 $0x1  }
0x13: {  	[smem:$0x3FB8] =	sst s0;
	s0 =	simm.s32 @!p1 $0x0  }
0x14: {  	s2 =	sld [smem:$0x3F9C];
	s0 =	simm.s32 @p1 $0x1  }
0x15: {  	[smem:$0x3FB9] =	sst s0;
	s0 =	simm.s32 @!p2 $0x0  }
0x16: {  	s3 =	sld [smem:$0x3FDB];
	s0 =	simm.s32 @p2 $0x1  }
0x17: {  	s4 =	simm.s32 $0x1BF5;
	[smem:$0x3FBB] =	sst s0  }
0x18: {  	s0 =	sld [smem:$0x3F9E];
	_ =	swait.ge [sflag:s4], $0x0  }
0x19: {  	s7 =	sld [smem:$0x3F9F]  }
0x1a: {  	s8 =	sadd.s32 $0xFFFFE003, lr  }
0x1b: {  	s9 =	sadd.s32 $0xFFFFFEF7, lr;
	s5 =	simm.s32 $0xFFFFFFFF;
	p2 =	slt.u32 s8, $0xFFFFF086  }
0x1c: {  	p1 =	slt.u32 s9, $0xF7A;
	s5 =	simm.s32 @!p2 $0x0  }
0x1d: {  	s5 =	simm.s32 @p1 $0x1;
	p0 =	seq.s32 s7, s2  }
0x1e: {  	s7 =	smul.u32 @!p0 $0xF7A, s2;
	p2 =	seq.s32 @!p0 s5, $0x0  }
0x1f: {  	s9 =	smul.u32 $0xF7A, s1;
	s8 =	simm.s32 @!p0 $0x1BF5;
	p2 =	por !p2, p0  }
0x20: {  	[sflag:s8] =	ssyncset.s32 @!p0 $0xFFFFF086;
	s6 =	sadd.s32 @!p0 s3, s7;
	s7 =	simm.s32 @!p0 $0x108  }
0x21: {  	s3 =	sadd.s32 s3, s9;
	s6 =	sadd.s32 @!p0 $0x88, s6;
	s7 =	simm.s32 @p2 $0x1082  }
0x22: {  	[simem:s7], [sflag:s8] =	dma.local @!p0 [hbm:s6], $0xF7A  }
0x23: {  	s9 =	sor.u32 $0xD0000000, s2;
	s6 =	simm.s32 $0x108;
	_ =	swait.ge @!p0 [sflag:s8], $0x0  }
0x24: {  	s3 =	sadd.s32 $0x88, s3;
	s6 =	simm.s32 @!p1 $0x1082;
	[sflag:s4] =	ssyncset.s32 $0xFFFFF086  }
0x25: {  	[simem:s6], [sflag:s4] =	dma.local [hbm:s3], $0xF7A  }
0x26: {  	[smem:$0x3F9F] =	sst s1;
	(tag) =	ssettag s2;
	_ =	strace s9  }
0x27: {  	s1 =	sld [smem:$0x3FAF]  }
0x28: {  	s2 =	sld [smem:$0x3FB0]  }
0x29: {  	s4 =	sld [smem:$0x3FB2]  }
0x2a: {  	p0 =	seq.s32 s5, $0x0;
	s5 =	sld [smem:$0x3FB3]  }
0x2b: {  	s6 =	sld [smem:$0x3FB4]  }
0x2c: {  	s7 =	sld [smem:$0x3FB5]  }
0x2d: {  	s3 =	simm.s32 $0x108;
	s8 =	sld [smem:$0x3FB6]  }
0x2e: {  	s3 =	simm.s32 @!p0 $0x1082;
	s9 =	sld [smem:$0x3FB7]  }
0x2f: {  	lr =	sadd.s32 s0, s3;
	s0 =	sld [smem:$0x3FAE]  }
0x30: {  	s3 =	sld [smem:$0x3FB1]  }
0x31: {  	[smem:$0x3FBA] =	sst s10  }
0x32: {  	s10 =	sld [smem:$0x3FB8];
	_ =	sdelay $0x3  }
0x33: {  	p0 =	seq.s32 s10, $0x1;
	s10 =	sld [smem:$0x3FBA];
	_ =	sdelay $0x3  }
0x34: {  	[smem:$0x3FBA] =	sst s10  }
0x35: {  	s10 =	sld [smem:$0x3FB9];
	_ =	sdelay $0x3  }
0x36: {  	p1 =	seq.s32 s10, $0x1;
	s10 =	sld [smem:$0x3FBA];
	_ =	sdelay $0x3  }
0x37: {  	[smem:$0x3FBA] =	sst s10  }
0x38: {  	s10 =	sld [smem:$0x3FBB]  }
0x39: {  	_ = 	snop;
	(pc) =	sbr.ind lr, $3  }
0x3a: {  	_ = 	snop  }
0x3b: {  	_ = 	snop  }
0x3c: {  	p2 =	seq.s32 s10, $0x1;
	s10 =	sld [smem:$0x3FBA]  }
0x3d: {  	_ =	shalt  }
0x3e: {  	_ =	shalt  }
0x3f: {  	_ =	shalt  }
0x40: {  	_ =	shalt  }
0x41: {  	_ =	shalt  }
0x42: {  	_ =	shalt  }
0x43: {  	_ =	shalt  }
0x44: {  	_ =	shalt  }
0x45: {  	_ =	shalt  }
0x46: {  	_ =	shalt  }
0x47: {  	_ =	shalt  }
0x48: {  	_ =	shalt  }
0x49: {  	_ =	shalt  }
0x4a: {  	_ =	shalt  }
0x4b: {  	_ =	shalt  }
0x4c: {  	_ =	shalt  }
0x4d: {  	_ =	shalt  }
0x4e: {  	_ =	shalt  }
0x4f: {  	_ =	shalt  }
0x50: {  	_ =	shalt  }
0x51: {  	_ =	shalt  }
0x52: {  	_ =	shalt  }
0x53: {  	_ =	shalt  }
0x54: {  	_ =	shalt  }
0x55: {  	_ =	shalt  }
0x56: {  	_ =	shalt  }
0x57: {  	_ =	shalt  }
0x58: {  	_ =	shalt  }
0x59: {  	_ =	shalt  }
0x5a: {  	_ =	shalt  }
0x5b: {  	_ =	shalt  }
0x5c: {  	_ =	shalt  }
0x5d: {  	_ =	shalt  }
0x5e: {  	_ =	shalt  }
0x5f: {  	_ =	shalt  }
0x60: {  	_ =	shalt  }
0x61: {  	_ =	shalt  }
0x62: {  	_ =	shalt  }
0x63: {  	_ =	shalt  }
0x64: {  	_ =	shalt  }
0x65: {  	_ =	shalt  }
0x66: {  	_ =	shalt  }
0x67: {  	_ =	shalt  }
0x68: {  	_ =	shalt  }
0x69: {  	_ =	shalt  }
0x6a: {  	_ =	shalt  }
0x6b: {  	_ =	shalt  }
0x6c: {  	_ =	shalt  }
0x6d: {  	_ =	shalt  }
0x6e: {  	_ =	shalt  }
0x6f: {  	_ =	shalt  }
0x70: {  	_ =	shalt  }
0x71: {  	_ =	shalt  }
0x72: {  	_ =	shalt  }
0x73: {  	_ =	shalt  }
0x74: {  	_ =	shalt  }
0x75: {  	_ =	shalt  }
0x76: {  	_ =	shalt  }
0x77: {  	_ =	shalt  }
0x78: {  	_ =	shalt  }
0x79: {  	_ =	shalt  }
0x7a: {  	_ =	shalt  }
0x7b: {  	_ =	shalt  }
0x7c: {  	_ =	shalt  }
0x7d: {  	_ =	shalt  }
0x7e: {  	_ =	shalt  }
0x7f: {  	_ =	shalt  }
0x80: {  	_ =	shalt  }
0x81: {  	_ =	shalt  }
0x82: {  	_ =	shalt  }
0x83: {  	_ =	shalt  }
0x84: {  	_ =	shalt  }
0x85: {  	_ =	shalt  }
0x86: {  	_ =	shalt  }
0x87: {  	_ =	shalt  }
.Lfunc_end0:
.L_simem_size_0:
called_computation_lowered:
.L_overlay_start_0:
0x88: {  	s2 =	sld [smem:$0x3FD9]  }
0x89: {  	s3 =	sld [smem:$0x3FFE];
	_ =	sdelay $0x1  }
0x8a: {  	s1 =	srdreg.scid  }
0x8b: {  	s0 =	sand.u32 $0x1, s1  }
0x8c: {  	s14 =	sshll.u32 s0, $0xA;
	s2 =	sadd.s32 s3, s2  }
0x8d: {  	s2 =	sadd.s32 s2, s14  }
0x8e: {  	[smem:$0x3FC6] =	sst s2  }
0x8f: {  	_ = 	snop  }
0x90: {  	s2 =	sld [smem:$0x3FD0];
	_ =	sdelay $0x2  }
0x91: {  	s15 =	simm.s32 $0xA;
	s4 =	simm.s32 $0x10  }
0x92: {  	[smem:s4], [sflag:s15] =	dma.local [hbm:s2], $0x1  }
0x93: {  	_ =	swait.eq [sflag:s15], $0x1  }
0x94: {  	[sflag:s15] =	ssyncset.done $0x0  }
0x95: {  	[sflag:s15] =	ssyncadd.s32 $0xFFFFFFFF  }
0x96: {  	s16 =	sld [smem:$0x11];
	(tm) =	ssettm $0x1  }
0x97: {  	s17 =	sld [smem:$0x3FFB];
	_ =	sdelay $0x3  }
0x98: {  	_ =	strace s17  }
0x99: {  	s3 =	sld [smem:$0x3FFC];
	_ =	sdelay $0x3  }
0x9a: {  	_ =	strace s3  }
0x9b: {  	s3 =	sld [smem:$0x3FFD];
	_ =	sdelay $0x3  }
0x9c: {  	_ =	strace s3  }
0x9d: {  	_ =	strace $0x8FFFFFFF  }
0x9e: {  	s18 =	sld [smem:$0x3FDB];
	_ =	sdelay $0x1  }
0x9f: {  	s19 =	simm.s32 $_scs_section_size  }
0xa0: {  	s5 =	simm.s32 $_size__tile_overlayer_lowered;
	s6 =	simm.s32 $_tile_overlayer_lowered  }
0xa1: {  	s22 =	simm.s32 $0x1BFF;
	s21 =	sshll.u32 s6, $0x1;
	s3 =	sadd.s32 s19, s18  }
0xa2: {  	s7 =	simm.s32 $0x0;
	s20 =	sshll.u32 s5, $0x1;
	s5 =	sadd.s32 s21, s3  }
0xa3: {  	[timem:s7], [sflag:s22] =	dma.local [hbm:s5], s20  }
0xa4: {  	_ =	swait.ge [sflag:s22], s20  }
0xa5: {  	s4 =	ssub.s32 $0x0, s20;
	[sflag:s22] =	ssyncset.done $0x0  }
0xa6: {  	[sflag:s22] =	ssyncadd.s32 s4;
	_ =	sdelay $0x1  }
0xa7: {  	s23 =	simm.s32 $0x1B8B  }
0xa8: {  	_ =	swait.ge [sflag:s23], $0x1  }
0xa9: {  	[sflag:s23] =	ssyncset.done $0x0  }
0xaa: {  	s25 =	simm.s32 $0x1B8E;
	s24 =	sld [smem:$0x3FFE];
	[sflag:s23] =	ssyncadd.s32 $0xFFFFFFFF  }
0xab: {  	s26 =	simm.s32 $execute0_lowered;
	[smem:$0x3FD2] =	sst s25  }
0xac: {  	s5 =	sshll.u32 s26, $0x1;
	_ =	strace $0x80000046;
	[dreg:$0x1] =	wrdreg $0xFFFFFFFF  }
0xad: {  	s28 =	simm.s32 $_size_execute0_lowered;
	s3 =	sadd.s32 s3, s5;
	[dreg:$0x0] =	wrdreg $0x0  }
0xae: {  	s5 =	sshll.u32 s28, $0x1;
	[dreg:$0x2] =	wrdreg s3  }
0xaf: {  	[dreg:$0x3] =	wrdreg s5  }
0xb0: {  	[dreg:$0x4] =	wrdreg $0xC0  }
0xb1: {  	_ =	task [dreg:s7], $0x5FFFF  }
0xb2: {  	[dreg:$0x1] =	wrdreg $0xFFFFFFFF  }
0xb3: {  	[dreg:$0x0] =	wrdreg $0x60  }
0xb4: {  	[dreg:$0x2] =	wrdreg s24  }
0xb5: {  	[dreg:$0x3] =	wrdreg s16  }
0xb6: {  	[dreg:$0x4] =	wrdreg $0x9  }
0xb7: {  	_ =	task.clear_ibuf [dreg:s7], $0x5FFFF;
	_ =	strace $0x90000046  }
0xb8: {  	s29 =	simm.s32 $0x9;
	_ =	strace $0x80000048  }
0xb9: {  	_ =	swait.ge [sflag:s29], $0x1  }
0xba: {  	[sflag:s29] =	ssyncadd.s32 $0xFFFFFFFF  }
0xbb: {  	_ =	strace $0x90000048  }
0xbc: {  	_ =	sfence  }
0xbd: {  	s30 =	sld [smem:$0x0];
	_ =	sdelay $0x2  }
0xbe: {  	s31 =	sshll.u32 s1, $0xD;
	s1 =	sshrl.u32 s1, $0x2  }
0xbf: {  	s3 =	sand.u32 $0x4000, s31;
	s1 =	sadd.s32 s1, s30  }
0xc0: {  	s0 =	sor.u32 s3, s0;
	s1 =	sshll.u32 s1, $0x11  }
0xc1: {  	s0 =	sor.u32 s1, s0  }
0xc2: {  	s0 =	sadd.s32 $0x8F2B, s0  }
0xc3: {  	[sflag:s0] =	ssyncadd.remote.s32 $0x1  }
0xc4: {  	_ =	sfence.sel $0xFFFF  }
0xc5: {  	[dreg:$0x0] =	wrdreg $0xFFFFFFFF;
	(pc) =	sbr.abs _section_cstart, $3  }
0xc6: {  	[dreg:$0x1] =	wrdreg $0xFFFFFFFF  }
0xc7: {  	_ =	task.clear_ibuf [dreg:s7], $0x2FFFF;
	_ =	strace $0x9FFFFFFF  }
0xc8: {  	(tm) =	ssettm $0x7FFFFFFF  }
0xc9: {  	_ =	shalt  }
tec
execute0_lowered:
.L_overlay_start_1:
0x0: {  	(tag) =	ssettag $0x1  }
0x1: {  	s4 =	rddreg [dreg:$0x0]  }
0x2: {  	s5 =	rddreg [dreg:$0x1]  }
0x3: {  	s0 =	rddreg [dreg:$0x2]  }
0x4: {  	s2 =	simm.s32 $0x0;
	s3 =	srdreg.scid;
	s1 =	stileid.u32  }
0x5: {  	s12 =	simm.s32 $0x9000;
	s13 =	simm.s32 $0xB000;
	s14 =	simm.s32 $0x1  }
0x6: {  	s15 =	simm.s32 $0x2;
	s16 =	simm.s32 $0xD000;
	s17 =	simm.s32 $0xE000  }
0x7: {  	s18 =	simm.s32 $0x0;
	s6 =	sand.u32 $0x1, s3;
	s30 =	sshll.u32 s1, $0x1  }
0x8: {  	[smem:$0x7FF] =	sst s2;
	s3 =	sadd.s32 $0x600, s4;
	s7 =	sor.u32 s6, s30  }
0x9: {  	_ =	strace $0x80000047;
	s6 =	ssub.s32 $0x2, s6;
	s8 =	sshll.u32 s7, $0x9  }
.Ltmp0:
0xa: {  	vm0 =	vmmov $0x1;
	vm1 =	vmmov $0x3;
	vm2 =	vmmov $0x7;
	s10 =	sshll.u32 s7, $0x1;
	s11 =	sshrl.u32 s6, $0x1;
	(pc) =	sbr.rel .LBB2_1-.Ltmp0, $4  }
0xb: {  	vm3 =	vmmov $0xf;
	vm4 =	vmmov $0x1f;
	vm5 =	vmmov $0x3f;
	s31 =	sshll.u32 s7, $0xC;
	s9 =	sadd.s32 s8, s4;
	s10 =	sadd.s32 s10, s4  }
0xc: {  	vm6 =	vmmov $0x7f;
	vm7 =	vmmov $0xff;
	vm8 =	vmmov $0x1ff;
	s11 =	ssub.s32 s6, s11;
	s4 =	sadd.s32 s5, s8;
	s5 =	sadd.s32 s3, s31  }
0xd: {  	vm9 =	vmmov $0x3ff;
	vm10 =	vmmov $0x7ff;
	vm11 =	vmmov $0xfff;
	s6 =	sadd.s32 $0x20800, s9;
	s7 =	sadd.s32 $0x20600, s10;
	s8 =	smax.u32 s11, $0x1  }
0xe: {  	vm12 =	vmmov $0x1fff;
	vm13 =	vmmov $0x3fff;
	vm14 =	vmmov $0x7fff;
	s9 =	simm.s32 $0x3;
	s10 =	simm.s32 $0x1000;
	s11 =	simm.s32 $0x80  }
.LBB2_8:
0xf: {  	_ = 	snop  }
0x10: {  	[tilespmem:$0xE000] =	vst v0  }
0x11: {  	[hbm4b:s6+s2] =	stream.linear.scatter [tilespmem:s16], [sflag:$0x3], $0x1000, $0x38;
	[tilespmem:$0xE010] =	vst v63  }
0x12: {  	s18 =	sadd.s32 $0x1, s18;
	_ =	swait.ge [sflag:s9], $0x1000  }
0x13: {  	p0 =	sne.s32 s18, s8;
	[sflag:s9] =	ssyncset.done $0x0  }
.Ltmp1:
0x14: {  	[sflag:s9] =	ssyncadd.s32 $0xFFFFF000;
	(pc) =	sbr.rel @!p0 .LBB2_9-.Ltmp1, $4  }
0x15: {  	[hbm4b:s7+s2] =	stream.linear.scatter [tilespmem:s17], [sflag:$0x3], $0x10, $0x38;
	[tilespmem:$0xE010] =	vst v63  }
0x16: {  	_ =	swait.ge [sflag:s9], $0x10  }
0x17: {  	[sflag:s9] =	ssyncset.done $0x0  }
0x18: {  	[sflag:s9] =	ssyncadd.s32 $0xFFFFFFF0  }
.LBB2_1:
0x19: {  	[tilespmem:s2], [sflag:$0x3] =	stream.linear.gather [hbm4b:s4+s2], $0x1000, $0x38;
	[tilespmem:$0xE010] =	vst v63  }
0x1a: {  	_ =	swait.ge [sflag:s9], $0x1000  }
0x1b: {  	[sflag:s9] =	ssyncset.done $0x0  }
0x1c: {  	[sflag:s9] =	ssyncadd.s32 $0xFFFFF000  }
0x1d: {  	[tilespmem:s10], [sflag:$0x3] =	stream.linear.gather [hbm4b:s5+s2], $0x8000, $0x38;
	[tilespmem:$0xE010] =	vst v63  }
0x1e: {  	_ =	swait.ge [sflag:s9], $0x8000  }
0x1f: {  	[sflag:s9] =	ssyncset.done $0x0  }
0x20: {  	s19 =	simm.s32 $0xD010;
	s20 =	simm.s32 $0x1080;
	[sflag:s9] =	ssyncadd.s32 $0xFFFF8000  }
0x21: {  	[tilespmem:s12], [sflag:$0x1] =	stream.indirect.gather [hbm4b:s3+s11], $0x40, s2, s11, $0xb8;
	[tilespmem:$0xE010] =	vst v63  }
0x22: {  	s21 =	simm.s32 $0xD090;
	s22 =	simm.s32 $0x14F0;
	s23 =	simm.s32 $0x0  }
0x23: {  	v0 =	vimm.f32 $0.0e+00;
	[tilespmem:s13], [sflag:$0x2] =	stream.indirect.gather [hbm4b:s3+s11], $0x40, s11, s11, $0xb8;
	[tilespmem:$0xE010] =	vst v63  }
.LBB2_2:
0x24: {  	_ =	swait.ge [sflag:s14], $0x2000  }
0x25: {  	s24 =	sshll.u32 s23, $0xA;
	s25 =	simm.s32 $0x0;
	[sflag:s14] =	ssyncset.done $0x0  }
0x26: {  	s26 =	simm.s32 $0x9400;
	v1 =	vmov s19;
	s28 =	smov.u32 s20;
	[sflag:s14] =	ssyncadd.s32 $0xFFFFE000  }
.LBB2_3:
0x27: {  	v2 =	vld [tilespmem:s28+$0xFFFFFF80]  }
0x28: {  	v3 =	vld [tilespmem:s28+$0xFFFFFFC0]  }
0x29: {  	v4 =	vld [tilespmem:s26+$0xFFFFFC00]  }
0x2a: {  	v5 =	vld [tilespmem:s26+$0xFFFFFC40]  }
0x2b: {  	v6 =	vld [tilespmem:s26+$0xFFFFFC80]  }
0x2c: {  	v7 =	vld [tilespmem:s26+$0xFFFFFCC0]  }
0x2d: {  	v8 =	vld [tilespmem:s26+$0xFFFFFD00]  }
0x2e: {  	v9 =	vld [tilespmem:s26+$0xFFFFFD40]  }
0x2f: {  	v10 =	vld [tilespmem:s26+$0xFFFFFD80]  }
0x30: {  	v11 =	vld [tilespmem:s26+$0xFFFFFDC0]  }
0x31: {  	v12 =	vld [tilespmem:s26+$0xFFFFFE00]  }
0x32: {  	v13 =	vld [tilespmem:s26+$0xFFFFFE40]  }
0x33: {  	v14 =	vld [tilespmem:s26+$0xFFFFFE80]  }
0x34: {  	v15 =	vld [tilespmem:s26+$0xFFFFFEC0]  }
0x35: {  	v16 =	vld [tilespmem:s26+$0xFFFFFF00]  }
0x36: {  	v17 =	vld [tilespmem:s26+$0xFFFFFF40]  }
0x37: {  	v18 =	vld [tilespmem:s26+$0xFFFFFF80]  }
0x38: {  	v19 =	vld [tilespmem:s26+$0xFFFFFFC0]  }
0x39: {  	v20 =	vld [tilespmem:s28+$0xFFFFFF90]  }
0x3a: {  	v21 =	vld [tilespmem:s28+$0xFFFFFFD0]  }
0x3b: {  	v23 =	vld [tilespmem:s26+$0xFFFFFC50]  }
0x3c: {  	v24 =	vld [tilespmem:s26+$0xFFFFFC90]  }
0x3d: {  	v47 =	vld [tilespmem:s26+$0xFFFFFCD0]  }
0x3e: {  	v25 =	vld [tilespmem:s26+$0xFFFFFD10];
	v4 =	vsub.f32 v2, v4;
	v5 =	vsub.f32 v2, v5  }
0x3f: {  	v48 =	vld [tilespmem:s26+$0xFFFFFD50];
	v6 =	vsub.f32 v2, v6;
	v7 =	vsub.f32 v2, v7  }
0x40: {  	v27 =	vld [tilespmem:s26+$0xFFFFFD90];
	v8 =	vsub.f32 v2, v8;
	v9 =	vsub.f32 v2, v9  }
0x41: {  	v50 =	vld [tilespmem:s26+$0xFFFFFDD0];
	v10 =	vsub.f32 v2, v10;
	v2 =	vsub.f32 v2, v11  }
0x42: {  	v29 =	vld [tilespmem:s26+$0xFFFFFE10];
	v46 =	vsub.f32 v3, v12;
	v13 =	vsub.f32 v3, v13  }
0x43: {  	v30 =	vld [tilespmem:s26+$0xFFFFFE50];
	v14 =	vsub.f32 v3, v14;
	v16 =	vsub.f32 v3, v16  }
0x44: {  	v53 =	vld [tilespmem:s26+$0xFFFFFED0];
	v49 =	vsub.f32 v20, v23;
	v17 =	vsub.f32 v3, v17  }
0x45: {  	v57 =	vld [tilespmem:s26+$0xFFFFFF50];
	v24 =	vsub.f32 v20, v24;
	v18 =	vsub.f32 v3, v18  }
0x46: {  	v31 =	vld [tilespmem:s28+$0xFFFFFFA0];
	v12 =	vsub.f32 v20, v47;
	v54 =	vsub.f32 v20, v25  }
0x47: {  	v32 =	vld [tilespmem:s26+$0xFFFFFC20];
	v56 =	vsub.f32 v20, v27;
	v58 =	vsub.f32 v20, v50;
	v4 =	vmul.f32 v4, v4  }
0x48: {  	v52 =	vld [tilespmem:s26+$0xFFFFFE90];
	v61 =	vsub.f32 v21, v29;
	v5 =	vmul.f32 v5, v5;
	v6 =	vmul.f32 v6, v6  }
0x49: {  	v55 =	vld [tilespmem:s26+$0xFFFFFF10];
	v30 =	vsub.f32 v21, v30;
	v7 =	vmul.f32 v7, v7;
	v8 =	vmul.f32 v8, v8  }
0x4a: {  	v34 =	vld [tilespmem:s26+$0xFFFFFC60];
	v33 =	vsub.f32 v21, v53;
	v9 =	vmul.f32 v9, v9;
	v10 =	vmul.f32 v10, v10  }
0x4b: {  	v38 =	vld [tilespmem:s26+$0xFFFFFCE0];
	v37 =	vsub.f32 v21, v57;
	v26 =	vmul.f32 v2, v2;
	v11 =	vmul.f32 v46, v46  }
0x4c: {  	v43 =	vld [tilespmem:s26+$0xFFFFFDA0];
	v42 =	vsub.f32 v31, v32;
	v13 =	vmul.f32 v13, v13;
	v14 =	vmul.f32 v14, v14  }
0x4d: {  	v22 =	vld [tilespmem:s26+$0xFFFFFC10];
	v2 =	vsub.f32 v3, v15;
	v16 =	vmul.f32 v16, v16;
	v51 =	vmul.f32 v24, v24  }
0x4e: {  	v3 =	vsub.f32 v3, v19;
	v17 =	vmul.f32 v17, v17;
	v18 =	vmul.f32 v18, v18  }
0x4f: {  	v59 =	vld [tilespmem:s26+$0xFFFFFF90];
	v15 =	vsub.f32 v20, v48;
	v60 =	vmul.f32 v56, v56;
	v24 =	vsub.f32 v21, v52  }
0x50: {  	v62 =	vld [tilespmem:s26+$0xFFFFFFD0];
	v63 =	vmul.f32 v61, v61;
	v19 =	vsub.f32 v21, v55;
	v46 =	vsub.f32 v31, v34  }
0x51: {  	v36 =	vld [tilespmem:s26+$0xFFFFFCA0];
	v30 =	vmul.f32 v30, v30;
	v48 =	vsub.f32 v31, v38;
	v55 =	vsub.f32 v31, v43  }
0x52: {  	v39 =	vld [tilespmem:s26+$0xFFFFFD20];
	v28 =	vmul.f32 v2, v2;
	v2 =	vsub.f32 v20, v22;
	v22 =	vmul.f32 v49, v49  }
0x53: {  	v40 =	vld [tilespmem:s26+$0xFFFFFD60];
	v6 =	vadd.f32 v51, v6;
	v15 =	vmul.f32 v15, v15;
	v10 =	vadd.f32 v60, v10  }
0x54: {  	v44 =	vld [tilespmem:s26+$0xFFFFFDE0];
	v3 =	vmul.f32 v3, v3;
	v11 =	vadd.f32 v63, v11;
	v13 =	vadd.f32 v30, v13  }
0x55: {  	v47 =	vld [tilespmem:s26+$0xFFFFFE20];
	v35 =	vmul.f32 v24, v24;
	v20 =	vsub.f32 v21, v59;
	v19 =	vmul.f32 v19, v19  }
0x56: {  	v53 =	vld [tilespmem:s26+$0xFFFFFEE0];
	v21 =	vsub.f32 v21, v62;
	v24 =	vsub.f32 v31, v36;
	v50 =	vmul.f32 v46, v46  }
0x57: {  	v27 =	vld [tilespmem:s28+$0xFFFFFFF0];
	v51 =	vsub.f32 v31, v39;
	v59 =	vmul.f32 v55, v55;
	v2 =	vmul.f32 v2, v2  }
0x58: {  	v32 =	vld [tilespmem:s26+$0xFFFFFC30];
	v5 =	vadd.f32 v22, v5;
	v9 =	vadd.f32 v15, v9;
	v15 =	vmul.f32 v33, v33  }
0x59: {  	v52 =	vld [tilespmem:s26+$0xFFFFFEA0];
	v14 =	vadd.f32 v35, v14;
	v20 =	vmul.f32 v20, v20;
	v16 =	vadd.f32 v19, v16  }
0x5a: {  	v56 =	vld [tilespmem:s26+$0xFFFFFF20];
	v41 =	vmul.f32 v21, v21;
	v10 =	vadd.f32 v59, v10;
	v4 =	vadd.f32 v2, v4  }
0x5b: {  	v38 =	vld [tilespmem:s26+$0xFFFFFCB0];
	v24 =	vmul.f32 v24, v24;
	v15 =	vadd.f32 v15, v28;
	v18 =	vadd.f32 v20, v18  }
0x5c: {  	v46 =	vld [tilespmem:s26+$0xFFFFFDB0];
	v2 =	vmul.f32 v12, v12;
	v3 =	vadd.f32 v41, v3;
	v28 =	vsub.f32 v31, v40  }
0x5d: {  	v35 =	vld [tilespmem:s26+$0xFFFFFC70];
	v12 =	vmul.f32 v58, v58;
	v5 =	vadd.f32 v50, v5;
	v6 =	vadd.f32 v24, v6  }
0x5e: {  	v45 =	vmul.f32 v42, v42;
	v20 =	vsub.f32 v31, v44;
	v24 =	vld [tilespmem:s28+$0xFFFFFFB0];
	v7 =	vadd.f32 v2, v7  }
0x5f: {  	v30 =	vld [tilespmem:s26+$0xFFFFFF70];
	v2 =	vmul.f32 v54, v54;
	v12 =	vadd.f32 v12, v26;
	v26 =	vmul.f32 v37, v37  }
0x60: {  	v50 =	vld [tilespmem:s26+$0xFFFFFE30];
	v4 =	vadd.f32 v45, v4;
	v57 =	vmul.f32 v28, v28;
	v61 =	vmul.f32 v20, v20  }
0x61: {  	v41 =	vld [tilespmem:s26+$0xFFFFFCF0];
	v8 =	vadd.f32 v2, v8;
	v17 =	vadd.f32 v26, v17  }
0x62: {  	v2 =	vld [tilespmem:s28+$0xFFFFFFE0];
	v9 =	vadd.f32 v57, v9;
	v12 =	vadd.f32 v61, v12  }
0x63: {  	v49 =	vld [tilespmem:s26+$0xFFFFFE60];
	v54 =	vmul.f32 v51, v51;
	v44 =	vsub.f32 v24, v32;
	v25 =	vsub.f32 v24, v35  }
0x64: {  	v60 =	vld [tilespmem:s26+$0xFFFFFFA0];
	v26 =	vmul.f32 v48, v48;
	v48 =	vsub.f32 v24, v38;
	v57 =	vsub.f32 v24, v46  }
0x65: {  	v58 =	vld [tilespmem:s26+$0xFFFFFF60];
	v28 =	vsub.f32 v27, v50;
	v46 =	vsub.f32 v27, v30  }
0x66: {  	v42 =	vld [tilespmem:s26+$0xFFFFFD30];
	v7 =	vadd.f32 v26, v7;
	v8 =	vadd.f32 v54, v8  }
0x67: {  	v26 =	vsub.f32 v24, v41;
	v22 =	vsub.f32 v2, v47  }
0x68: {  	v25 =	vmul.f32 v25, v25;
	v62 =	vsub.f32 v2, v49;
	v23 =	vsub.f32 v2, v52  }
0x69: {  	v45 =	vld [tilespmem:s26+$0xFFFFFD70];
	v51 =	vmul.f32 v48, v48;
	v63 =	vsub.f32 v2, v53;
	v34 =	vsub.f32 v2, v56  }
0x6a: {  	v54 =	vmul.f32 v26, v26;
	v40 =	vsub.f32 v2, v58;
	v21 =	vsub.f32 v2, v60  }
0x6b: {  	v47 =	vmul.f32 v44, v44;
	v52 =	vsub.f32 v24, v42;
	v5 =	vadd.f32 v25, v5  }
0x6c: {  	v49 =	vld [tilespmem:s26+$0xFFFFFDF0];
	v6 =	vadd.f32 v51, v6;
	v22 =	vmul.f32 v22, v22;
	v33 =	vmul.f32 v62, v62  }
0x6d: {  	v59 =	vadd.f32 v54, v7;
	v36 =	vmul.f32 v23, v23;
	v37 =	vmul.f32 v63, v63  }
0x6e: {  	v53 =	vld [tilespmem:s26+$0xFFFFFE70];
	v39 =	vmul.f32 v34, v34;
	v4 =	vadd.f32 v47, v4;
	v23 =	vsub.f32 v24, v45  }
0x6f: {  	v55 =	vld [tilespmem:s26+$0xFFFFFEB0];
	v43 =	vmul.f32 v40, v40;
	v11 =	vadd.f32 v22, v11;
	v13 =	vadd.f32 v33, v13  }
0x70: {  	v58 =	vld [tilespmem:s26+$0xFFFFFEF0];
	v56 =	vmul.f32 v52, v52;
	v14 =	vadd.f32 v36, v14;
	v15 =	vadd.f32 v37, v15;
	(xrf2) =	vadd.scan.msk.f32 $0xffff, v4  }
0x71: {  	v62 =	vld [tilespmem:s26+$0xFFFFFF30];
	v16 =	vadd.f32 v39, v16;
	v60 =	vmul.f32 v23, v23;
	v61 =	vsub.f32 v24, v49;
	(xrf2) =	vadd.scan.msk.f32 $0xffff, v5  }
0x72: {  	v35 =	vld [tilespmem:s26+$0xFFFFFFE0];
	v25 =	vmul.f32 v57, v57;
	v17 =	vadd.f32 v43, v17;
	v63 =	vadd.f32 v56, v8;
	(xrf2) =	vadd.scan.msk.f32 $0xffff, v6  }
0x73: {  	v33 =	vsub.f32 v27, v53;
	v31 =	vadd.f32 v60, v9;
	v32 =	vmul.f32 v61, v61;
	(xrf2) =	vadd.scan.msk.f32 $0xffff, v59  }
0x74: {  	v34 =	vld [tilespmem:s26+$0xFFFFFFB0];
	v8 =	vadd.f32 v25, v10;
	v36 =	vmul.f32 v28, v28;
	v37 =	vsub.f32 v27, v55;
	(xrf2) =	vadd.scan.msk.f32 $0xffff, v63  }
0x75: {  	v40 =	vsub.f32 v27, v58;
	v39 =	vmul.f32 v33, v33;
	v38 =	vadd.f32 v32, v12;
	(xrf2) =	vadd.scan.msk.f32 $0xffff, v31  }
0x76: {  	v44 =	vld [tilespmem:s26+$0xFFFFFFF0];
	v41 =	vadd.f32 v36, v11;
	v42 =	vmul.f32 v37, v37;
	v43 =	vsub.f32 v27, v62;
	(xrf2) =	vadd.scan.msk.f32 $0xffff, v8  }
0x77: {  	v2 =	vsub.f32 v2, v35;
	v45 =	vmul.f32 v40, v40;
	v7 =	vadd.f32 v39, v13;
	(xrf2) =	vadd.scan.msk.f32 $0xffff, v38  }
0x78: {  	v21 =	vmul.f32 v21, v21;
	v47 =	vadd.f32 v42, v14;
	v48 =	vmul.f32 v43, v43;
	(xrf2) =	vadd.scan.msk.f32 $0xffff, v41  }
0x79: {  	v51 =	vmul.f32 v46, v46;
	v49 =	vsub.f32 v27, v34;
	v50 =	vadd.f32 v45, v15;
	(xrf2) =	vadd.scan.msk.f32 $0xffff, v7  }
0x7a: {  	v2 =	vmul.f32 v2, v2;
	v52 =	vadd.f32 v21, v18;
	v53 =	vadd.f32 v48, v16;
	v55, _, _ =	vpop (xrf2);
	(xrf2) =	vadd.scan.msk.f32 $0xffff, v47  }
0x7b: {  	v57 =	vsub.f32 v27, v44;
	v56 =	vadd.f32 v51, v17;
	v54 =	vmul.f32 v49, v49;
	v58, _, _ =	vpop (xrf2);
	(xrf2) =	vadd.scan.msk.f32 $0xffff, v50  }
0x7c: {  	v2 =	vadd.f32 v2, v3;
	v60 =	vbroadcast v55, $0xF;
	v61 =	vbroadcast v58, $0xF;
	v62, _, _ =	vpop (xrf2);
	(xrf2) =	vadd.scan.msk.f32 $0xffff, v53  }
0x7d: {  	v3 =	vmul.f32 v57, v57;
	v59 =	vadd.f32 v54, v52;
	v63 =	vbroadcast v62, $0xF;
	v12, _, _ =	vpop (xrf2);
	(xrf2) =	vadd.scan.msk.f32 $0xffff, v56  }
0x7e: {  	v13 =	vsel vm0, v60, v61;
	v14 =	vbroadcast v12, $0xF;
	v15, _, _ =	vpop (xrf2)  }
0x7f: {  	v2 =	vadd.f32 v3, v2;
	(xrf2) =	vadd.scan.msk.f32 $0xffff, v59;
	v3 =	vsel vm1, v13, v63;
	v16 =	vbroadcast v15, $0xF;
	v17, _, _ =	vpop (xrf2)  }
0x80: {  	v3 =	vsel vm2, v3, v14;
	v5 =	vbroadcast v17, $0xF;
	v18, _, _ =	vpop (xrf2)  }
0x81: {  	v3 =	vsel vm3, v3, v16;
	v19 =	vbroadcast v18, $0xF;
	v20, _, _ =	vpop (xrf2)  }
0x82: {  	(xrf2) =	vadd.scan.msk.f32 $0xffff, v2;
	v2 =	vsel vm4, v3, v5;
	v3 =	vbroadcast v20, $0xF;
	v21, _, _ =	vpop (xrf2)  }
0x83: {  	v2 =	vsel vm5, v2, v19;
	v22 =	vbroadcast v21, $0xF;
	v23, _, _ =	vpop (xrf2)  }
0x84: {  	v2 =	vsel vm6, v2, v3;
	v3 =	vbroadcast v23, $0xF;
	v24, _, _ =	vpop (xrf2)  }
0x85: {  	v2 =	vsel vm7, v2, v22;
	v25 =	vbroadcast v24, $0xF;
	v26, _, _ =	vpop (xrf2)  }
0x86: {  	v2 =	vsel vm8, v2, v3;
	v3 =	vbroadcast v26, $0xF;
	v27, _, _ =	vpop (xrf2)  }
0x87: {  	v2 =	vsel vm9, v2, v25;
	v29, _, _ =	vpop (xrf2)  }
0x88: {  	v28 =	vbroadcast v27, $0xF;
	v2 =	vsel vm10, v2, v3;
	v3 =	vbroadcast v29, $0xF  }
0x89: {  	v30, _, _ =	vpop (xrf2)  }
0x8a: {  	v2 =	vsel vm11, v2, v28;
	v31 =	vbroadcast v30, $0xF  }
0x8b: {  	v2 =	vsel vm12, v2, v3  }
0x8c: {  	v2 =	vsel vm13, v2, v31;
	v3, _, _ =	vpop (xrf2)  }
0x8d: {  	v2 =	vsel vm14, v2, v3  }
0x8e: {  	v3 =	vmax.f32 v2, $9.999999960e-13  }
0x8f: {  	v32 =	vshrl.u32 v3, $0x1;
	v3 =	vmul.f32 $5.000000000e-01, v3  }
0x90: {  	v4 =	vsub.s32 $0x5F3759DF, v32  }
0x91: {  	v33 =	vmul.f32 v4, v3;
	_ =	sdelay $0x1  }
0x92: {  	v5 =	vmul.f32 v4, v33;
	_ =	sdelay $0x1  }
0x93: {  	v5 =	vsub.f32 $1.500000000e+00, v5;
	_ =	sdelay $0x1  }
0x94: {  	v4 =	vmul.f32 v4, v5;
	_ =	sdelay $0x1  }
0x95: {  	v3 =	vmul.f32 v4, v3;
	_ =	sdelay $0x1  }
0x96: {  	v3 =	vmul.f32 v3, v4;
	_ =	sdelay $0x1  }
0x97: {  	v3 =	vsub.f32 $1.500000000e+00, v3;
	_ =	sdelay $0x1  }
0x98: {  	v3 =	vmul.f32 v3, v4;
	_ =	sdelay $0x1  }
0x99: {  	v2 =	vmul.f32 v3, v2  }
0x9a: {  	s29 =	sshra.s32 s25, $0x2  }
0x9b: {  	[tilespmem:v1+s29+$0xFFFFFFF0 ss:$0x1] =	vst.idx.msk $0xffff, v2  }
0x9c: {  	v3 =	vld [tilespmem:s28+$0x0]  }
0x9d: {  	v34 =	vld [tilespmem:s28+$0x40]  }
0x9e: {  	v41 =	vld [tilespmem:s26+$0x0]  }
0x9f: {  	v42 =	vld [tilespmem:s26+$0x40]  }
0xa0: {  	v43 =	vld [tilespmem:s26+$0x80]  }
0xa1: {  	v44 =	vld [tilespmem:s26+$0xC0]  }
0xa2: {  	v45 =	vld [tilespmem:s26+$0x100]  }
0xa3: {  	v46 =	vld [tilespmem:s26+$0x140]  }
0xa4: {  	v47 =	vld [tilespmem:s26+$0x180]  }
0xa5: {  	v48 =	vld [tilespmem:s26+$0x1C0]  }
0xa6: {  	v49 =	vld [tilespmem:s26+$0x200]  }
0xa7: {  	v50 =	vld [tilespmem:s26+$0x240]  }
0xa8: {  	v51 =	vld [tilespmem:s26+$0x280]  }
0xa9: {  	v52 =	vld [tilespmem:s26+$0x2C0]  }
0xaa: {  	v53 =	vld [tilespmem:s26+$0x300]  }
0xab: {  	v54 =	vld [tilespmem:s26+$0x340]  }
0xac: {  	v55 =	vld [tilespmem:s26+$0x380]  }
0xad: {  	v56 =	vld [tilespmem:s26+$0x3C0]  }
0xae: {  	v57 =	vld [tilespmem:s28+$0x10]  }
0xaf: {  	v22 =	vld [tilespmem:s28+$0x50]  }
0xb0: {  	v58 =	vld [tilespmem:s26+$0x10]  }
0xb1: {  	v59 =	vld [tilespmem:s26+$0x50];
	v5 =	vsub.f32 v3, v41  }
0xb2: {  	v60 =	vld [tilespmem:s26+$0x90];
	v6 =	vsub.f32 v3, v42;
	v7 =	vsub.f32 v3, v43  }
0xb3: {  	v61 =	vld [tilespmem:s26+$0xD0];
	v8 =	vsub.f32 v3, v44;
	v9 =	vsub.f32 v3, v45  }
0xb4: {  	v62 =	vld [tilespmem:s26+$0x110];
	v10 =	vsub.f32 v3, v46;
	v11 =	vsub.f32 v3, v47  }
0xb5: {  	v35 =	vld [tilespmem:s26+$0x150];
	v3 =	vsub.f32 v3, v48;
	v13 =	vsub.f32 v34, v49  }
0xb6: {  	v36 =	vld [tilespmem:s26+$0x190];
	v14 =	vsub.f32 v34, v50;
	v16 =	vsub.f32 v34, v52  }
0xb7: {  	v39 =	vld [tilespmem:s26+$0x1D0];
	v38 =	vsub.f32 v57, v58;
	v18 =	vsub.f32 v34, v54  }
0xb8: {  	v40 =	vld [tilespmem:s26+$0x210];
	v24 =	vsub.f32 v57, v59;
	v19 =	vsub.f32 v34, v55  }
0xb9: {  	v28 =	vld [tilespmem:s28+$0x70];
	v25 =	vsub.f32 v57, v60;
	v4 =	vsub.f32 v34, v56;
	v5 =	vmul.f32 v5, v5  }
0xba: {  	v41 =	vld [tilespmem:s26+$0x250];
	v12 =	vsub.f32 v57, v61;
	v6 =	vmul.f32 v6, v6;
	v7 =	vmul.f32 v7, v7  }
0xbb: {  	v43 =	vld [tilespmem:s26+$0x290];
	v45 =	vsub.f32 v57, v62;
	v8 =	vmul.f32 v8, v8;
	v9 =	vmul.f32 v9, v9  }
0xbc: {  	v46 =	vld [tilespmem:s26+$0x2D0];
	v15 =	vsub.f32 v57, v35;
	v10 =	vmul.f32 v10, v10;
	v11 =	vmul.f32 v11, v11  }
0xbd: {  	v47 =	vld [tilespmem:s26+$0x310];
	v49 =	vsub.f32 v57, v36;
	v63 =	vmul.f32 v3, v3;
	v13 =	vmul.f32 v13, v13  }
0xbe: {  	v50 =	vld [tilespmem:s26+$0x350];
	v3 =	vsub.f32 v34, v51;
	v17 =	vmul.f32 v38, v38;
	v42 =	vmul.f32 v24, v24  }
0xbf: {  	v54 =	vld [tilespmem:s26+$0x3D0];
	v55 =	vsub.f32 v22, v40;
	v44 =	vmul.f32 v25, v25;
	v12 =	vmul.f32 v12, v12  }
0xc0: {  	v56 =	vld [tilespmem:s28+$0x20];
	v48 =	vmul.f32 v45, v45;
	v37 =	vmul.f32 v3, v3;
	v3 =	vsub.f32 v34, v53  }
0xc1: {  	v59 =	vld [tilespmem:s26+$0x20];
	v52 =	vmul.f32 v49, v49;
	v5 =	vadd.f32 v17, v5;
	v6 =	vadd.f32 v42, v6  }
0xc2: {  	v60 =	vld [tilespmem:s26+$0x60];
	v23 =	vmul.f32 v55, v55;
	v7 =	vadd.f32 v44, v7;
	v8 =	vadd.f32 v12, v8  }
0xc3: {  	v35 =	vld [tilespmem:s26+$0xE0];
	v14 =	vmul.f32 v14, v14;
	v9 =	vadd.f32 v48, v9;
	v53 =	vsub.f32 v57, v39  }
0xc4: {  	v36 =	vld [tilespmem:s26+$0x120];
	v16 =	vmul.f32 v16, v16;
	v11 =	vadd.f32 v52, v11;
	v13 =	vadd.f32 v23, v13  }
0xc5: {  	v51 =	vld [tilespmem:s26+$0x390];
	v18 =	vmul.f32 v18, v18;
	v58 =	vsub.f32 v22, v41;
	v24 =	vsub.f32 v22, v43  }
0xc6: {  	v19 =	vmul.f32 v19, v19;
	v45 =	vld [tilespmem:s26+$0x260];
	v26 =	vsub.f32 v22, v46;
	v20 =	vsub.f32 v22, v47  }
0xc7: {  	v4 =	vmul.f32 v4, v4;
	v55 =	vld [tilespmem:s26+$0x360];
	v34 =	vsub.f32 v22, v50;
	v21 =	vsub.f32 v22, v54  }
0xc8: {  	v39 =	vld [tilespmem:s26+$0x1A0];
	v38 =	vsub.f32 v56, v59;
	v32 =	vmul.f32 v3, v3;
	v3 =	vmul.f32 v15, v15  }
0xc9: {  	v42 =	vld [tilespmem:s26+$0x220];
	v40 =	vsub.f32 v56, v60;
	v57 =	vmul.f32 v53, v53;
	v17 =	vmul.f32 v58, v58  }
0xca: {  	v52 =	vld [tilespmem:s26+$0x320];
	v44 =	vsub.f32 v56, v35;
	v61 =	vmul.f32 v24, v24;
	v62 =	vmul.f32 v26, v26  }
0xcb: {  	v41 =	vld [tilespmem:s26+$0x1E0];
	v49 =	vsub.f32 v56, v36;
	v33 =	vmul.f32 v20, v20;
	v20 =	vmul.f32 v34, v34  }
0xcc: {  	v47 =	vld [tilespmem:s26+$0x2A0];
	v12 =	vsub.f32 v22, v51;
	v21 =	vmul.f32 v21, v21;
	v10 =	vadd.f32 v3, v10  }
0xcd: {  	v50 =	vld [tilespmem:s26+$0x2E0];
	v22 =	vmul.f32 v38, v38;
	v15 =	vadd.f32 v57, v63;
	v14 =	vadd.f32 v17, v14  }
0xce: {  	v53 =	vmul.f32 v49, v49;
	v49 =	vld [tilespmem:s26+$0x270];
	v23 =	vadd.f32 v61, v37;
	v16 =	vadd.f32 v62, v16  }
0xcf: {  	v43 =	vmul.f32 v40, v40;
	v63 =	vld [tilespmem:s26+$0xA0];
	v17 =	vadd.f32 v33, v32;
	v18 =	vadd.f32 v20, v18  }
0xd0: {  	v48 =	vmul.f32 v44, v44;
	v3 =	vld [tilespmem:s28+$0x60];
	v4 =	vadd.f32 v21, v4;
	v5 =	vadd.f32 v22, v5  }
0xd1: {  	v36 =	vld [tilespmem:s26+$0xF0];
	v12 =	vmul.f32 v12, v12;
	v6 =	vadd.f32 v43, v6;
	v54 =	vsub.f32 v56, v39  }
0xd2: {  	v57 =	vld [tilespmem:s28+$0x30];
	v8 =	vadd.f32 v48, v8;
	v9 =	vadd.f32 v53, v9  }
0xd3: {  	v37 =	vld [tilespmem:s26+$0x160];
	v25 =	vsub.f32 v56, v41;
	v12 =	vadd.f32 v12, v19;
	v58 =	vmul.f32 v54, v54  }
0xd4: {  	v62 =	vld [tilespmem:s26+$0x30];
	v24 =	vsub.f32 v28, v49;
	v26 =	vsub.f32 v56, v63  }
0xd5: {  	v32 =	vld [tilespmem:s26+$0x70];
	v59 =	vsub.f32 v3, v45;
	v11 =	vadd.f32 v58, v11  }
0xd6: {  	v39 =	vld [tilespmem:s26+$0x130];
	v31 =	vsub.f32 v3, v47;
	v35 =	vsub.f32 v3, v50  }
0xd7: {  	v41 =	vld [tilespmem:s26+$0x170];
	v60 =	vmul.f32 v25, v25;
	v38 =	vsub.f32 v3, v55;
	v47 =	vsub.f32 v57, v36  }
0xd8: {  	v51 =	vsub.f32 v56, v37;
	v56 =	vsub.f32 v3, v42  }
0xd9: {  	v15 =	vadd.f32 v60, v15;
	v37 =	vsub.f32 v3, v52  }
0xda: {  	v44 =	vld [tilespmem:s26+$0x1F0];
	v40 =	vsub.f32 v57, v62;
	v22 =	vsub.f32 v57, v32;
	v46 =	vmul.f32 v26, v26  }
0xdb: {  	v53 =	vld [tilespmem:s26+$0x2B0];
	v48 =	vsub.f32 v57, v39;
	v63 =	vmul.f32 v59, v59;
	v34 =	vmul.f32 v31, v31  }
0xdc: {  	v33 =	vld [tilespmem:s26+$0xB0];
	v20 =	vmul.f32 v35, v35;
	v21 =	vmul.f32 v51, v51;
	v51 =	vsub.f32 v57, v41  }
0xdd: {  	v26 =	vmul.f32 v38, v38;
	v7 =	vadd.f32 v46, v7;
	v14 =	vadd.f32 v63, v14  }
0xde: {  	v45 =	vld [tilespmem:s26+$0x230];
	v61 =	vmul.f32 v56, v56;
	v19 =	vadd.f32 v34, v23;
	v16 =	vadd.f32 v20, v16  }
0xdf: {  	v50 =	vld [tilespmem:s26+$0x3A0];
	v25 =	vmul.f32 v37, v37;
	v18 =	vadd.f32 v26, v18;
	v23 =	vsub.f32 v57, v44  }
0xe0: {  	v42 =	vld [tilespmem:s26+$0x1B0];
	v43 =	vmul.f32 v40, v40;
	v63 =	vsub.f32 v28, v53;
	v10 =	vadd.f32 v21, v10  }
0xe1: {  	v22 =	vmul.f32 v22, v22;
	v13 =	vadd.f32 v61, v13;
	v21 =	vsub.f32 v57, v33  }
0xe2: {  	v62 =	vmul.f32 v24, v24;
	v17 =	vadd.f32 v25, v17;
	v5 =	vadd.f32 v43, v5  }
0xe3: {  	v55 =	vld [tilespmem:s26+$0x2F0];
	v6 =	vadd.f32 v22, v6;
	v22 =	vmul.f32 v48, v48;
	v46 =	vmul.f32 v21, v21  }
0xe4: {  	v25 =	vsub.f32 v28, v45;
	v24 =	vsub.f32 v3, v50;
	v21 =	vmul.f32 v47, v47  }
0xe5: {  	v54 =	vmul.f32 v51, v51;
	v61 =	vld [tilespmem:s26+$0x3E0];
	v52 =	vsub.f32 v57, v42;
	(xrf2) =	vadd.scan.msk.f32 $0xffff, v5;
	v7 =	vadd.f32 v46, v7  }
0xe6: {  	v23 =	vmul.f32 v23, v23;
	v57 =	vld [tilespmem:s26+$0x330];
	v14 =	vadd.f32 v62, v14;
	(xrf2) =	vadd.scan.msk.f32 $0xffff, v6;
	v8 =	vadd.f32 v21, v8  }
0xe7: {  	v59 =	vld [tilespmem:s26+$0x370];
	v9 =	vadd.f32 v22, v9;
	v10 =	vadd.f32 v54, v10;
	v56 =	vmul.f32 v52, v52;
	(xrf2) =	vadd.scan.msk.f32 $0xffff, v7  }
0xe8: {  	v60 =	vld [tilespmem:s26+$0x3B0];
	v58 =	vmul.f32 v25, v25;
	v5 =	vsub.f32 v28, v55;
	v25 =	vmul.f32 v63, v63;
	(xrf2) =	vadd.scan.msk.f32 $0xffff, v8  }
0xe9: {  	v26 =	vld [tilespmem:s26+$0x3F0];
	v15 =	vadd.f32 v23, v15;
	v11 =	vadd.f32 v56, v11;
	(xrf2) =	vadd.scan.msk.f32 $0xffff, v9  }
0xea: {  	v13 =	vadd.f32 v58, v13;
	v5 =	vmul.f32 v5, v5;
	v27 =	vadd.f32 v25, v19;
	(xrf2) =	vadd.scan.msk.f32 $0xffff, v10  }
0xeb: {  	v3 =	vsub.f32 v3, v61;
	v6 =	vsub.f32 v28, v57;
	(xrf2) =	vadd.scan.msk.f32 $0xffff, v11  }
0xec: {  	v7 =	vsub.f32 v28, v59;
	v5 =	vadd.f32 v5, v16;
	(xrf2) =	vadd.scan.msk.f32 $0xffff, v15  }
0xed: {  	v8 =	vsub.f32 v28, v60;
	v6 =	vmul.f32 v6, v6;
	v10 =	vmul.f32 v24, v24;
	(xrf2) =	vadd.scan.msk.f32 $0xffff, v13  }
0xee: {  	v3 =	vmul.f32 v3, v3;
	v7 =	vmul.f32 v7, v7;
	v11 =	vsub.f32 v28, v26;
	(xrf2) =	vadd.scan.msk.f32 $0xffff, v14  }
0xef: {  	v8 =	vmul.f32 v8, v8;
	v6 =	vadd.f32 v6, v17;
	v29 =	vadd.f32 v10, v12;
	v30, _, _ =	vpop (xrf2);
	(xrf2) =	vadd.scan.msk.f32 $0xffff, v27  }
0xf0: {  	v3 =	vadd.f32 v3, v4;
	v7 =	vadd.f32 v7, v18;
	v36 =	vmul.f32 v11, v11;
	v31, _, _ =	vpop (xrf2);
	(xrf2) =	vadd.scan.msk.f32 $0xffff, v5  }
0xf1: {  	v32 =	vadd.f32 v8, v29;
	v33 =	vbroadcast v30, $0xF;
	v34 =	vbroadcast v31, $0xF;
	v35, _, _ =	vpop (xrf2);
	(xrf2) =	vadd.scan.msk.f32 $0xffff, v6  }
0xf2: {  	v37 =	vbroadcast v35, $0xF;
	v38, _, _ =	vpop (xrf2);
	(xrf2) =	vadd.scan.msk.f32 $0xffff, v7  }
0xf3: {  	v3 =	vadd.f32 v36, v3;
	v39 =	vsel vm0, v33, v34;
	v40 =	vbroadcast v38, $0xF;
	v41, _, _ =	vpop (xrf2);
	(xrf2) =	vadd.scan.msk.f32 $0xffff, v32  }
0xf4: {  	v42, _, _ =	vpop (xrf2);
	v43 =	vsel vm1, v39, v37;
	v44 =	vbroadcast v41, $0xF  }
0xf5: {  	v45, _, _ =	vpop (xrf2);
	v4 =	vsel vm2, v43, v40;
	v5 =	vbroadcast v42, $0xF  }
0xf6: {  	(xrf2) =	vadd.scan.msk.f32 $0xffff, v3;
	v4 =	vsel vm3, v4, v44;
	v46 =	vbroadcast v45, $0xF;
	v47, _, _ =	vpop (xrf2)  }
0xf7: {  	v3, _, _ =	vpop (xrf2);
	v4 =	vsel vm4, v4, v5;
	v48 =	vbroadcast v47, $0xF  }
0xf8: {  	v49, _, _ =	vpop (xrf2);
	v4 =	vsel vm5, v4, v46;
	v3 =	vbroadcast v3, $0xF  }
0xf9: {  	v50, _, _ =	vpop (xrf2);
	v4 =	vsel vm6, v4, v48;
	v51 =	vbroadcast v49, $0xF  }
0xfa: {  	v52, _, _ =	vpop (xrf2);
	v3 =	vsel vm7, v4, v3;
	v53 =	vbroadcast v50, $0xF  }
0xfb: {  	v54, _, _ =	vpop (xrf2);
	v3 =	vsel vm8, v3, v51;
	v55 =	vbroadcast v52, $0xF  }
0xfc: {  	v56, _, _ =	vpop (xrf2);
	v3 =	vsel vm9, v3, v53;
	v57 =	vbroadcast v54, $0xF  }
0xfd: {  	v58, _, _ =	vpop (xrf2);
	v3 =	vsel vm10, v3, v55;
	v59 =	vbroadcast v56, $0xF  }
0xfe: {  	v3 =	vsel vm11, v3, v57;
	v60 =	vbroadcast v58, $0xF  }
0xff: {  	v3 =	vsel vm12, v3, v59  }
0x100: {  	v61, _, _ =	vpop (xrf2);
	v3 =	vsel vm13, v3, v60  }
0x101: {  	v3 =	vsel vm14, v3, v61  }
0x102: {  	v4 =	vmax.f32 v3, $9.999999960e-13  }
0x103: {  	v62 =	vshrl.u32 v4, $0x1;
	v4 =	vmul.f32 $5.000000000e-01, v4  }
0x104: {  	v5 =	vsub.s32 $0x5F3759DF, v62  }
0x105: {  	v63 =	vmul.f32 v5, v4;
	_ =	sdelay $0x1  }
0x106: {  	v6 =	vmul.f32 v5, v63;
	_ =	sdelay $0x1  }
0x107: {  	v6 =	vsub.f32 $1.500000000e+00, v6;
	_ =	sdelay $0x1  }
0x108: {  	v5 =	vmul.f32 v5, v6;
	_ =	sdelay $0x1  }
0x109: {  	v4 =	vmul.f32 v5, v4;
	_ =	sdelay $0x1  }
0x10a: {  	v4 =	vmul.f32 v4, v5;
	_ =	sdelay $0x1  }
0x10b: {  	v4 =	vsub.f32 $1.500000000e+00, v4  }
0x10c: {  	p0 =	sne.s32 s25, $0x180  }
.Ltmp2:
0x10d: {  	v4 =	vmul.f32 v4, v5;
	(pc) =	sbr.rel @p0 .LBB2_3-.Ltmp2, $3  }
0x10e: {  	_ = 	snop  }
0x10f: {  	v0 =	vadd.f32 v2, v0;
	v2 =	vmul.f32 v4, v3;
	_ =	sdelay $0x1  }
0x110: {  	s25 =	sadd.s32 $0x80, s25;
	s28 =	sadd.s32 $0x100, s28;
	s26 =	sadd.s32 $0x800, s26;
	[tilespmem:v1+s29+$0x0 ss:$0x1] =	vst.idx.msk $0xffff, v2;
	v0 =	vadd.f32 v2, v0  }
0x111: {  	p0 =	seq.s32 s23, $0xF  }
0x112: {  	s25 =	sshrl.u32 @!p0 s24, $0x2  }
0x113: {  	s26 =	simm.s32 @!p0 $0x80;
	s28 =	simm.s32 @!p0 $0x9000;
	s25 =	sadd.s32 @!p0 $0x100, s25  }
0x114: {  	[tilespmem:s28], [sflag:$0x1] =	stream.indirect.gather @!p0 [hbm4b:s3+s26], $0x40, s25, s26, $0xb8;
	[tilespmem:$0xE010] =	vst v63  }
0x115: {  	_ =	swait.ge [sflag:s15], $0x2000  }
0x116: {  	s25 =	simm.s32 $0x0;
	[sflag:s15] =	ssyncset.done $0x0  }
0x117: {  	v1 =	vmov s21;
	s26 =	simm.s32 $0xB400;
	s28 =	smov.u32 s22;
	[sflag:s15] =	ssyncadd.s32 $0xFFFFE000  }
.LBB2_5:
0x118: {  	v2 =	vld [tilespmem:s28+$0xFFFFFF10]  }
0x119: {  	v3 =	vld [tilespmem:s28+$0xFFFFFF50]  }
0x11a: {  	v4 =	vld [tilespmem:s26+$0xFFFFFC00]  }
0x11b: {  	v5 =	vld [tilespmem:s26+$0xFFFFFC40]  }
0x11c: {  	v6 =	vld [tilespmem:s26+$0xFFFFFC80]  }
0x11d: {  	v7 =	vld [tilespmem:s26+$0xFFFFFCC0]  }
0x11e: {  	v8 =	vld [tilespmem:s26+$0xFFFFFD00]  }
0x11f: {  	v9 =	vld [tilespmem:s26+$0xFFFFFD40]  }
0x120: {  	v10 =	vld [tilespmem:s26+$0xFFFFFD80]  }
0x121: {  	v11 =	vld [tilespmem:s26+$0xFFFFFDC0]  }
0x122: {  	v12 =	vld [tilespmem:s26+$0xFFFFFE00]  }
0x123: {  	v13 =	vld [tilespmem:s26+$0xFFFFFE40]  }
0x124: {  	v14 =	vld [tilespmem:s26+$0xFFFFFE80]  }
0x125: {  	v15 =	vld [tilespmem:s26+$0xFFFFFEC0]  }
0x126: {  	v16 =	vld [tilespmem:s26+$0xFFFFFF00]  }
0x127: {  	v17 =	vld [tilespmem:s26+$0xFFFFFF40]  }
0x128: {  	v18 =	vld [tilespmem:s26+$0xFFFFFF80]  }
0x129: {  	v19 =	vld [tilespmem:s26+$0xFFFFFFC0]  }
0x12a: {  	v20 =	vld [tilespmem:s28+$0xFFFFFF20]  }
0x12b: {  	v21 =	vld [tilespmem:s28+$0xFFFFFF60]  }
0x12c: {  	v23 =	vld [tilespmem:s26+$0xFFFFFC50]  }
0x12d: {  	v24 =	vld [tilespmem:s26+$0xFFFFFC90]  }
0x12e: {  	v47 =	vld [tilespmem:s26+$0xFFFFFCD0]  }
0x12f: {  	v25 =	vld [tilespmem:s26+$0xFFFFFD10];
	v4 =	vsub.f32 v2, v4;
	v5 =	vsub.f32 v2, v5  }
0x130: {  	v48 =	vld [tilespmem:s26+$0xFFFFFD50];
	v6 =	vsub.f32 v2, v6;
	v7 =	vsub.f32 v2, v7  }
0x131: {  	v27 =	vld [tilespmem:s26+$0xFFFFFD90];
	v8 =	vsub.f32 v2, v8;
	v9 =	vsub.f32 v2, v9  }
0x132: {  	v50 =	vld [tilespmem:s26+$0xFFFFFDD0];
	v10 =	vsub.f32 v2, v10;
	v2 =	vsub.f32 v2, v11  }
0x133: {  	v29 =	vld [tilespmem:s26+$0xFFFFFE10];
	v46 =	vsub.f32 v3, v12;
	v13 =	vsub.f32 v3, v13  }
0x134: {  	v30 =	vld [tilespmem:s26+$0xFFFFFE50];
	v14 =	vsub.f32 v3, v14;
	v16 =	vsub.f32 v3, v16  }
0x135: {  	v53 =	vld [tilespmem:s26+$0xFFFFFED0];
	v49 =	vsub.f32 v20, v23;
	v17 =	vsub.f32 v3, v17  }
0x136: {  	v57 =	vld [tilespmem:s26+$0xFFFFFF50];
	v24 =	vsub.f32 v20, v24;
	v18 =	vsub.f32 v3, v18  }
0x137: {  	v31 =	vld [tilespmem:s28+$0xFFFFFF30];
	v12 =	vsub.f32 v20, v47;
	v54 =	vsub.f32 v20, v25  }
0x138: {  	v32 =	vld [tilespmem:s26+$0xFFFFFC20];
	v56 =	vsub.f32 v20, v27;
	v58 =	vsub.f32 v20, v50;
	v4 =	vmul.f32 v4, v4  }
0x139: {  	v52 =	vld [tilespmem:s26+$0xFFFFFE90];
	v61 =	vsub.f32 v21, v29;
	v5 =	vmul.f32 v5, v5;
	v6 =	vmul.f32 v6, v6  }
0x13a: {  	v55 =	vld [tilespmem:s26+$0xFFFFFF10];
	v30 =	vsub.f32 v21, v30;
	v7 =	vmul.f32 v7, v7;
	v8 =	vmul.f32 v8, v8  }
0x13b: {  	v34 =	vld [tilespmem:s26+$0xFFFFFC60];
	v33 =	vsub.f32 v21, v53;
	v9 =	vmul.f32 v9, v9;
	v10 =	vmul.f32 v10, v10  }
0x13c: {  	v38 =	vld [tilespmem:s26+$0xFFFFFCE0];
	v37 =	vsub.f32 v21, v57;
	v26 =	vmul.f32 v2, v2;
	v11 =	vmul.f32 v46, v46  }
0x13d: {  	v43 =	vld [tilespmem:s26+$0xFFFFFDA0];
	v42 =	vsub.f32 v31, v32;
	v13 =	vmul.f32 v13, v13;
	v14 =	vmul.f32 v14, v14  }
0x13e: {  	v22 =	vld [tilespmem:s26+$0xFFFFFC10];
	v2 =	vsub.f32 v3, v15;
	v16 =	vmul.f32 v16, v16;
	v51 =	vmul.f32 v24, v24  }
0x13f: {  	v3 =	vsub.f32 v3, v19;
	v17 =	vmul.f32 v17, v17;
	v18 =	vmul.f32 v18, v18  }
0x140: {  	v59 =	vld [tilespmem:s26+$0xFFFFFF90];
	v15 =	vsub.f32 v20, v48;
	v60 =	vmul.f32 v56, v56;
	v24 =	vsub.f32 v21, v52  }
0x141: {  	v62 =	vld [tilespmem:s26+$0xFFFFFFD0];
	v63 =	vmul.f32 v61, v61;
	v19 =	vsub.f32 v21, v55;
	v46 =	vsub.f32 v31, v34  }
0x142: {  	v36 =	vld [tilespmem:s26+$0xFFFFFCA0];
	v30 =	vmul.f32 v30, v30;
	v48 =	vsub.f32 v31, v38;
	v55 =	vsub.f32 v31, v43  }
0x143: {  	v39 =	vld [tilespmem:s26+$0xFFFFFD20];
	v28 =	vmul.f32 v2, v2;
	v2 =	vsub.f32 v20, v22;
	v22 =	vmul.f32 v49, v49  }
0x144: {  	v40 =	vld [tilespmem:s26+$0xFFFFFD60];
	v6 =	vadd.f32 v51, v6;
	v15 =	vmul.f32 v15, v15;
	v10 =	vadd.f32 v60, v10  }
0x145: {  	v44 =	vld [tilespmem:s26+$0xFFFFFDE0];
	v3 =	vmul.f32 v3, v3;
	v11 =	vadd.f32 v63, v11;
	v13 =	vadd.f32 v30, v13  }
0x146: {  	v47 =	vld [tilespmem:s26+$0xFFFFFE20];
	v35 =	vmul.f32 v24, v24;
	v20 =	vsub.f32 v21, v59;
	v19 =	vmul.f32 v19, v19  }
0x147: {  	v53 =	vld [tilespmem:s26+$0xFFFFFEE0];
	v21 =	vsub.f32 v21, v62;
	v24 =	vsub.f32 v31, v36;
	v50 =	vmul.f32 v46, v46  }
0x148: {  	v27 =	vld [tilespmem:s28+$0xFFFFFF80];
	v51 =	vsub.f32 v31, v39;
	v59 =	vmul.f32 v55, v55;
	v2 =	vmul.f32 v2, v2  }
0x149: {  	v32 =	vld [tilespmem:s26+$0xFFFFFC30];
	v5 =	vadd.f32 v22, v5;
	v9 =	vadd.f32 v15, v9;
	v15 =	vmul.f32 v33, v33  }
0x14a: {  	v52 =	vld [tilespmem:s26+$0xFFFFFEA0];
	v14 =	vadd.f32 v35, v14;
	v20 =	vmul.f32 v20, v20;
	v16 =	vadd.f32 v19, v16  }
0x14b: {  	v56 =	vld [tilespmem:s26+$0xFFFFFF20];
	v41 =	vmul.f32 v21, v21;
	v10 =	vadd.f32 v59, v10;
	v4 =	vadd.f32 v2, v4  }
0x14c: {  	v38 =	vld [tilespmem:s26+$0xFFFFFCB0];
	v24 =	vmul.f32 v24, v24;
	v15 =	vadd.f32 v15, v28;
	v18 =	vadd.f32 v20, v18  }
0x14d: {  	v46 =	vld [tilespmem:s26+$0xFFFFFDB0];
	v2 =	vmul.f32 v12, v12;
	v3 =	vadd.f32 v41, v3;
	v28 =	vsub.f32 v31, v40  }
0x14e: {  	v35 =	vld [tilespmem:s26+$0xFFFFFC70];
	v12 =	vmul.f32 v58, v58;
	v5 =	vadd.f32 v50, v5;
	v6 =	vadd.f32 v24, v6  }
0x14f: {  	v45 =	vmul.f32 v42, v42;
	v20 =	vsub.f32 v31, v44;
	v24 =	vld [tilespmem:s28+$0xFFFFFF40];
	v7 =	vadd.f32 v2, v7  }
0x150: {  	v30 =	vld [tilespmem:s26+$0xFFFFFF70];
	v2 =	vmul.f32 v54, v54;
	v12 =	vadd.f32 v12, v26;
	v26 =	vmul.f32 v37, v37  }
0x151: {  	v50 =	vld [tilespmem:s26+$0xFFFFFE30];
	v4 =	vadd.f32 v45, v4;
	v57 =	vmul.f32 v28, v28;
	v61 =	vmul.f32 v20, v20  }
0x152: {  	v41 =	vld [tilespmem:s26+$0xFFFFFCF0];
	v8 =	vadd.f32 v2, v8;
	v17 =	vadd.f32 v26, v17  }
0x153: {  	v2 =	vld [tilespmem:s28+$0xFFFFFF70];
	v9 =	vadd.f32 v57, v9;
	v12 =	vadd.f32 v61, v12  }
0x154: {  	v49 =	vld [tilespmem:s26+$0xFFFFFE60];
	v54 =	vmul.f32 v51, v51;
	v44 =	vsub.f32 v24, v32;
	v25 =	vsub.f32 v24, v35  }
0x155: {  	v60 =	vld [tilespmem:s26+$0xFFFFFFA0];
	v26 =	vmul.f32 v48, v48;
	v48 =	vsub.f32 v24, v38;
	v57 =	vsub.f32 v24, v46  }
0x156: {  	v58 =	vld [tilespmem:s26+$0xFFFFFF60];
	v28 =	vsub.f32 v27, v50;
	v46 =	vsub.f32 v27, v30  }
0x157: {  	v42 =	vld [tilespmem:s26+$0xFFFFFD30];
	v7 =	vadd.f32 v26, v7;
	v8 =	vadd.f32 v54, v8  }
0x158: {  	v26 =	vsub.f32 v24, v41;
	v22 =	vsub.f32 v2, v47  }
0x159: {  	v25 =	vmul.f32 v25, v25;
	v62 =	vsub.f32 v2, v49;
	v23 =	vsub.f32 v2, v52  }
0x15a: {  	v45 =	vld [tilespmem:s26+$0xFFFFFD70];
	v51 =	vmul.f32 v48, v48;
	v63 =	vsub.f32 v2, v53;
	v34 =	vsub.f32 v2, v56  }
0x15b: {  	v54 =	vmul.f32 v26, v26;
	v40 =	vsub.f32 v2, v58;
	v21 =	vsub.f32 v2, v60  }
0x15c: {  	v47 =	vmul.f32 v44, v44;
	v52 =	vsub.f32 v24, v42;
	v5 =	vadd.f32 v25, v5  }
0x15d: {  	v49 =	vld [tilespmem:s26+$0xFFFFFDF0];
	v6 =	vadd.f32 v51, v6;
	v22 =	vmul.f32 v22, v22;
	v33 =	vmul.f32 v62, v62  }
0x15e: {  	v59 =	vadd.f32 v54, v7;
	v36 =	vmul.f32 v23, v23;
	v37 =	vmul.f32 v63, v63  }
0x15f: {  	v53 =	vld [tilespmem:s26+$0xFFFFFE70];
	v39 =	vmul.f32 v34, v34;
	v4 =	vadd.f32 v47, v4;
	v23 =	vsub.f32 v24, v45  }
0x160: {  	v55 =	vld [tilespmem:s26+$0xFFFFFEB0];
	v43 =	vmul.f32 v40, v40;
	v11 =	vadd.f32 v22, v11;
	v13 =	vadd.f32 v33, v13  }
0x161: {  	v58 =	vld [tilespmem:s26+$0xFFFFFEF0];
	v56 =	vmul.f32 v52, v52;
	v14 =	vadd.f32 v36, v14;
	v15 =	vadd.f32 v37, v15;
	(xrf2) =	vadd.scan.msk.f32 $0xffff, v4  }
0x162: {  	v62 =	vld [tilespmem:s26+$0xFFFFFF30];
	v16 =	vadd.f32 v39, v16;
	v60 =	vmul.f32 v23, v23;
	v61 =	vsub.f32 v24, v49;
	(xrf2) =	vadd.scan.msk.f32 $0xffff, v5  }
0x163: {  	v35 =	vld [tilespmem:s26+$0xFFFFFFE0];
	v25 =	vmul.f32 v57, v57;
	v17 =	vadd.f32 v43, v17;
	v63 =	vadd.f32 v56, v8;
	(xrf2) =	vadd.scan.msk.f32 $0xffff, v6  }
0x164: {  	v33 =	vsub.f32 v27, v53;
	v31 =	vadd.f32 v60, v9;
	v32 =	vmul.f32 v61, v61;
	(xrf2) =	vadd.scan.msk.f32 $0xffff, v59  }
0x165: {  	v34 =	vld [tilespmem:s26+$0xFFFFFFB0];
	v8 =	vadd.f32 v25, v10;
	v36 =	vmul.f32 v28, v28;
	v37 =	vsub.f32 v27, v55;
	(xrf2) =	vadd.scan.msk.f32 $0xffff, v63  }
0x166: {  	v40 =	vsub.f32 v27, v58;
	v39 =	vmul.f32 v33, v33;
	v38 =	vadd.f32 v32, v12;
	(xrf2) =	vadd.scan.msk.f32 $0xffff, v31  }
0x167: {  	v44 =	vld [tilespmem:s26+$0xFFFFFFF0];
	v41 =	vadd.f32 v36, v11;
	v42 =	vmul.f32 v37, v37;
	v43 =	vsub.f32 v27, v62;
	(xrf2) =	vadd.scan.msk.f32 $0xffff, v8  }
0x168: {  	v2 =	vsub.f32 v2, v35;
	v45 =	vmul.f32 v40, v40;
	v7 =	vadd.f32 v39, v13;
	(xrf2) =	vadd.scan.msk.f32 $0xffff, v38  }
0x169: {  	v21 =	vmul.f32 v21, v21;
	v47 =	vadd.f32 v42, v14;
	v48 =	vmul.f32 v43, v43;
	(xrf2) =	vadd.scan.msk.f32 $0xffff, v41  }
0x16a: {  	v51 =	vmul.f32 v46, v46;
	v49 =	vsub.f32 v27, v34;
	v50 =	vadd.f32 v45, v15;
	(xrf2) =	vadd.scan.msk.f32 $0xffff, v7  }
0x16b: {  	v2 =	vmul.f32 v2, v2;
	v52 =	vadd.f32 v21, v18;
	v53 =	vadd.f32 v48, v16;
	v55, _, _ =	vpop (xrf2);
	(xrf2) =	vadd.scan.msk.f32 $0xffff, v47  }
0x16c: {  	v57 =	vsub.f32 v27, v44;
	v56 =	vadd.f32 v51, v17;
	v54 =	vmul.f32 v49, v49;
	v58, _, _ =	vpop (xrf2);
	(xrf2) =	vadd.scan.msk.f32 $0xffff, v50  }
0x16d: {  	v2 =	vadd.f32 v2, v3;
	v60 =	vbroadcast v55, $0xF;
	v61 =	vbroadcast v58, $0xF;
	v62, _, _ =	vpop (xrf2);
	(xrf2) =	vadd.scan.msk.f32 $0xffff, v53  }
0x16e: {  	v3 =	vmul.f32 v57, v57;
	v59 =	vadd.f32 v54, v52;
	v63 =	vbroadcast v62, $0xF;
	v12, _, _ =	vpop (xrf2);
	(xrf2) =	vadd.scan.msk.f32 $0xffff, v56  }
0x16f: {  	v13 =	vsel vm0, v60, v61;
	v14 =	vbroadcast v12, $0xF;
	v15, _, _ =	vpop (xrf2)  }
0x170: {  	v2 =	vadd.f32 v3, v2;
	(xrf2) =	vadd.scan.msk.f32 $0xffff, v59;
	v3 =	vsel vm1, v13, v63;
	v16 =	vbroadcast v15, $0xF;
	v17, _, _ =	vpop (xrf2)  }
0x171: {  	v3 =	vsel vm2, v3, v14;
	v5 =	vbroadcast v17, $0xF;
	v18, _, _ =	vpop (xrf2)  }
0x172: {  	v3 =	vsel vm3, v3, v16;
	v19 =	vbroadcast v18, $0xF;
	v20, _, _ =	vpop (xrf2)  }
0x173: {  	(xrf2) =	vadd.scan.msk.f32 $0xffff, v2;
	v2 =	vsel vm4, v3, v5;
	v3 =	vbroadcast v20, $0xF;
	v21, _, _ =	vpop (xrf2)  }
0x174: {  	v2 =	vsel vm5, v2, v19;
	v22 =	vbroadcast v21, $0xF;
	v23, _, _ =	vpop (xrf2)  }
0x175: {  	v2 =	vsel vm6, v2, v3;
	v3 =	vbroadcast v23, $0xF;
	v24, _, _ =	vpop (xrf2)  }
0x176: {  	v2 =	vsel vm7, v2, v22;
	v25 =	vbroadcast v24, $0xF;
	v26, _, _ =	vpop (xrf2)  }
0x177: {  	v2 =	vsel vm8, v2, v3;
	v3 =	vbroadcast v26, $0xF;
	v27, _, _ =	vpop (xrf2)  }
0x178: {  	v2 =	vsel vm9, v2, v25;
	v29, _, _ =	vpop (xrf2)  }
0x179: {  	v28 =	vbroadcast v27, $0xF;
	v2 =	vsel vm10, v2, v3;
	v3 =	vbroadcast v29, $0xF  }
0x17a: {  	v30, _, _ =	vpop (xrf2)  }
0x17b: {  	v2 =	vsel vm11, v2, v28;
	v31 =	vbroadcast v30, $0xF  }
0x17c: {  	v2 =	vsel vm12, v2, v3  }
0x17d: {  	v2 =	vsel vm13, v2, v31;
	v3, _, _ =	vpop (xrf2)  }
0x17e: {  	v2 =	vsel vm14, v2, v3  }
0x17f: {  	v3 =	vmax.f32 v2, $9.999999960e-13  }
0x180: {  	v32 =	vshrl.u32 v3, $0x1;
	v3 =	vmul.f32 $5.000000000e-01, v3  }
0x181: {  	v4 =	vsub.s32 $0x5F3759DF, v32  }
0x182: {  	v33 =	vmul.f32 v4, v3;
	_ =	sdelay $0x1  }
0x183: {  	v5 =	vmul.f32 v4, v33;
	_ =	sdelay $0x1  }
0x184: {  	v5 =	vsub.f32 $1.500000000e+00, v5;
	_ =	sdelay $0x1  }
0x185: {  	v4 =	vmul.f32 v4, v5;
	_ =	sdelay $0x1  }
0x186: {  	v3 =	vmul.f32 v4, v3;
	_ =	sdelay $0x1  }
0x187: {  	v3 =	vmul.f32 v3, v4;
	_ =	sdelay $0x1  }
0x188: {  	v3 =	vsub.f32 $1.500000000e+00, v3;
	_ =	sdelay $0x1  }
0x189: {  	v3 =	vmul.f32 v3, v4;
	_ =	sdelay $0x1  }
0x18a: {  	v2 =	vmul.f32 v3, v2  }
0x18b: {  	s29 =	sshra.s32 s25, $0x2  }
0x18c: {  	[tilespmem:v1+s29+$0xFFFFFFF0 ss:$0x1] =	vst.idx.msk $0xffff, v2  }
0x18d: {  	v3 =	vld [tilespmem:s28+$0xFFFFFF90]  }
0x18e: {  	v34 =	vld [tilespmem:s28+$0xFFFFFFD0]  }
0x18f: {  	v41 =	vld [tilespmem:s26+$0x0]  }
0x190: {  	v42 =	vld [tilespmem:s26+$0x40]  }
0x191: {  	v43 =	vld [tilespmem:s26+$0x80]  }
0x192: {  	v44 =	vld [tilespmem:s26+$0xC0]  }
0x193: {  	v45 =	vld [tilespmem:s26+$0x100]  }
0x194: {  	v46 =	vld [tilespmem:s26+$0x140]  }
0x195: {  	v47 =	vld [tilespmem:s26+$0x180]  }
0x196: {  	v48 =	vld [tilespmem:s26+$0x1C0]  }
0x197: {  	v49 =	vld [tilespmem:s26+$0x200]  }
0x198: {  	v50 =	vld [tilespmem:s26+$0x240]  }
0x199: {  	v51 =	vld [tilespmem:s26+$0x280]  }
0x19a: {  	v52 =	vld [tilespmem:s26+$0x2C0]  }
0x19b: {  	v53 =	vld [tilespmem:s26+$0x300]  }
0x19c: {  	v54 =	vld [tilespmem:s26+$0x340]  }
0x19d: {  	v55 =	vld [tilespmem:s26+$0x380]  }
0x19e: {  	v56 =	vld [tilespmem:s26+$0x3C0]  }
0x19f: {  	v57 =	vld [tilespmem:s28+$0xFFFFFFA0]  }
0x1a0: {  	v22 =	vld [tilespmem:s28+$0xFFFFFFE0]  }
0x1a1: {  	v58 =	vld [tilespmem:s26+$0x10]  }
0x1a2: {  	v59 =	vld [tilespmem:s26+$0x50];
	v5 =	vsub.f32 v3, v41  }
0x1a3: {  	v60 =	vld [tilespmem:s26+$0x90];
	v6 =	vsub.f32 v3, v42;
	v7 =	vsub.f32 v3, v43  }
0x1a4: {  	v61 =	vld [tilespmem:s26+$0xD0];
	v8 =	vsub.f32 v3, v44;
	v9 =	vsub.f32 v3, v45  }
0x1a5: {  	v62 =	vld [tilespmem:s26+$0x110];
	v10 =	vsub.f32 v3, v46;
	v11 =	vsub.f32 v3, v47  }
0x1a6: {  	v35 =	vld [tilespmem:s26+$0x150];
	v3 =	vsub.f32 v3, v48;
	v13 =	vsub.f32 v34, v49  }
0x1a7: {  	v36 =	vld [tilespmem:s26+$0x190];
	v14 =	vsub.f32 v34, v50;
	v16 =	vsub.f32 v34, v52  }
0x1a8: {  	v39 =	vld [tilespmem:s26+$0x1D0];
	v38 =	vsub.f32 v57, v58;
	v18 =	vsub.f32 v34, v54  }
0x1a9: {  	v40 =	vld [tilespmem:s26+$0x210];
	v24 =	vsub.f32 v57, v59;
	v19 =	vsub.f32 v34, v55  }
0x1aa: {  	v28 =	vld [tilespmem:s28+$0x0];
	v25 =	vsub.f32 v57, v60;
	v4 =	vsub.f32 v34, v56;
	v5 =	vmul.f32 v5, v5  }
0x1ab: {  	v41 =	vld [tilespmem:s26+$0x250];
	v12 =	vsub.f32 v57, v61;
	v6 =	vmul.f32 v6, v6;
	v7 =	vmul.f32 v7, v7  }
0x1ac: {  	v43 =	vld [tilespmem:s26+$0x290];
	v45 =	vsub.f32 v57, v62;
	v8 =	vmul.f32 v8, v8;
	v9 =	vmul.f32 v9, v9  }
0x1ad: {  	v46 =	vld [tilespmem:s26+$0x2D0];
	v15 =	vsub.f32 v57, v35;
	v10 =	vmul.f32 v10, v10;
	v11 =	vmul.f32 v11, v11  }
0x1ae: {  	v47 =	vld [tilespmem:s26+$0x310];
	v49 =	vsub.f32 v57, v36;
	v63 =	vmul.f32 v3, v3;
	v13 =	vmul.f32 v13, v13  }
0x1af: {  	v50 =	vld [tilespmem:s26+$0x350];
	v3 =	vsub.f32 v34, v51;
	v17 =	vmul.f32 v38, v38;
	v42 =	vmul.f32 v24, v24  }
0x1b0: {  	v54 =	vld [tilespmem:s26+$0x3D0];
	v55 =	vsub.f32 v22, v40;
	v44 =	vmul.f32 v25, v25;
	v12 =	vmul.f32 v12, v12  }
0x1b1: {  	v56 =	vld [tilespmem:s28+$0xFFFFFFB0];
	v48 =	vmul.f32 v45, v45;
	v37 =	vmul.f32 v3, v3;
	v3 =	vsub.f32 v34, v53  }
0x1b2: {  	v59 =	vld [tilespmem:s26+$0x20];
	v52 =	vmul.f32 v49, v49;
	v5 =	vadd.f32 v17, v5;
	v6 =	vadd.f32 v42, v6  }
0x1b3: {  	v60 =	vld [tilespmem:s26+$0x60];
	v23 =	vmul.f32 v55, v55;
	v7 =	vadd.f32 v44, v7;
	v8 =	vadd.f32 v12, v8  }
0x1b4: {  	v35 =	vld [tilespmem:s26+$0xE0];
	v14 =	vmul.f32 v14, v14;
	v9 =	vadd.f32 v48, v9;
	v53 =	vsub.f32 v57, v39  }
0x1b5: {  	v36 =	vld [tilespmem:s26+$0x120];
	v16 =	vmul.f32 v16, v16;
	v11 =	vadd.f32 v52, v11;
	v13 =	vadd.f32 v23, v13  }
0x1b6: {  	v51 =	vld [tilespmem:s26+$0x390];
	v18 =	vmul.f32 v18, v18;
	v58 =	vsub.f32 v22, v41;
	v24 =	vsub.f32 v22, v43  }
0x1b7: {  	v19 =	vmul.f32 v19, v19;
	v45 =	vld [tilespmem:s26+$0x260];
	v26 =	vsub.f32 v22, v46;
	v20 =	vsub.f32 v22, v47  }
0x1b8: {  	v4 =	vmul.f32 v4, v4;
	v55 =	vld [tilespmem:s26+$0x360];
	v34 =	vsub.f32 v22, v50;
	v21 =	vsub.f32 v22, v54  }
0x1b9: {  	v39 =	vld [tilespmem:s26+$0x1A0];
	v38 =	vsub.f32 v56, v59;
	v32 =	vmul.f32 v3, v3;
	v3 =	vmul.f32 v15, v15  }
0x1ba: {  	v42 =	vld [tilespmem:s26+$0x220];
	v40 =	vsub.f32 v56, v60;
	v57 =	vmul.f32 v53, v53;
	v17 =	vmul.f32 v58, v58  }
0x1bb: {  	v52 =	vld [tilespmem:s26+$0x320];
	v44 =	vsub.f32 v56, v35;
	v61 =	vmul.f32 v24, v24;
	v62 =	vmul.f32 v26, v26  }
0x1bc: {  	v41 =	vld [tilespmem:s26+$0x1E0];
	v49 =	vsub.f32 v56, v36;
	v33 =	vmul.f32 v20, v20;
	v20 =	vmul.f32 v34, v34  }
0x1bd: {  	v47 =	vld [tilespmem:s26+$0x2A0];
	v12 =	vsub.f32 v22, v51;
	v21 =	vmul.f32 v21, v21;
	v10 =	vadd.f32 v3, v10  }
0x1be: {  	v50 =	vld [tilespmem:s26+$0x2E0];
	v22 =	vmul.f32 v38, v38;
	v15 =	vadd.f32 v57, v63;
	v14 =	vadd.f32 v17, v14  }
0x1bf: {  	v53 =	vmul.f32 v49, v49;
	v49 =	vld [tilespmem:s26+$0x270];
	v23 =	vadd.f32 v61, v37;
	v16 =	vadd.f32 v62, v16  }
0x1c0: {  	v43 =	vmul.f32 v40, v40;
	v63 =	vld [tilespmem:s26+$0xA0];
	v17 =	vadd.f32 v33, v32;
	v18 =	vadd.f32 v20, v18  }
0x1c1: {  	v48 =	vmul.f32 v44, v44;
	v3 =	vld [tilespmem:s28+$0xFFFFFFF0];
	v4 =	vadd.f32 v21, v4;
	v5 =	vadd.f32 v22, v5  }
0x1c2: {  	v36 =	vld [tilespmem:s26+$0xF0];
	v12 =	vmul.f32 v12, v12;
	v6 =	vadd.f32 v43, v6;
	v54 =	vsub.f32 v56, v39  }
0x1c3: {  	v57 =	vld [tilespmem:s28+$0xFFFFFFC0];
	v8 =	vadd.f32 v48, v8;
	v9 =	vadd.f32 v53, v9  }
0x1c4: {  	v37 =	vld [tilespmem:s26+$0x160];
	v25 =	vsub.f32 v56, v41;
	v12 =	vadd.f32 v12, v19;
	v58 =	vmul.f32 v54, v54  }
0x1c5: {  	v62 =	vld [tilespmem:s26+$0x30];
	v24 =	vsub.f32 v28, v49;
	v26 =	vsub.f32 v56, v63  }
0x1c6: {  	v32 =	vld [tilespmem:s26+$0x70];
	v59 =	vsub.f32 v3, v45;
	v11 =	vadd.f32 v58, v11  }
0x1c7: {  	v39 =	vld [tilespmem:s26+$0x130];
	v31 =	vsub.f32 v3, v47;
	v35 =	vsub.f32 v3, v50  }
0x1c8: {  	v41 =	vld [tilespmem:s26+$0x170];
	v60 =	vmul.f32 v25, v25;
	v38 =	vsub.f32 v3, v55;
	v47 =	vsub.f32 v57, v36  }
0x1c9: {  	v51 =	vsub.f32 v56, v37;
	v56 =	vsub.f32 v3, v42  }
0x1ca: {  	v15 =	vadd.f32 v60, v15;
	v37 =	vsub.f32 v3, v52  }
0x1cb: {  	v44 =	vld [tilespmem:s26+$0x1F0];
	v40 =	vsub.f32 v57, v62;
	v22 =	vsub.f32 v57, v32;
	v46 =	vmul.f32 v26, v26  }
0x1cc: {  	v53 =	vld [tilespmem:s26+$0x2B0];
	v48 =	vsub.f32 v57, v39;
	v63 =	vmul.f32 v59, v59;
	v34 =	vmul.f32 v31, v31  }
0x1cd: {  	v33 =	vld [tilespmem:s26+$0xB0];
	v20 =	vmul.f32 v35, v35;
	v21 =	vmul.f32 v51, v51;
	v51 =	vsub.f32 v57, v41  }
0x1ce: {  	v26 =	vmul.f32 v38, v38;
	v7 =	vadd.f32 v46, v7;
	v14 =	vadd.f32 v63, v14  }
0x1cf: {  	v45 =	vld [tilespmem:s26+$0x230];
	v61 =	vmul.f32 v56, v56;
	v19 =	vadd.f32 v34, v23;
	v16 =	vadd.f32 v20, v16  }
0x1d0: {  	v50 =	vld [tilespmem:s26+$0x3A0];
	v25 =	vmul.f32 v37, v37;
	v18 =	vadd.f32 v26, v18;
	v23 =	vsub.f32 v57, v44  }
0x1d1: {  	v42 =	vld [tilespmem:s26+$0x1B0];
	v43 =	vmul.f32 v40, v40;
	v63 =	vsub.f32 v28, v53;
	v10 =	vadd.f32 v21, v10  }
0x1d2: {  	v22 =	vmul.f32 v22, v22;
	v13 =	vadd.f32 v61, v13;
	v21 =	vsub.f32 v57, v33  }
0x1d3: {  	v62 =	vmul.f32 v24, v24;
	v17 =	vadd.f32 v25, v17;
	v5 =	vadd.f32 v43, v5  }
0x1d4: {  	v55 =	vld [tilespmem:s26+$0x2F0];
	v6 =	vadd.f32 v22, v6;
	v22 =	vmul.f32 v48, v48;
	v46 =	vmul.f32 v21, v21  }
0x1d5: {  	v25 =	vsub.f32 v28, v45;
	v24 =	vsub.f32 v3, v50;
	v21 =	vmul.f32 v47, v47  }
0x1d6: {  	v54 =	vmul.f32 v51, v51;
	v61 =	vld [tilespmem:s26+$0x3E0];
	v52 =	vsub.f32 v57, v42;
	(xrf2) =	vadd.scan.msk.f32 $0xffff, v5;
	v7 =	vadd.f32 v46, v7  }
0x1d7: {  	v23 =	vmul.f32 v23, v23;
	v57 =	vld [tilespmem:s26+$0x330];
	v14 =	vadd.f32 v62, v14;
	(xrf2) =	vadd.scan.msk.f32 $0xffff, v6;
	v8 =	vadd.f32 v21, v8  }
0x1d8: {  	v59 =	vld [tilespmem:s26+$0x370];
	v9 =	vadd.f32 v22, v9;
	v10 =	vadd.f32 v54, v10;
	v56 =	vmul.f32 v52, v52;
	(xrf2) =	vadd.scan.msk.f32 $0xffff, v7  }
0x1d9: {  	v60 =	vld [tilespmem:s26+$0x3B0];
	v58 =	vmul.f32 v25, v25;
	v5 =	vsub.f32 v28, v55;
	v25 =	vmul.f32 v63, v63;
	(xrf2) =	vadd.scan.msk.f32 $0xffff, v8  }
0x1da: {  	v26 =	vld [tilespmem:s26+$0x3F0];
	v15 =	vadd.f32 v23, v15;
	v11 =	vadd.f32 v56, v11;
	(xrf2) =	vadd.scan.msk.f32 $0xffff, v9  }
0x1db: {  	v13 =	vadd.f32 v58, v13;
	v5 =	vmul.f32 v5, v5;
	v27 =	vadd.f32 v25, v19;
	(xrf2) =	vadd.scan.msk.f32 $0xffff, v10  }
0x1dc: {  	v3 =	vsub.f32 v3, v61;
	v6 =	vsub.f32 v28, v57;
	(xrf2) =	vadd.scan.msk.f32 $0xffff, v11  }
0x1dd: {  	v7 =	vsub.f32 v28, v59;
	v5 =	vadd.f32 v5, v16;
	(xrf2) =	vadd.scan.msk.f32 $0xffff, v15  }
0x1de: {  	v8 =	vsub.f32 v28, v60;
	v6 =	vmul.f32 v6, v6;
	v10 =	vmul.f32 v24, v24;
	(xrf2) =	vadd.scan.msk.f32 $0xffff, v13  }
0x1df: {  	v3 =	vmul.f32 v3, v3;
	v7 =	vmul.f32 v7, v7;
	v11 =	vsub.f32 v28, v26;
	(xrf2) =	vadd.scan.msk.f32 $0xffff, v14  }
0x1e0: {  	v8 =	vmul.f32 v8, v8;
	v6 =	vadd.f32 v6, v17;
	v29 =	vadd.f32 v10, v12;
	v30, _, _ =	vpop (xrf2);
	(xrf2) =	vadd.scan.msk.f32 $0xffff, v27  }
0x1e1: {  	v3 =	vadd.f32 v3, v4;
	v7 =	vadd.f32 v7, v18;
	v36 =	vmul.f32 v11, v11;
	v31, _, _ =	vpop (xrf2);
	(xrf2) =	vadd.scan.msk.f32 $0xffff, v5  }
0x1e2: {  	v32 =	vadd.f32 v8, v29;
	v33 =	vbroadcast v30, $0xF;
	v34 =	vbroadcast v31, $0xF;
	v35, _, _ =	vpop (xrf2);
	(xrf2) =	vadd.scan.msk.f32 $0xffff, v6  }
0x1e3: {  	v37 =	vbroadcast v35, $0xF;
	v38, _, _ =	vpop (xrf2);
	(xrf2) =	vadd.scan.msk.f32 $0xffff, v7  }
0x1e4: {  	v3 =	vadd.f32 v36, v3;
	v39 =	vsel vm0, v33, v34;
	v40 =	vbroadcast v38, $0xF;
	v41, _, _ =	vpop (xrf2);
	(xrf2) =	vadd.scan.msk.f32 $0xffff, v32  }
0x1e5: {  	v42, _, _ =	vpop (xrf2);
	v43 =	vsel vm1, v39, v37;
	v44 =	vbroadcast v41, $0xF  }
0x1e6: {  	v45, _, _ =	vpop (xrf2);
	v4 =	vsel vm2, v43, v40;
	v5 =	vbroadcast v42, $0xF  }
0x1e7: {  	(xrf2) =	vadd.scan.msk.f32 $0xffff, v3;
	v4 =	vsel vm3, v4, v44;
	v46 =	vbroadcast v45, $0xF;
	v47, _, _ =	vpop (xrf2)  }
0x1e8: {  	v3, _, _ =	vpop (xrf2);
	v4 =	vsel vm4, v4, v5;
	v48 =	vbroadcast v47, $0xF  }
0x1e9: {  	v49, _, _ =	vpop (xrf2);
	v4 =	vsel vm5, v4, v46;
	v3 =	vbroadcast v3, $0xF  }
0x1ea: {  	v50, _, _ =	vpop (xrf2);
	v4 =	vsel vm6, v4, v48;
	v51 =	vbroadcast v49, $0xF  }
0x1eb: {  	v52, _, _ =	vpop (xrf2);
	v3 =	vsel vm7, v4, v3;
	v53 =	vbroadcast v50, $0xF  }
0x1ec: {  	v54, _, _ =	vpop (xrf2);
	v3 =	vsel vm8, v3, v51;
	v55 =	vbroadcast v52, $0xF  }
0x1ed: {  	v56, _, _ =	vpop (xrf2);
	v3 =	vsel vm9, v3, v53;
	v57 =	vbroadcast v54, $0xF  }
0x1ee: {  	v58, _, _ =	vpop (xrf2);
	v3 =	vsel vm10, v3, v55;
	v59 =	vbroadcast v56, $0xF  }
0x1ef: {  	v3 =	vsel vm11, v3, v57;
	v60 =	vbroadcast v58, $0xF  }
0x1f0: {  	v3 =	vsel vm12, v3, v59  }
0x1f1: {  	v61, _, _ =	vpop (xrf2);
	v3 =	vsel vm13, v3, v60  }
0x1f2: {  	v3 =	vsel vm14, v3, v61  }
0x1f3: {  	v4 =	vmax.f32 v3, $9.999999960e-13  }
0x1f4: {  	v62 =	vshrl.u32 v4, $0x1;
	v4 =	vmul.f32 $5.000000000e-01, v4  }
0x1f5: {  	v5 =	vsub.s32 $0x5F3759DF, v62  }
0x1f6: {  	v63 =	vmul.f32 v5, v4;
	_ =	sdelay $0x1  }
0x1f7: {  	v6 =	vmul.f32 v5, v63;
	_ =	sdelay $0x1  }
0x1f8: {  	v6 =	vsub.f32 $1.500000000e+00, v6;
	_ =	sdelay $0x1  }
0x1f9: {  	v5 =	vmul.f32 v5, v6;
	_ =	sdelay $0x1  }
0x1fa: {  	v4 =	vmul.f32 v5, v4;
	_ =	sdelay $0x1  }
0x1fb: {  	v4 =	vmul.f32 v4, v5;
	_ =	sdelay $0x1  }
0x1fc: {  	v4 =	vsub.f32 $1.500000000e+00, v4  }
0x1fd: {  	p1 =	sne.s32 s25, $0x180  }
.Ltmp3:
0x1fe: {  	v4 =	vmul.f32 v4, v5;
	(pc) =	sbr.rel @p1 .LBB2_5-.Ltmp3, $3  }
0x1ff: {  	_ = 	snop  }
0x200: {  	v0 =	vadd.f32 v2, v0;
	v2 =	vmul.f32 v4, v3;
	_ =	sdelay $0x1  }
0x201: {  	s25 =	sadd.s32 $0x80, s25;
	s28 =	sadd.s32 $0x100, s28;
	s26 =	sadd.s32 $0x800, s26;
	[tilespmem:v1+s29+$0x0 ss:$0x1] =	vst.idx.msk $0xffff, v2;
	v0 =	vadd.f32 v2, v0  }
.Ltmp4:
0x202: {  	(pc) =	sbr.rel @p0 .LBB2_8-.Ltmp4, $1  }
0x203: {  	_ =	sdelay $0x3  }
.Ltmp5:
0x204: {  	(pc) =	sbr.rel .LBB2_2-.Ltmp5, $4  }
0x205: {  	s24 =	sshrl.u32 s24, $0x2  }
0x206: {  	s23 =	sadd.s32 $0x1, s23;
	s19 =	sadd.s32 $0x100, s19;
	s20 =	sadd.s32 $0x800, s20  }
0x207: {  	s21 =	sadd.s32 $0x100, s21;
	s22 =	sadd.s32 $0x800, s22;
	s24 =	sadd.s32 $0x180, s24  }
0x208: {  	[tilespmem:s13], [sflag:$0x2] =	stream.indirect.gather [hbm4b:s3+s11], $0x40, s24, s11, $0xb8;
	[tilespmem:$0xE010] =	vst v63  }
.LBB2_9:
0x209: {  	_ =	sfence.sel $0x180000  }
0x20a: {  	[bflag:$0x0] =	sbarrier.arrive $0xFFFF  }
0x20b: {  	p0 =	sne.s32 s1, $0x0;
	_ =	strace $0x90000047  }
0x20c: {  	s0 =	sadd.s32 @!p0 $0x100000, s0;
	[bflag:$0x2] =	sbarrier.arrive $0xFFFF  }
0x20d: {  	[sflag:s0] =	ssyncadd.tile.s32 @!p0 $0x1;
	_ =	shalt  }
.Lfunc_end2:
_tile_overlayer_lowered:
.L_overlay_start_2:
0x20e: {  	(tag) =	ssettag $0x2  }
0x20f: {  	s0 =	rddreg [dreg:$0x0];
	s2 =	stileid.u32  }
0x210: {  	s1 =	rddreg [dreg:$0x1];
	p0 =	sne.s32 s2, $0x0  }
0x211: {  	s3 =	rddreg [dreg:$0x2];
	[bflag:$0x3] =	sbarrier.arrive $0xFFFF;
	s2 =	simm.s32 @!p0 $0x1C03  }
0x212: {  	[timem:s3], [sflag:s2] =	dma.local @!p0 [hbm:s0], s1  }
0x213: {  	s0 =	simm.s32 @!p0 $0x3  }
0x214: {  	_ =	swait.ge @!p0 [sflag:s0], s1  }
0x215: {  	s1 =	ssub.s32 @!p0 $0x0, s1;
	[sflag:s0] =	ssyncset.done @!p0 $0x0  }
0x216: {  	[sflag:s0] =	ssyncadd.s32 @!p0 s1  }
0x217: {  	[bflag:$0x3] =	sbarrier.arrive $0xFFFF  }
0x218: {  	_ =	shalt  }

</sc_bundles>
